<compile_context>
chip_gen: v7x
topology: tpu7x:2x2x1
jax: 0.10.2.dev20260603
libtpu: 0.0.44.dev20260713+nightly
codegen_flags: <defaults>
</compile_context>

<pallas_src>
import functools

import jax
import jax.numpy as jnp
from jax import lax
from jax.experimental import pallas as pl
from jax.experimental.pallas import tpu as pltpu
from jax.experimental.pallas import tpu_sc as plsc

NC = 2
NS = 16
NW = NC * NS
L = 16
B = 16384
D = 64
CH = B // NW
CW = 128
NCH = CH // CW
MARGIN = 1.0

_mesh = plsc.VectorSubcoreMesh(core_axis_name="c", subcore_axis_name="s")


@functools.partial(
    pl.kernel,
    mesh=_mesh,
    compiler_params=pltpu.CompilerParams(
        needs_layout_passes=False, use_tc_tiling_on_sc=False
    ),
    out_type=(
        jax.ShapeDtypeStruct((B,), jnp.float32),
        jax.ShapeDtypeStruct((B,), jnp.float32),
        jax.ShapeDtypeStruct((B,), jnp.float32),
    ),
    scratch_types=[
        pltpu.VMEM((NCH, CW), jnp.int32),
        pltpu.VMEM((NCH, CW), jnp.int32),
        pltpu.VMEM((NCH, CW), jnp.int32),
        pltpu.VMEM((NCH, CW, D), jnp.float32),
        pltpu.VMEM((NCH, CW, D), jnp.float32),
        pltpu.VMEM((NCH, CW, D), jnp.float32),
        pltpu.VMEM((CH * L,), jnp.float32),
        pltpu.VMEM((CH,), jnp.float32),
        pltpu.VMEM((CH,), jnp.float32),
        pltpu.VMEM((CH,), jnp.float32),
        pltpu.SemaphoreType.DMA,
    ],
)
def _trans_e_sc(ph, pr, pt, nh, nr, nt, ent, rel,
                loss_out, pos_out, neg_out,
                hidx, ridx, tidx, hrow, rrow, trow, psum,
                dpos, dneg, dloss, sem):
    wid = lax.axis_index("s") * NC + lax.axis_index("c")
    cbase = wid * NCH
    base = wid * CH

    def side(h_hbm, r_hbm, t_hbm, dout):
        pltpu.sync_copy(h_hbm.at[pl.ds(cbase, NCH)], hidx)
        pltpu.sync_copy(r_hbm.at[pl.ds(cbase, NCH)], ridx)
        pltpu.sync_copy(t_hbm.at[pl.ds(cbase, NCH)], tidx)
        copies = []
        for c in range(NCH):
            copies.append(pltpu.async_copy(ent.at[hidx.at[c]], hrow.at[c], sem))
            copies.append(pltpu.async_copy(rel.at[ridx.at[c]], rrow.at[c], sem))
            copies.append(pltpu.async_copy(ent.at[tidx.at[c]], trow.at[c], sem))
        for cp in copies:
            cp.wait()

        for c in range(NCH):
            def pass1(i, _, c=c):
                acc = jnp.zeros((L,), jnp.float32)
                for j in range(D // L):
                    h = hrow[c, i, pl.ds(j * L, L)]
                    r = rrow[c, i, pl.ds(j * L, L)]
                    t = trow[c, i, pl.ds(j * L, L)]
                    acc = acc + jnp.abs(h + r - t)
                psum[pl.ds((c * CW + i) * L, L)] = acc
                return 0

            lax.fori_loop(0, CW, pass1, 0)

        def pass2(g, _):
            rows = (g * L + lax.iota(jnp.int32, L)) * L
            acc = jnp.zeros((L,), jnp.float32)
            for j in range(L):
                acc = acc + plsc.load_gather(psum, [rows + j])
            dout[pl.ds(g * L, L)] = acc
            return 0

        lax.fori_loop(0, CH // L, pass2, 0)

    side(ph, pr, pt, dpos)
    side(nh, nr, nt, dneg)

    def loss_body(g, _):
        p = dpos[pl.ds(g * L, L)]
        n = dneg[pl.ds(g * L, L)]
        dloss[pl.ds(g * L, L)] = jnp.maximum(p - n + MARGIN, 0.0)
        return 0

    lax.fori_loop(0, CH // L, loss_body, 0)

    pltpu.sync_copy(dloss, loss_out.at[pl.ds(base, CH)])
    pltpu.sync_copy(dpos, pos_out.at[pl.ds(base, CH)])
    pltpu.sync_copy(dneg, neg_out.at[pl.ds(base, CH)])


def kernel(positive_triplets, negative_triplets, entities_emb, relations_emb):
    p32 = positive_triplets.astype(jnp.int32)
    n32 = negative_triplets.astype(jnp.int32)
    ph = p32[:, 0].reshape(B // CW, CW)
    pr = p32[:, 1].reshape(B // CW, CW)
    pt = p32[:, 2].reshape(B // CW, CW)
    nh = n32[:, 0].reshape(B // CW, CW)
    nr = n32[:, 1].reshape(B // CW, CW)
    nt = n32[:, 2].reshape(B // CW, CW)
    return _trans_e_sc(ph, pr, pt, nh, nr, nt, entities_emb, relations_emb)

# --- scband reference (transcript-rebuilt; emitter-appended) ---
"""Pipeline reference for scband-trans-e-14688788152411 (READ-ONLY COPY).

The authoritative reference and input builder live on the scoring server;
editing this copy changes nothing except your own understanding.
"""

import jax, jax.numpy as jnp
import numpy as np

NUM_ENTITIES = 1000000
NUM_RELATIONS = 1000
EMBED_DIM = 64
BATCH = 16384
MARGIN = 1.0


def setup_inputs(seed: int = 0) -> dict:
    key = jax.random.key(seed)
    k1, k2, k3, k4, k5, k6, k7, k8 = jax.random.split(key, 8)
    pos_h = jax.random.randint(k1, (BATCH,), 0, NUM_ENTITIES)
    pos_r = jax.random.randint(k2, (BATCH,), 0, NUM_RELATIONS)
    pos_t = jax.random.randint(k3, (BATCH,), 0, NUM_ENTITIES)
    neg_h = jax.random.randint(k4, (BATCH,), 0, NUM_ENTITIES)
    neg_r = jax.random.randint(k5, (BATCH,), 0, NUM_RELATIONS)
    neg_t = jax.random.randint(k6, (BATCH,), 0, NUM_ENTITIES)
    positive_triplets = jnp.stack([pos_h, pos_r, pos_t], axis=1)
    negative_triplets = jnp.stack([neg_h, neg_r, neg_t], axis=1)
    entities_emb = jax.random.normal(k7, (NUM_ENTITIES, EMBED_DIM), dtype=jnp.float32) * 0.1
    relations_emb = jax.random.normal(k8, (NUM_RELATIONS, EMBED_DIM), dtype=jnp.float32) * 0.1
    return {
        "positive_triplets": positive_triplets,
        "negative_triplets": negative_triplets,
        "entities_emb": entities_emb,
        "relations_emb": relations_emb,
    }


def reference(positive_triplets, negative_triplets, entities_emb, relations_emb):
    def _distance(triplets):
        heads = jnp.take(entities_emb, triplets[:, 0], axis=0)
        rels = jnp.take(relations_emb, triplets[:, 1], axis=0)
        tails = jnp.take(entities_emb, triplets[:, 2], axis=0)
        ds = heads + rels - tails
        # p=1 norm over embedding dim
        return jnp.sum(jnp.abs(ds), axis=1)

    positive_distances = _distance(positive_triplets)
    negative_distances = _distance(negative_triplets)
    # MarginRankingLoss(margin=1.0, reduction='none') with target = -1:
    # loss = max(0, -y*(x1 - x2) + margin) = max(0, (pos - neg) + margin)
    loss = jnp.maximum(0.0, (positive_distances - negative_distances) + MARGIN)
    return (loss, positive_distances, negative_distances)

if __name__ == "__main__":
    import jax
    _d = setup_inputs()
    print(jax.jit(kernel)(*tuple(_d.values())))

</pallas_src>

<mosaic_0001>
#map = affine_map<(d0, d1) -> (0, 0)>
#map1 = affine_map<(d0, d1) -> (0)>
module attributes {stable_mosaic.version = 14 : i64} {
  func.func @_trans_e_sc(%arg0: i32, %arg1: i32, %arg2: memref<128x128xi32, #tpu.memory_space<hbm>>, %arg3: memref<128x128xi32, #tpu.memory_space<hbm>>, %arg4: memref<128x128xi32, #tpu.memory_space<hbm>>, %arg5: memref<128x128xi32, #tpu.memory_space<hbm>>, %arg6: memref<128x128xi32, #tpu.memory_space<hbm>>, %arg7: memref<128x128xi32, #tpu.memory_space<hbm>>, %arg8: memref<1000000x64xf32, #tpu.memory_space<hbm>>, %arg9: memref<1000x64xf32, #tpu.memory_space<hbm>>, %arg10: memref<16384xf32, #tpu.memory_space<hbm>>, %arg11: memref<16384xf32, #tpu.memory_space<hbm>>, %arg12: memref<16384xf32, #tpu.memory_space<hbm>>, %arg13: memref<4x128xi32, #tpu.memory_space<vmem>>, %arg14: memref<4x128xi32, #tpu.memory_space<vmem>>, %arg15: memref<4x128xi32, #tpu.memory_space<vmem>>, %arg16: memref<4x128x64xf32, #tpu.memory_space<vmem>>, %arg17: memref<4x128x64xf32, #tpu.memory_space<vmem>>, %arg18: memref<4x128x64xf32, #tpu.memory_space<vmem>>, %arg19: memref<8192xf32, #tpu.memory_space<vmem>>, %arg20: memref<512xf32, #tpu.memory_space<vmem>>, %arg21: memref<512xf32, #tpu.memory_space<vmem>>, %arg22: memref<512xf32, #tpu.memory_space<vmem>>, %arg23: memref<!tpu.dma_semaphore, #tpu.memory_space<semaphore_mem>>) attributes {dimension_semantics = [#tpu.dimension_semantics<core_parallel>, #tpu.dimension_semantics<subcore_parallel>], iteration_bounds = array<i64: 2, 16>, scalar_prefetch = 0 : i64, scratch_operands = 11 : i64, tpu.core_type = #tpu.core_type<sc_vector_subcore>, window_params = [{transform_indices = #map}, {transform_indices = #map}, {transform_indices = #map}, {transform_indices = #map}, {transform_indices = #map}, {transform_indices = #map}, {transform_indices = #map}, {transform_indices = #map}, {transform_indices = #map1}, {transform_indices = #map1}, {transform_indices = #map1}]} {
    %mul3A = arith.constant 2 : i32
    %mul3A_0 = arith.muli %arg1, %mul3A : i32
    %add3A = arith.addi %mul3A_0, %arg0 : i32
    %mul3A_1 = arith.constant 4 : i32
    %mul3A_2 = arith.muli %add3A, %mul3A_1 : i32
    %mul3A_3 = arith.constant 512 : i32
    %mul3A_4 = arith.muli %add3A, %mul3A_3 : i32
    "tpu.region"() ({
      %run_scoped3A = tpu.sem_alloc : memref<!tpu.dma_semaphore, #tpu.memory_space<semaphore_mem>>
      %dma_start3A_655 = arith.constant 0 : i32
      %dma_start3A_656 = tpu.memref_slice %arg2[%mul3A_2, %dma_start3A_655] : memref<128x128xi32, #tpu.memory_space<hbm>> -> memref<4x128xi32, #tpu.memory_space<hbm>>
      %dma_start3A_657 = arith.constant 0 : i32
      %dma_start3A_658 = tpu.memref_slice %arg2[%mul3A_2, %dma_start3A_657] : memref<128x128xi32, #tpu.memory_space<hbm>> -> memref<4x128xi32, #tpu.memory_space<hbm>>
      tpu.enqueue_dma source(%dma_start3A_658 : memref<4x128xi32, #tpu.memory_space<hbm>>) target(%arg13 : memref<4x128xi32, #tpu.memory_space<vmem>>) target_semaphore(%run_scoped3A : memref<!tpu.dma_semaphore, #tpu.memory_space<semaphore_mem>>)
      %dma_wait3A_659 = arith.constant 0 : i32
      %dma_wait3A_660 = tpu.memref_slice %arg2[%mul3A_2, %dma_wait3A_659] : memref<128x128xi32, #tpu.memory_space<hbm>> -> memref<4x128xi32, #tpu.memory_space<hbm>>
      %dma_wait3A_661 = arith.constant 0 : i32
      %dma_wait3A_662 = tpu.memref_slice %arg2[%mul3A_2, %dma_wait3A_661] : memref<128x128xi32, #tpu.memory_space<hbm>> -> memref<4x128xi32, #tpu.memory_space<hbm>>
      tpu.wait_dma2 semaphore(%run_scoped3A : memref<!tpu.dma_semaphore, #tpu.memory_space<semaphore_mem>>) src(%dma_wait3A_662 : memref<4x128xi32, #tpu.memory_space<hbm>>) dst(%arg13 : memref<4x128xi32, #tpu.memory_space<vmem>>)
      tpu.yield
    }) : () -> ()
    "tpu.region"() ({
      %run_scoped3A = tpu.sem_alloc : memref<!tpu.dma_semaphore, #tpu.memory_space<semaphore_mem>>
      %dma_start3A_655 = arith.constant 0 : i32
      %dma_start3A_656 = tpu.memref_slice %arg3[%mul3A_2, %dma_start3A_655] : memref<128x128xi32, #tpu.memory_space<hbm>> -> memref<4x128xi32, #tpu.memory_space<hbm>>
      %dma_start3A_657 = arith.constant 0 : i32
      %dma_start3A_658 = tpu.memref_slice %arg3[%mul3A_2, %dma_start3A_657] : memref<128x128xi32, #tpu.memory_space<hbm>> -> memref<4x128xi32, #tpu.memory_space<hbm>>
      tpu.enqueue_dma source(%dma_start3A_658 : memref<4x128xi32, #tpu.memory_space<hbm>>) target(%arg14 : memref<4x128xi32, #tpu.memory_space<vmem>>) target_semaphore(%run_scoped3A : memref<!tpu.dma_semaphore, #tpu.memory_space<semaphore_mem>>)
      %dma_wait3A_659 = arith.constant 0 : i32
      %dma_wait3A_660 = tpu.memref_slice %arg3[%mul3A_2, %dma_wait3A_659] : memref<128x128xi32, #tpu.memory_space<hbm>> -> memref<4x128xi32, #tpu.memory_space<hbm>>
      %dma_wait3A_661 = arith.constant 0 : i32
      %dma_wait3A_662 = tpu.memref_slice %arg3[%mul3A_2, %dma_wait3A_661] : memref<128x128xi32, #tpu.memory_space<hbm>> -> memref<4x128xi32, #tpu.memory_space<hbm>>
      tpu.wait_dma2 semaphore(%run_scoped3A : memref<!tpu.dma_semaphore, #tpu.memory_space<semaphore_mem>>) src(%dma_wait3A_662 : memref<4x128xi32, #tpu.memory_space<hbm>>) dst(%arg14 : memref<4x128xi32, #tpu.memory_space<vmem>>)
      tpu.yield
    }) : () -> ()
    "tpu.region"() ({
      %run_scoped3A = tpu.sem_alloc : memref<!tpu.dma_semaphore, #tpu.memory_space<semaphore_mem>>
      %dma_start3A_655 = arith.constant 0 : i32
      %dma_start3A_656 = tpu.memref_slice %arg4[%mul3A_2, %dma_start3A_655] : memref<128x128xi32, #tpu.memory_space<hbm>> -> memref<4x128xi32, #tpu.memory_space<hbm>>
      %dma_start3A_657 = arith.constant 0 : i32
      %dma_start3A_658 = tpu.memref_slice %arg4[%mul3A_2, %dma_start3A_657] : memref<128x128xi32, #tpu.memory_space<hbm>> -> memref<4x128xi32, #tpu.memory_space<hbm>>
      tpu.enqueue_dma source(%dma_start3A_658 : memref<4x128xi32, #tpu.memory_space<hbm>>) target(%arg15 : memref<4x128xi32, #tpu.memory_space<vmem>>) target_semaphore(%run_scoped3A : memref<!tpu.dma_semaphore, #tpu.memory_space<semaphore_mem>>)
      %dma_wait3A_659 = arith.constant 0 : i32
      %dma_wait3A_660 = tpu.memref_slice %arg4[%mul3A_2, %dma_wait3A_659] : memref<128x128xi32, #tpu.memory_space<hbm>> -> memref<4x128xi32, #tpu.memory_space<hbm>>
      %dma_wait3A_661 = arith.constant 0 : i32
      %dma_wait3A_662 = tpu.memref_slice %arg4[%mul3A_2, %dma_wait3A_661] : memref<128x128xi32, #tpu.memory_space<hbm>> -> memref<4x128xi32, #tpu.memory_space<hbm>>
      tpu.wait_dma2 semaphore(%run_scoped3A : memref<!tpu.dma_semaphore, #tpu.memory_space<semaphore_mem>>) src(%dma_wait3A_662 : memref<4x128xi32, #tpu.memory_space<hbm>>) dst(%arg15 : memref<4x128xi32, #tpu.memory_space<vmem>>)
      tpu.yield
    }) : () -> ()
    %dma_start3A = arith.constant 0 : i32
    %dma_start3A_5 = arith.constant 0 : i32
    %dma_start3A_6 = arith.constant 0 : i32
    %dma_start3A_7 = arith.constant 0 : i32
    %dma_start3A_8 = tpu.memref_slice %arg16[%dma_start3A_5, %dma_start3A_6, %dma_start3A_7] : memref<4x128x64xf32, #tpu.memory_space<vmem>> -> memref<1x128x64xf32, #tpu.memory_space<vmem>>
    %dma_start3A_9 = tpu.memref_squeeze %dma_start3A_8 : memref<1x128x64xf32, #tpu.memory_space<vmem>> -> memref<128x64xf32, #tpu.memory_space<vmem>>
    %dma_start3A_10 = arith.constant 0 : i32
    %dma_start3A_11 = tpu.memref_slice %arg13[%dma_start3A, %dma_start3A_10] : memref<4x128xi32, #tpu.memory_space<vmem>> -> memref<1x128xi32, #tpu.memory_space<vmem>>
    %dma_start3A_12 = tpu.memref_squeeze %dma_start3A_11 : memref<1x128xi32, #tpu.memory_space<vmem>> -> memref<128xi32, #tpu.memory_space<vmem>>
    %dma_start3A_13 = arith.constant 0 : i32
    %dma_start3A_14 = arith.constant 0 : i32
    %dma_start3A_15 = tpu.memref_slice %arg8[%dma_start3A_13, %dma_start3A_14] : memref<1000000x64xf32, #tpu.memory_space<hbm>> -> memref<1000000x64xf32, #tpu.memory_space<hbm>>
    tpu.enqueue_indirect_dma source(%dma_start3A_15 : memref<1000000x64xf32, #tpu.memory_space<hbm>>) target(%dma_start3A_9 : memref<128x64xf32, #tpu.memory_space<vmem>>) offsets(%dma_start3A_12 : memref<128xi32, #tpu.memory_space<vmem>>) semaphore(%arg23 : memref<!tpu.dma_semaphore, #tpu.memory_space<semaphore_mem>>)
    %dma_start3A_16 = arith.constant 0 : i32
    %dma_start3A_17 = arith.constant 0 : i32
    %dma_start3A_18 = arith.constant 0 : i32
    %dma_start3A_19 = arith.constant 0 : i32
    %dma_start3A_20 = tpu.memref_slice %arg17[%dma_start3A_17, %dma_start3A_18, %dma_start3A_19] : memref<4x128x64xf32, #tpu.memory_space<vmem>> -> memref<1x128x64xf32, #tpu.memory_space<vmem>>
    %dma_start3A_21 = tpu.memref_squeeze %dma_start3A_20 : memref<1x128x64xf32, #tpu.memory_space<vmem>> -> memref<128x64xf32, #tpu.memory_space<vmem>>
    %dma_start3A_22 = arith.constant 0 : i32
    %dma_start3A_23 = tpu.memref_slice %arg14[%dma_start3A_16, %dma_start3A_22] : memref<4x128xi32, #tpu.memory_space<vmem>> -> memref<1x128xi32, #tpu.memory_space<vmem>>
    %dma_start3A_24 = tpu.memref_squeeze %dma_start3A_23 : memref<1x128xi32, #tpu.memory_space<vmem>> -> memref<128xi32, #tpu.memory_space<vmem>>
    %dma_start3A_25 = arith.constant 0 : i32
    %dma_start3A_26 = arith.constant 0 : i32
    %dma_start3A_27 = tpu.memref_slice %arg9[%dma_start3A_25, %dma_start3A_26] : memref<1000x64xf32, #tpu.memory_space<hbm>> -> memref<1000x64xf32, #tpu.memory_space<hbm>>
    tpu.enqueue_indirect_dma source(%dma_start3A_27 : memref<1000x64xf32, #tpu.memory_space<hbm>>) target(%dma_start3A_21 : memref<128x64xf32, #tpu.memory_space<vmem>>) offsets(%dma_start3A_24 : memref<128xi32, #tpu.memory_space<vmem>>) semaphore(%arg23 : memref<!tpu.dma_semaphore, #tpu.memory_space<semaphore_mem>>)
    %dma_start3A_28 = arith.constant 0 : i32
    %dma_start3A_29 = arith.constant 0 : i32
    %dma_start3A_30 = arith.constant 0 : i32
    %dma_start3A_31 = arith.constant 0 : i32
    %dma_start3A_32 = tpu.memref_slice %arg18[%dma_start3A_29, %dma_start3A_30, %dma_start3A_31] : memref<4x128x64xf32, #tpu.memory_space<vmem>> -> memref<1x128x64xf32, #tpu.memory_space<vmem>>
    %dma_start3A_33 = tpu.memref_squeeze %dma_start3A_32 : memref<1x128x64xf32, #tpu.memory_space<vmem>> -> memref<128x64xf32, #tpu.memory_space<vmem>>
    %dma_start3A_34 = arith.constant 0 : i32
    %dma_start3A_35 = tpu.memref_slice %arg15[%dma_start3A_28, %dma_start3A_34] : memref<4x128xi32, #tpu.memory_space<vmem>> -> memref<1x128xi32, #tpu.memory_space<vmem>>
    %dma_start3A_36 = tpu.memref_squeeze %dma_start3A_35 : memref<1x128xi32, #tpu.memory_space<vmem>> -> memref<128xi32, #tpu.memory_space<vmem>>
    %dma_start3A_37 = arith.constant 0 : i32
    %dma_start3A_38 = arith.constant 0 : i32
    %dma_start3A_39 = tpu.memref_slice %arg8[%dma_start3A_37, %dma_start3A_38] : memref<1000000x64xf32, #tpu.memory_space<hbm>> -> memref<1000000x64xf32, #tpu.memory_space<hbm>>
    tpu.enqueue_indirect_dma source(%dma_start3A_39 : memref<1000000x64xf32, #tpu.memory_space<hbm>>) target(%dma_start3A_33 : memref<128x64xf32, #tpu.memory_space<vmem>>) offsets(%dma_start3A_36 : memref<128xi32, #tpu.memory_space<vmem>>) semaphore(%arg23 : memref<!tpu.dma_semaphore, #tpu.memory_space<semaphore_mem>>)
    %dma_start3A_40 = arith.constant 1 : i32
    %dma_start3A_41 = arith.constant 1 : i32
    %dma_start3A_42 = arith.constant 0 : i32
    %dma_start3A_43 = arith.constant 0 : i32
    %dma_start3A_44 = tpu.memref_slice %arg16[%dma_start3A_41, %dma_start3A_42, %dma_start3A_43] : memref<4x128x64xf32, #tpu.memory_space<vmem>> -> memref<1x128x64xf32, #tpu.memory_space<vmem>>
    %dma_start3A_45 = tpu.memref_squeeze %dma_start3A_44 : memref<1x128x64xf32, #tpu.memory_space<vmem>> -> memref<128x64xf32, #tpu.memory_space<vmem>>
    %dma_start3A_46 = arith.constant 0 : i32
    %dma_start3A_47 = tpu.memref_slice %arg13[%dma_start3A_40, %dma_start3A_46] : memref<4x128xi32, #tpu.memory_space<vmem>> -> memref<1x128xi32, #tpu.memory_space<vmem>>
    %dma_start3A_48 = tpu.memref_squeeze %dma_start3A_47 : memref<1x128xi32, #tpu.memory_space<vmem>> -> memref<128xi32, #tpu.memory_space<vmem>>
    %dma_start3A_49 = arith.constant 0 : i32
    %dma_start3A_50 = arith.constant 0 : i32
    %dma_start3A_51 = tpu.memref_slice %arg8[%dma_start3A_49, %dma_start3A_50] : memref<1000000x64xf32, #tpu.memory_space<hbm>> -> memref<1000000x64xf32, #tpu.memory_space<hbm>>
    tpu.enqueue_indirect_dma source(%dma_start3A_51 : memref<1000000x64xf32, #tpu.memory_space<hbm>>) target(%dma_start3A_45 : memref<128x64xf32, #tpu.memory_space<vmem>>) offsets(%dma_start3A_48 : memref<128xi32, #tpu.memory_space<vmem>>) semaphore(%arg23 : memref<!tpu.dma_semaphore, #tpu.memory_space<semaphore_mem>>)
    %dma_start3A_52 = arith.constant 1 : i32
    %dma_start3A_53 = arith.constant 1 : i32
    %dma_start3A_54 = arith.constant 0 : i32
    %dma_start3A_55 = arith.constant 0 : i32
    %dma_start3A_56 = tpu.memref_slice %arg17[%dma_start3A_53, %dma_start3A_54, %dma_start3A_55] : memref<4x128x64xf32, #tpu.memory_space<vmem>> -> memref<1x128x64xf32, #tpu.memory_space<vmem>>
    %dma_start3A_57 = tpu.memref_squeeze %dma_start3A_56 : memref<1x128x64xf32, #tpu.memory_space<vmem>> -> memref<128x64xf32, #tpu.memory_space<vmem>>
    %dma_start3A_58 = arith.constant 0 : i32
    %dma_start3A_59 = tpu.memref_slice %arg14[%dma_start3A_52, %dma_start3A_58] : memref<4x128xi32, #tpu.memory_space<vmem>> -> memref<1x128xi32, #tpu.memory_space<vmem>>
    %dma_start3A_60 = tpu.memref_squeeze %dma_start3A_59 : memref<1x128xi32, #tpu.memory_space<vmem>> -> memref<128xi32, #tpu.memory_space<vmem>>
    %dma_start3A_61 = arith.constant 0 : i32
    %dma_start3A_62 = arith.constant 0 : i32
    %dma_start3A_63 = tpu.memref_slice %arg9[%dma_start3A_61, %dma_start3A_62] : memref<1000x64xf32, #tpu.memory_space<hbm>> -> memref<1000x64xf32, #tpu.memory_space<hbm>>
    tpu.enqueue_indirect_dma source(%dma_start3A_63 : memref<1000x64xf32, #tpu.memory_space<hbm>>) target(%dma_start3A_57 : memref<128x64xf32, #tpu.memory_space<vmem>>) offsets(%dma_start3A_60 : memref<128xi32, #tpu.memory_space<vmem>>) semaphore(%arg23 : memref<!tpu.dma_semaphore, #tpu.memory_space<semaphore_mem>>)
    %dma_start3A_64 = arith.constant 1 : i32
    %dma_start3A_65 = arith.constant 1 : i32
    %dma_start3A_66 = arith.constant 0 : i32
    %dma_start3A_67 = arith.constant 0 : i32
    %dma_start3A_68 = tpu.memref_slice %arg18[%dma_start3A_65, %dma_start3A_66, %dma_start3A_67] : memref<4x128x64xf32, #tpu.memory_space<vmem>> -> memref<1x128x64xf32, #tpu.memory_space<vmem>>
    %dma_start3A_69 = tpu.memref_squeeze %dma_start3A_68 : memref<1x128x64xf32, #tpu.memory_space<vmem>> -> memref<128x64xf32, #tpu.memory_space<vmem>>
    %dma_start3A_70 = arith.constant 0 : i32
    %dma_start3A_71 = tpu.memref_slice %arg15[%dma_start3A_64, %dma_start3A_70] : memref<4x128xi32, #tpu.memory_space<vmem>> -> memref<1x128xi32, #tpu.memory_space<vmem>>
    %dma_start3A_72 = tpu.memref_squeeze %dma_start3A_71 : memref<1x128xi32, #tpu.memory_space<vmem>> -> memref<128xi32, #tpu.memory_space<vmem>>
    %dma_start3A_73 = arith.constant 0 : i32
    %dma_start3A_74 = arith.constant 0 : i32
    %dma_start3A_75 = tpu.memref_slice %arg8[%dma_start3A_73, %dma_start3A_74] : memref<1000000x64xf32, #tpu.memory_space<hbm>> -> memref<1000000x64xf32, #tpu.memory_space<hbm>>
    tpu.enqueue_indirect_dma source(%dma_start3A_75 : memref<1000000x64xf32, #tpu.memory_space<hbm>>) target(%dma_start3A_69 : memref<128x64xf32, #tpu.memory_space<vmem>>) offsets(%dma_start3A_72 : memref<128xi32, #tpu.memory_space<vmem>>) semaphore(%arg23 : memref<!tpu.dma_semaphore, #tpu.memory_space<semaphore_mem>>)
    %dma_start3A_76 = arith.constant 2 : i32
    %dma_start3A_77 = arith.constant 2 : i32
    %dma_start3A_78 = arith.constant 0 : i32
    %dma_start3A_79 = arith.constant 0 : i32
    %dma_start3A_80 = tpu.memref_slice %arg16[%dma_start3A_77, %dma_start3A_78, %dma_start3A_79] : memref<4x128x64xf32, #tpu.memory_space<vmem>> -> memref<1x128x64xf32, #tpu.memory_space<vmem>>
    %dma_start3A_81 = tpu.memref_squeeze %dma_start3A_80 : memref<1x128x64xf32, #tpu.memory_space<vmem>> -> memref<128x64xf32, #tpu.memory_space<vmem>>
    %dma_start3A_82 = arith.constant 0 : i32
    %dma_start3A_83 = tpu.memref_slice %arg13[%dma_start3A_76, %dma_start3A_82] : memref<4x128xi32, #tpu.memory_space<vmem>> -> memref<1x128xi32, #tpu.memory_space<vmem>>
    %dma_start3A_84 = tpu.memref_squeeze %dma_start3A_83 : memref<1x128xi32, #tpu.memory_space<vmem>> -> memref<128xi32, #tpu.memory_space<vmem>>
    %dma_start3A_85 = arith.constant 0 : i32
    %dma_start3A_86 = arith.constant 0 : i32
    %dma_start3A_87 = tpu.memref_slice %arg8[%dma_start3A_85, %dma_start3A_86] : memref<1000000x64xf32, #tpu.memory_space<hbm>> -> memref<1000000x64xf32, #tpu.memory_space<hbm>>
    tpu.enqueue_indirect_dma source(%dma_start3A_87 : memref<1000000x64xf32, #tpu.memory_space<hbm>>) target(%dma_start3A_81 : memref<128x64xf32, #tpu.memory_space<vmem>>) offsets(%dma_start3A_84 : memref<128xi32, #tpu.memory_space<vmem>>) semaphore(%arg23 : memref<!tpu.dma_semaphore, #tpu.memory_space<semaphore_mem>>)
    %dma_start3A_88 = arith.constant 2 : i32
    %dma_start3A_89 = arith.constant 2 : i32
    %dma_start3A_90 = arith.constant 0 : i32
    %dma_start3A_91 = arith.constant 0 : i32
    %dma_start3A_92 = tpu.memref_slice %arg17[%dma_start3A_89, %dma_start3A_90, %dma_start3A_91] : memref<4x128x64xf32, #tpu.memory_space<vmem>> -> memref<1x128x64xf32, #tpu.memory_space<vmem>>
    %dma_start3A_93 = tpu.memref_squeeze %dma_start3A_92 : memref<1x128x64xf32, #tpu.memory_space<vmem>> -> memref<128x64xf32, #tpu.memory_space<vmem>>
    %dma_start3A_94 = arith.constant 0 : i32
    %dma_start3A_95 = tpu.memref_slice %arg14[%dma_start3A_88, %dma_start3A_94] : memref<4x128xi32, #tpu.memory_space<vmem>> -> memref<1x128xi32, #tpu.memory_space<vmem>>
    %dma_start3A_96 = tpu.memref_squeeze %dma_start3A_95 : memref<1x128xi32, #tpu.memory_space<vmem>> -> memref<128xi32, #tpu.memory_space<vmem>>
    %dma_start3A_97 = arith.constant 0 : i32
    %dma_start3A_98 = arith.constant 0 : i32
    %dma_start3A_99 = tpu.memref_slice %arg9[%dma_start3A_97, %dma_start3A_98] : memref<1000x64xf32, #tpu.memory_space<hbm>> -> memref<1000x64xf32, #tpu.memory_space<hbm>>
    tpu.enqueue_indirect_dma source(%dma_start3A_99 : memref<1000x64xf32, #tpu.memory_space<hbm>>) target(%dma_start3A_93 : memref<128x64xf32, #tpu.memory_space<vmem>>) offsets(%dma_start3A_96 : memref<128xi32, #tpu.memory_space<vmem>>) semaphore(%arg23 : memref<!tpu.dma_semaphore, #tpu.memory_space<semaphore_mem>>)
    %dma_start3A_100 = arith.constant 2 : i32
    %dma_start3A_101 = arith.constant 2 : i32
    %dma_start3A_102 = arith.constant 0 : i32
    %dma_start3A_103 = arith.constant 0 : i32
    %dma_start3A_104 = tpu.memref_slice %arg18[%dma_start3A_101, %dma_start3A_102, %dma_start3A_103] : memref<4x128x64xf32, #tpu.memory_space<vmem>> -> memref<1x128x64xf32, #tpu.memory_space<vmem>>
    %dma_start3A_105 = tpu.memref_squeeze %dma_start3A_104 : memref<1x128x64xf32, #tpu.memory_space<vmem>> -> memref<128x64xf32, #tpu.memory_space<vmem>>
    %dma_start3A_106 = arith.constant 0 : i32
    %dma_start3A_107 = tpu.memref_slice %arg15[%dma_start3A_100, %dma_start3A_106] : memref<4x128xi32, #tpu.memory_space<vmem>> -> memref<1x128xi32, #tpu.memory_space<vmem>>
    %dma_start3A_108 = tpu.memref_squeeze %dma_start3A_107 : memref<1x128xi32, #tpu.memory_space<vmem>> -> memref<128xi32, #tpu.memory_space<vmem>>
    %dma_start3A_109 = arith.constant 0 : i32
    %dma_start3A_110 = arith.constant 0 : i32
    %dma_start3A_111 = tpu.memref_slice %arg8[%dma_start3A_109, %dma_start3A_110] : memref<1000000x64xf32, #tpu.memory_space<hbm>> -> memref<1000000x64xf32, #tpu.memory_space<hbm>>
    tpu.enqueue_indirect_dma source(%dma_start3A_111 : memref<1000000x64xf32, #tpu.memory_space<hbm>>) target(%dma_start3A_105 : memref<128x64xf32, #tpu.memory_space<vmem>>) offsets(%dma_start3A_108 : memref<128xi32, #tpu.memory_space<vmem>>) semaphore(%arg23 : memref<!tpu.dma_semaphore, #tpu.memory_space<semaphore_mem>>)
    %dma_start3A_112 = arith.constant 3 : i32
    %dma_start3A_113 = arith.constant 3 : i32
    %dma_start3A_114 = arith.constant 0 : i32
    %dma_start3A_115 = arith.constant 0 : i32
    %dma_start3A_116 = tpu.memref_slice %arg16[%dma_start3A_113, %dma_start3A_114, %dma_start3A_115] : memref<4x128x64xf32, #tpu.memory_space<vmem>> -> memref<1x128x64xf32, #tpu.memory_space<vmem>>
    %dma_start3A_117 = tpu.memref_squeeze %dma_start3A_116 : memref<1x128x64xf32, #tpu.memory_space<vmem>> -> memref<128x64xf32, #tpu.memory_space<vmem>>
    %dma_start3A_118 = arith.constant 0 : i32
    %dma_start3A_119 = tpu.memref_slice %arg13[%dma_start3A_112, %dma_start3A_118] : memref<4x128xi32, #tpu.memory_space<vmem>> -> memref<1x128xi32, #tpu.memory_space<vmem>>
    %dma_start3A_120 = tpu.memref_squeeze %dma_start3A_119 : memref<1x128xi32, #tpu.memory_space<vmem>> -> memref<128xi32, #tpu.memory_space<vmem>>
    %dma_start3A_121 = arith.constant 0 : i32
    %dma_start3A_122 = arith.constant 0 : i32
    %dma_start3A_123 = tpu.memref_slice %arg8[%dma_start3A_121, %dma_start3A_122] : memref<1000000x64xf32, #tpu.memory_space<hbm>> -> memref<1000000x64xf32, #tpu.memory_space<hbm>>
    tpu.enqueue_indirect_dma source(%dma_start3A_123 : memref<1000000x64xf32, #tpu.memory_space<hbm>>) target(%dma_start3A_117 : memref<128x64xf32, #tpu.memory_space<vmem>>) offsets(%dma_start3A_120 : memref<128xi32, #tpu.memory_space<vmem>>) semaphore(%arg23 : memref<!tpu.dma_semaphore, #tpu.memory_space<semaphore_mem>>)
    %dma_start3A_124 = arith.constant 3 : i32
    %dma_start3A_125 = arith.constant 3 : i32
    %dma_start3A_126 = arith.constant 0 : i32
    %dma_start3A_127 = arith.constant 0 : i32
    %dma_start3A_128 = tpu.memref_slice %arg17[%dma_start3A_125, %dma_start3A_126, %dma_start3A_127] : memref<4x128x64xf32, #tpu.memory_space<vmem>> -> memref<1x128x64xf32, #tpu.memory_space<vmem>>
    %dma_start3A_129 = tpu.memref_squeeze %dma_start3A_128 : memref<1x128x64xf32, #tpu.memory_space<vmem>> -> memref<128x64xf32, #tpu.memory_space<vmem>>
    %dma_start3A_130 = arith.constant 0 : i32
    %dma_start3A_131 = tpu.memref_slice %arg14[%dma_start3A_124, %dma_start3A_130] : memref<4x128xi32, #tpu.memory_space<vmem>> -> memref<1x128xi32, #tpu.memory_space<vmem>>
    %dma_start3A_132 = tpu.memref_squeeze %dma_start3A_131 : memref<1x128xi32, #tpu.memory_space<vmem>> -> memref<128xi32, #tpu.memory_space<vmem>>
    %dma_start3A_133 = arith.constant 0 : i32
    %dma_start3A_134 = arith.constant 0 : i32
    %dma_start3A_135 = tpu.memref_slice %arg9[%dma_start3A_133, %dma_start3A_134] : memref<1000x64xf32, #tpu.memory_space<hbm>> -> memref<1000x64xf32, #tpu.memory_space<hbm>>
    tpu.enqueue_indirect_dma source(%dma_start3A_135 : memref<1000x64xf32, #tpu.memory_space<hbm>>) target(%dma_start3A_129 : memref<128x64xf32, #tpu.memory_space<vmem>>) offsets(%dma_start3A_132 : memref<128xi32, #tpu.memory_space<vmem>>) semaphore(%arg23 : memref<!tpu.dma_semaphore, #tpu.memory_space<semaphore_mem>>)
    %dma_start3A_136 = arith.constant 3 : i32
    %dma_start3A_137 = arith.constant 3 : i32
    %dma_start3A_138 = arith.constant 0 : i32
    %dma_start3A_139 = arith.constant 0 : i32
    %dma_start3A_140 = tpu.memref_slice %arg18[%dma_start3A_137, %dma_start3A_138, %dma_start3A_139] : memref<4x128x64xf32, #tpu.memory_space<vmem>> -> memref<1x128x64xf32, #tpu.memory_space<vmem>>
    %dma_start3A_141 = tpu.memref_squeeze %dma_start3A_140 : memref<1x128x64xf32, #tpu.memory_space<vmem>> -> memref<128x64xf32, #tpu.memory_space<vmem>>
    %dma_start3A_142 = arith.constant 0 : i32
    %dma_start3A_143 = tpu.memref_slice %arg15[%dma_start3A_136, %dma_start3A_142] : memref<4x128xi32, #tpu.memory_space<vmem>> -> memref<1x128xi32, #tpu.memory_space<vmem>>
    %dma_start3A_144 = tpu.memref_squeeze %dma_start3A_143 : memref<1x128xi32, #tpu.memory_space<vmem>> -> memref<128xi32, #tpu.memory_space<vmem>>
    %dma_start3A_145 = arith.constant 0 : i32
    %dma_start3A_146 = arith.constant 0 : i32
    %dma_start3A_147 = tpu.memref_slice %arg8[%dma_start3A_145, %dma_start3A_146] : memref<1000000x64xf32, #tpu.memory_space<hbm>> -> memref<1000000x64xf32, #tpu.memory_space<hbm>>
    tpu.enqueue_indirect_dma source(%dma_start3A_147 : memref<1000000x64xf32, #tpu.memory_space<hbm>>) target(%dma_start3A_141 : memref<128x64xf32, #tpu.memory_space<vmem>>) offsets(%dma_start3A_144 : memref<128xi32, #tpu.memory_space<vmem>>) semaphore(%arg23 : memref<!tpu.dma_semaphore, #tpu.memory_space<semaphore_mem>>)
    %dma_wait3A = arith.constant 0 : i32
    %dma_wait3A_148 = arith.constant 0 : i32
    %dma_wait3A_149 = arith.constant 0 : i32
    %dma_wait3A_150 = arith.constant 0 : i32
    %dma_wait3A_151 = tpu.memref_slice %arg16[%dma_wait3A_148, %dma_wait3A_149, %dma_wait3A_150] : memref<4x128x64xf32, #tpu.memory_space<vmem>> -> memref<1x128x64xf32, #tpu.memory_space<vmem>>
    %dma_wait3A_152 = tpu.memref_squeeze %dma_wait3A_151 : memref<1x128x64xf32, #tpu.memory_space<vmem>> -> memref<128x64xf32, #tpu.memory_space<vmem>>
    %dma_wait3A_153 = arith.constant 0 : i32
    %dma_wait3A_154 = tpu.memref_slice %arg13[%dma_wait3A, %dma_wait3A_153] : memref<4x128xi32, #tpu.memory_space<vmem>> -> memref<1x128xi32, #tpu.memory_space<vmem>>
    %dma_wait3A_155 = tpu.memref_squeeze %dma_wait3A_154 : memref<1x128xi32, #tpu.memory_space<vmem>> -> memref<128xi32, #tpu.memory_space<vmem>>
    %dma_wait3A_156 = arith.constant 0 : i32
    %dma_wait3A_157 = arith.constant 0 : i32
    %dma_wait3A_158 = tpu.memref_slice %arg8[%dma_wait3A_156, %dma_wait3A_157] : memref<1000000x64xf32, #tpu.memory_space<hbm>> -> memref<1000000x64xf32, #tpu.memory_space<hbm>>
    tpu.wait_indirect_dma semaphore(%arg23 : memref<!tpu.dma_semaphore, #tpu.memory_space<semaphore_mem>>) src(%dma_wait3A_158 : memref<1000000x64xf32, #tpu.memory_space<hbm>>) dst(%dma_wait3A_152 : memref<128x64xf32, #tpu.memory_space<vmem>>)
    %dma_wait3A_159 = arith.constant 0 : i32
    %dma_wait3A_160 = arith.constant 0 : i32
    %dma_wait3A_161 = arith.constant 0 : i32
    %dma_wait3A_162 = arith.constant 0 : i32
    %dma_wait3A_163 = tpu.memref_slice %arg17[%dma_wait3A_160, %dma_wait3A_161, %dma_wait3A_162] : memref<4x128x64xf32, #tpu.memory_space<vmem>> -> memref<1x128x64xf32, #tpu.memory_space<vmem>>
    %dma_wait3A_164 = tpu.memref_squeeze %dma_wait3A_163 : memref<1x128x64xf32, #tpu.memory_space<vmem>> -> memref<128x64xf32, #tpu.memory_space<vmem>>
    %dma_wait3A_165 = arith.constant 0 : i32
    %dma_wait3A_166 = tpu.memref_slice %arg14[%dma_wait3A_159, %dma_wait3A_165] : memref<4x128xi32, #tpu.memory_space<vmem>> -> memref<1x128xi32, #tpu.memory_space<vmem>>
    %dma_wait3A_167 = tpu.memref_squeeze %dma_wait3A_166 : memref<1x128xi32, #tpu.memory_space<vmem>> -> memref<128xi32, #tpu.memory_space<vmem>>
    %dma_wait3A_168 = arith.constant 0 : i32
    %dma_wait3A_169 = arith.constant 0 : i32
    %dma_wait3A_170 = tpu.memref_slice %arg9[%dma_wait3A_168, %dma_wait3A_169] : memref<1000x64xf32, #tpu.memory_space<hbm>> -> memref<1000x64xf32, #tpu.memory_space<hbm>>
    tpu.wait_indirect_dma semaphore(%arg23 : memref<!tpu.dma_semaphore, #tpu.memory_space<semaphore_mem>>) src(%dma_wait3A_170 : memref<1000x64xf32, #tpu.memory_space<hbm>>) dst(%dma_wait3A_164 : memref<128x64xf32, #tpu.memory_space<vmem>>)
    %dma_wait3A_171 = arith.constant 0 : i32
    %dma_wait3A_172 = arith.constant 0 : i32
    %dma_wait3A_173 = arith.constant 0 : i32
    %dma_wait3A_174 = arith.constant 0 : i32
    %dma_wait3A_175 = tpu.memref_slice %arg18[%dma_wait3A_172, %dma_wait3A_173, %dma_wait3A_174] : memref<4x128x64xf32, #tpu.memory_space<vmem>> -> memref<1x128x64xf32, #tpu.memory_space<vmem>>
    %dma_wait3A_176 = tpu.memref_squeeze %dma_wait3A_175 : memref<1x128x64xf32, #tpu.memory_space<vmem>> -> memref<128x64xf32, #tpu.memory_space<vmem>>
    %dma_wait3A_177 = arith.constant 0 : i32
    %dma_wait3A_178 = tpu.memref_slice %arg15[%dma_wait3A_171, %dma_wait3A_177] : memref<4x128xi32, #tpu.memory_space<vmem>> -> memref<1x128xi32, #tpu.memory_space<vmem>>
    %dma_wait3A_179 = tpu.memref_squeeze %dma_wait3A_178 : memref<1x128xi32, #tpu.memory_space<vmem>> -> memref<128xi32, #tpu.memory_space<vmem>>
    %dma_wait3A_180 = arith.constant 0 : i32
    %dma_wait3A_181 = arith.constant 0 : i32
    %dma_wait3A_182 = tpu.memref_slice %arg8[%dma_wait3A_180, %dma_wait3A_181] : memref<1000000x64xf32, #tpu.memory_space<hbm>> -> memref<1000000x64xf32, #tpu.memory_space<hbm>>
    tpu.wait_indirect_dma semaphore(%arg23 : memref<!tpu.dma_semaphore, #tpu.memory_space<semaphore_mem>>) src(%dma_wait3A_182 : memref<1000000x64xf32, #tpu.memory_space<hbm>>) dst(%dma_wait3A_176 : memref<128x64xf32, #tpu.memory_space<vmem>>)
    %dma_wait3A_183 = arith.constant 1 : i32
    %dma_wait3A_184 = arith.constant 1 : i32
    %dma_wait3A_185 = arith.constant 0 : i32
    %dma_wait3A_186 = arith.constant 0 : i32
    %dma_wait3A_187 = tpu.memref_slice %arg16[%dma_wait3A_184, %dma_wait3A_185, %dma_wait3A_186] : memref<4x128x64xf32, #tpu.memory_space<vmem>> -> memref<1x128x64xf32, #tpu.memory_space<vmem>>
    %dma_wait3A_188 = tpu.memref_squeeze %dma_wait3A_187 : memref<1x128x64xf32, #tpu.memory_space<vmem>> -> memref<128x64xf32, #tpu.memory_space<vmem>>
    %dma_wait3A_189 = arith.constant 0 : i32
    %dma_wait3A_190 = tpu.memref_slice %arg13[%dma_wait3A_183, %dma_wait3A_189] : memref<4x128xi32, #tpu.memory_space<vmem>> -> memref<1x128xi32, #tpu.memory_space<vmem>>
    %dma_wait3A_191 = tpu.memref_squeeze %dma_wait3A_190 : memref<1x128xi32, #tpu.memory_space<vmem>> -> memref<128xi32, #tpu.memory_space<vmem>>
    %dma_wait3A_192 = arith.constant 0 : i32
    %dma_wait3A_193 = arith.constant 0 : i32
    %dma_wait3A_194 = tpu.memref_slice %arg8[%dma_wait3A_192, %dma_wait3A_193] : memref<1000000x64xf32, #tpu.memory_space<hbm>> -> memref<1000000x64xf32, #tpu.memory_space<hbm>>
    tpu.wait_indirect_dma semaphore(%arg23 : memref<!tpu.dma_semaphore, #tpu.memory_space<semaphore_mem>>) src(%dma_wait3A_194 : memref<1000000x64xf32, #tpu.memory_space<hbm>>) dst(%dma_wait3A_188 : memref<128x64xf32, #tpu.memory_space<vmem>>)
    %dma_wait3A_195 = arith.constant 1 : i32
    %dma_wait3A_196 = arith.constant 1 : i32
    %dma_wait3A_197 = arith.constant 0 : i32
    %dma_wait3A_198 = arith.constant 0 : i32
    %dma_wait3A_199 = tpu.memref_slice %arg17[%dma_wait3A_196, %dma_wait3A_197, %dma_wait3A_198] : memref<4x128x64xf32, #tpu.memory_space<vmem>> -> memref<1x128x64xf32, #tpu.memory_space<vmem>>
    %dma_wait3A_200 = tpu.memref_squeeze %dma_wait3A_199 : memref<1x128x64xf32, #tpu.memory_space<vmem>> -> memref<128x64xf32, #tpu.memory_space<vmem>>
    %dma_wait3A_201 = arith.constant 0 : i32
    %dma_wait3A_202 = tpu.memref_slice %arg14[%dma_wait3A_195, %dma_wait3A_201] : memref<4x128xi32, #tpu.memory_space<vmem>> -> memref<1x128xi32, #tpu.memory_space<vmem>>
    %dma_wait3A_203 = tpu.memref_squeeze %dma_wait3A_202 : memref<1x128xi32, #tpu.memory_space<vmem>> -> memref<128xi32, #tpu.memory_space<vmem>>
    %dma_wait3A_204 = arith.constant 0 : i32
    %dma_wait3A_205 = arith.constant 0 : i32
    %dma_wait3A_206 = tpu.memref_slice %arg9[%dma_wait3A_204, %dma_wait3A_205] : memref<1000x64xf32, #tpu.memory_space<hbm>> -> memref<1000x64xf32, #tpu.memory_space<hbm>>
    tpu.wait_indirect_dma semaphore(%arg23 : memref<!tpu.dma_semaphore, #tpu.memory_space<semaphore_mem>>) src(%dma_wait3A_206 : memref<1000x64xf32, #tpu.memory_space<hbm>>) dst(%dma_wait3A_200 : memref<128x64xf32, #tpu.memory_space<vmem>>)
    %dma_wait3A_207 = arith.constant 1 : i32
    %dma_wait3A_208 = arith.constant 1 : i32
    %dma_wait3A_209 = arith.constant 0 : i32
    %dma_wait3A_210 = arith.constant 0 : i32
    %dma_wait3A_211 = tpu.memref_slice %arg18[%dma_wait3A_208, %dma_wait3A_209, %dma_wait3A_210] : memref<4x128x64xf32, #tpu.memory_space<vmem>> -> memref<1x128x64xf32, #tpu.memory_space<vmem>>
    %dma_wait3A_212 = tpu.memref_squeeze %dma_wait3A_211 : memref<1x128x64xf32, #tpu.memory_space<vmem>> -> memref<128x64xf32, #tpu.memory_space<vmem>>
    %dma_wait3A_213 = arith.constant 0 : i32
    %dma_wait3A_214 = tpu.memref_slice %arg15[%dma_wait3A_207, %dma_wait3A_213] : memref<4x128xi32, #tpu.memory_space<vmem>> -> memref<1x128xi32, #tpu.memory_space<vmem>>
    %dma_wait3A_215 = tpu.memref_squeeze %dma_wait3A_214 : memref<1x128xi32, #tpu.memory_space<vmem>> -> memref<128xi32, #tpu.memory_space<vmem>>
    %dma_wait3A_216 = arith.constant 0 : i32
    %dma_wait3A_217 = arith.constant 0 : i32
    %dma_wait3A_218 = tpu.memref_slice %arg8[%dma_wait3A_216, %dma_wait3A_217] : memref<1000000x64xf32, #tpu.memory_space<hbm>> -> memref<1000000x64xf32, #tpu.memory_space<hbm>>
    tpu.wait_indirect_dma semaphore(%arg23 : memref<!tpu.dma_semaphore, #tpu.memory_space<semaphore_mem>>) src(%dma_wait3A_218 : memref<1000000x64xf32, #tpu.memory_space<hbm>>) dst(%dma_wait3A_212 : memref<128x64xf32, #tpu.memory_space<vmem>>)
    %dma_wait3A_219 = arith.constant 2 : i32
    %dma_wait3A_220 = arith.constant 2 : i32
    %dma_wait3A_221 = arith.constant 0 : i32
    %dma_wait3A_222 = arith.constant 0 : i32
    %dma_wait3A_223 = tpu.memref_slice %arg16[%dma_wait3A_220, %dma_wait3A_221, %dma_wait3A_222] : memref<4x128x64xf32, #tpu.memory_space<vmem>> -> memref<1x128x64xf32, #tpu.memory_space<vmem>>
    %dma_wait3A_224 = tpu.memref_squeeze %dma_wait3A_223 : memref<1x128x64xf32, #tpu.memory_space<vmem>> -> memref<128x64xf32, #tpu.memory_space<vmem>>
    %dma_wait3A_225 = arith.constant 0 : i32
    %dma_wait3A_226 = tpu.memref_slice %arg13[%dma_wait3A_219, %dma_wait3A_225] : memref<4x128xi32, #tpu.memory_space<vmem>> -> memref<1x128xi32, #tpu.memory_space<vmem>>
    %dma_wait3A_227 = tpu.memref_squeeze %dma_wait3A_226 : memref<1x128xi32, #tpu.memory_space<vmem>> -> memref<128xi32, #tpu.memory_space<vmem>>
    %dma_wait3A_228 = arith.constant 0 : i32
    %dma_wait3A_229 = arith.constant 0 : i32
    %dma_wait3A_230 = tpu.memref_slice %arg8[%dma_wait3A_228, %dma_wait3A_229] : memref<1000000x64xf32, #tpu.memory_space<hbm>> -> memref<1000000x64xf32, #tpu.memory_space<hbm>>
    tpu.wait_indirect_dma semaphore(%arg23 : memref<!tpu.dma_semaphore, #tpu.memory_space<semaphore_mem>>) src(%dma_wait3A_230 : memref<1000000x64xf32, #tpu.memory_space<hbm>>) dst(%dma_wait3A_224 : memref<128x64xf32, #tpu.memory_space<vmem>>)
    %dma_wait3A_231 = arith.constant 2 : i32
    %dma_wait3A_232 = arith.constant 2 : i32
    %dma_wait3A_233 = arith.constant 0 : i32
    %dma_wait3A_234 = arith.constant 0 : i32
    %dma_wait3A_235 = tpu.memref_slice %arg17[%dma_wait3A_232, %dma_wait3A_233, %dma_wait3A_234] : memref<4x128x64xf32, #tpu.memory_space<vmem>> -> memref<1x128x64xf32, #tpu.memory_space<vmem>>
    %dma_wait3A_236 = tpu.memref_squeeze %dma_wait3A_235 : memref<1x128x64xf32, #tpu.memory_space<vmem>> -> memref<128x64xf32, #tpu.memory_space<vmem>>
    %dma_wait3A_237 = arith.constant 0 : i32
    %dma_wait3A_238 = tpu.memref_slice %arg14[%dma_wait3A_231, %dma_wait3A_237] : memref<4x128xi32, #tpu.memory_space<vmem>> -> memref<1x128xi32, #tpu.memory_space<vmem>>
    %dma_wait3A_239 = tpu.memref_squeeze %dma_wait3A_238 : memref<1x128xi32, #tpu.memory_space<vmem>> -> memref<128xi32, #tpu.memory_space<vmem>>
    %dma_wait3A_240 = arith.constant 0 : i32
    %dma_wait3A_241 = arith.constant 0 : i32
    %dma_wait3A_242 = tpu.memref_slice %arg9[%dma_wait3A_240, %dma_wait3A_241] : memref<1000x64xf32, #tpu.memory_space<hbm>> -> memref<1000x64xf32, #tpu.memory_space<hbm>>
    tpu.wait_indirect_dma semaphore(%arg23 : memref<!tpu.dma_semaphore, #tpu.memory_space<semaphore_mem>>) src(%dma_wait3A_242 : memref<1000x64xf32, #tpu.memory_space<hbm>>) dst(%dma_wait3A_236 : memref<128x64xf32, #tpu.memory_space<vmem>>)
    %dma_wait3A_243 = arith.constant 2 : i32
    %dma_wait3A_244 = arith.constant 2 : i32
    %dma_wait3A_245 = arith.constant 0 : i32
    %dma_wait3A_246 = arith.constant 0 : i32
    %dma_wait3A_247 = tpu.memref_slice %arg18[%dma_wait3A_244, %dma_wait3A_245, %dma_wait3A_246] : memref<4x128x64xf32, #tpu.memory_space<vmem>> -> memref<1x128x64xf32, #tpu.memory_space<vmem>>
    %dma_wait3A_248 = tpu.memref_squeeze %dma_wait3A_247 : memref<1x128x64xf32, #tpu.memory_space<vmem>> -> memref<128x64xf32, #tpu.memory_space<vmem>>
    %dma_wait3A_249 = arith.constant 0 : i32
    %dma_wait3A_250 = tpu.memref_slice %arg15[%dma_wait3A_243, %dma_wait3A_249] : memref<4x128xi32, #tpu.memory_space<vmem>> -> memref<1x128xi32, #tpu.memory_space<vmem>>
    %dma_wait3A_251 = tpu.memref_squeeze %dma_wait3A_250 : memref<1x128xi32, #tpu.memory_space<vmem>> -> memref<128xi32, #tpu.memory_space<vmem>>
    %dma_wait3A_252 = arith.constant 0 : i32
    %dma_wait3A_253 = arith.constant 0 : i32
    %dma_wait3A_254 = tpu.memref_slice %arg8[%dma_wait3A_252, %dma_wait3A_253] : memref<1000000x64xf32, #tpu.memory_space<hbm>> -> memref<1000000x64xf32, #tpu.memory_space<hbm>>
    tpu.wait_indirect_dma semaphore(%arg23 : memref<!tpu.dma_semaphore, #tpu.memory_space<semaphore_mem>>) src(%dma_wait3A_254 : memref<1000000x64xf32, #tpu.memory_space<hbm>>) dst(%dma_wait3A_248 : memref<128x64xf32, #tpu.memory_space<vmem>>)
    %dma_wait3A_255 = arith.constant 3 : i32
    %dma_wait3A_256 = arith.constant 3 : i32
    %dma_wait3A_257 = arith.constant 0 : i32
    %dma_wait3A_258 = arith.constant 0 : i32
    %dma_wait3A_259 = tpu.memref_slice %arg16[%dma_wait3A_256, %dma_wait3A_257, %dma_wait3A_258] : memref<4x128x64xf32, #tpu.memory_space<vmem>> -> memref<1x128x64xf32, #tpu.memory_space<vmem>>
    %dma_wait3A_260 = tpu.memref_squeeze %dma_wait3A_259 : memref<1x128x64xf32, #tpu.memory_space<vmem>> -> memref<128x64xf32, #tpu.memory_space<vmem>>
    %dma_wait3A_261 = arith.constant 0 : i32
    %dma_wait3A_262 = tpu.memref_slice %arg13[%dma_wait3A_255, %dma_wait3A_261] : memref<4x128xi32, #tpu.memory_space<vmem>> -> memref<1x128xi32, #tpu.memory_space<vmem>>
    %dma_wait3A_263 = tpu.memref_squeeze %dma_wait3A_262 : memref<1x128xi32, #tpu.memory_space<vmem>> -> memref<128xi32, #tpu.memory_space<vmem>>
    %dma_wait3A_264 = arith.constant 0 : i32
    %dma_wait3A_265 = arith.constant 0 : i32
    %dma_wait3A_266 = tpu.memref_slice %arg8[%dma_wait3A_264, %dma_wait3A_265] : memref<1000000x64xf32, #tpu.memory_space<hbm>> -> memref<1000000x64xf32, #tpu.memory_space<hbm>>
    tpu.wait_indirect_dma semaphore(%arg23 : memref<!tpu.dma_semaphore, #tpu.memory_space<semaphore_mem>>) src(%dma_wait3A_266 : memref<1000000x64xf32, #tpu.memory_space<hbm>>) dst(%dma_wait3A_260 : memref<128x64xf32, #tpu.memory_space<vmem>>)
    %dma_wait3A_267 = arith.constant 3 : i32
    %dma_wait3A_268 = arith.constant 3 : i32
    %dma_wait3A_269 = arith.constant 0 : i32
    %dma_wait3A_270 = arith.constant 0 : i32
    %dma_wait3A_271 = tpu.memref_slice %arg17[%dma_wait3A_268, %dma_wait3A_269, %dma_wait3A_270] : memref<4x128x64xf32, #tpu.memory_space<vmem>> -> memref<1x128x64xf32, #tpu.memory_space<vmem>>
    %dma_wait3A_272 = tpu.memref_squeeze %dma_wait3A_271 : memref<1x128x64xf32, #tpu.memory_space<vmem>> -> memref<128x64xf32, #tpu.memory_space<vmem>>
    %dma_wait3A_273 = arith.constant 0 : i32
    %dma_wait3A_274 = tpu.memref_slice %arg14[%dma_wait3A_267, %dma_wait3A_273] : memref<4x128xi32, #tpu.memory_space<vmem>> -> memref<1x128xi32, #tpu.memory_space<vmem>>
    %dma_wait3A_275 = tpu.memref_squeeze %dma_wait3A_274 : memref<1x128xi32, #tpu.memory_space<vmem>> -> memref<128xi32, #tpu.memory_space<vmem>>
    %dma_wait3A_276 = arith.constant 0 : i32
    %dma_wait3A_277 = arith.constant 0 : i32
    %dma_wait3A_278 = tpu.memref_slice %arg9[%dma_wait3A_276, %dma_wait3A_277] : memref<1000x64xf32, #tpu.memory_space<hbm>> -> memref<1000x64xf32, #tpu.memory_space<hbm>>
    tpu.wait_indirect_dma semaphore(%arg23 : memref<!tpu.dma_semaphore, #tpu.memory_space<semaphore_mem>>) src(%dma_wait3A_278 : memref<1000x64xf32, #tpu.memory_space<hbm>>) dst(%dma_wait3A_272 : memref<128x64xf32, #tpu.memory_space<vmem>>)
    %dma_wait3A_279 = arith.constant 3 : i32
    %dma_wait3A_280 = arith.constant 3 : i32
    %dma_wait3A_281 = arith.constant 0 : i32
    %dma_wait3A_282 = arith.constant 0 : i32
    %dma_wait3A_283 = tpu.memref_slice %arg18[%dma_wait3A_280, %dma_wait3A_281, %dma_wait3A_282] : memref<4x128x64xf32, #tpu.memory_space<vmem>> -> memref<1x128x64xf32, #tpu.memory_space<vmem>>
    %dma_wait3A_284 = tpu.memref_squeeze %dma_wait3A_283 : memref<1x128x64xf32, #tpu.memory_space<vmem>> -> memref<128x64xf32, #tpu.memory_space<vmem>>
    %dma_wait3A_285 = arith.constant 0 : i32
    %dma_wait3A_286 = tpu.memref_slice %arg15[%dma_wait3A_279, %dma_wait3A_285] : memref<4x128xi32, #tpu.memory_space<vmem>> -> memref<1x128xi32, #tpu.memory_space<vmem>>
    %dma_wait3A_287 = tpu.memref_squeeze %dma_wait3A_286 : memref<1x128xi32, #tpu.memory_space<vmem>> -> memref<128xi32, #tpu.memory_space<vmem>>
    %dma_wait3A_288 = arith.constant 0 : i32
    %dma_wait3A_289 = arith.constant 0 : i32
    %dma_wait3A_290 = tpu.memref_slice %arg8[%dma_wait3A_288, %dma_wait3A_289] : memref<1000000x64xf32, #tpu.memory_space<hbm>> -> memref<1000000x64xf32, #tpu.memory_space<hbm>>
    tpu.wait_indirect_dma semaphore(%arg23 : memref<!tpu.dma_semaphore, #tpu.memory_space<semaphore_mem>>) src(%dma_wait3A_290 : memref<1000000x64xf32, #tpu.memory_space<hbm>>) dst(%dma_wait3A_284 : memref<128x64xf32, #tpu.memory_space<vmem>>)
    %scan3A = arith.constant 0 : i32
    %scan3A_291 = arith.constant 0 : i32
    %scan3A_292 = arith.constant 128 : i32
    %scan3A_293 = arith.addi %scan3A_291, %scan3A_292 : i32
    %scan3A_294 = arith.constant 1 : i32
    %scan3A_295 = scf.for %scan3A_655 = %scan3A_291 to %scan3A_293 step %scan3A_294 iter_args(%scan3A_656 = %scan3A) -> (i32)  : i32 {
      %broadcast_in_dim3A = arith.constant 0.000000e+00 : f32
      %broadcast_in_dim3A_657 = vector.broadcast %broadcast_in_dim3A : f32 to vector<16xf32>
      %get3A = arith.constant 0 : i32
      %get3A_658 = arith.index_cast %get3A : i32 to index
      %get3A_659 = arith.index_cast %scan3A_655 : i32 to index
      %get3A_660 = arith.constant 0 : index
      %get3A_661 = tpu.vector_load %arg16[%get3A_658, %get3A_659, %get3A_660] {strides = array<i32>} : memref<4x128x64xf32, #tpu.memory_space<vmem>>, vector<16xf32>,
      %get3A_662 = arith.constant 0 : i32
      %get3A_663 = arith.index_cast %get3A_662 : i32 to index
      %get3A_664 = arith.index_cast %scan3A_655 : i32 to index
      %get3A_665 = arith.constant 0 : index
      %get3A_666 = tpu.vector_load %arg17[%get3A_663, %get3A_664, %get3A_665] {strides = array<i32>} : memref<4x128x64xf32, #tpu.memory_space<vmem>>, vector<16xf32>,
      %get3A_667 = arith.constant 0 : i32
      %get3A_668 = arith.index_cast %get3A_667 : i32 to index
      %get3A_669 = arith.index_cast %scan3A_655 : i32 to index
      %get3A_670 = arith.constant 0 : index
      %get3A_671 = tpu.vector_load %arg18[%get3A_668, %get3A_669, %get3A_670] {strides = array<i32>} : memref<4x128x64xf32, #tpu.memory_space<vmem>>, vector<16xf32>,
      %add3A_672 = arith.addf %get3A_661, %get3A_666 : vector<16xf32>
      %sub3A = arith.subf %add3A_672, %get3A_671 : vector<16xf32>
      %abs3A = math.absf %sub3A : vector<16xf32>
      %add3A_673 = arith.addf %broadcast_in_dim3A_657, %abs3A : vector<16xf32>
      %get3A_674 = arith.constant 0 : i32
      %get3A_675 = arith.index_cast %get3A_674 : i32 to index
      %get3A_676 = arith.index_cast %scan3A_655 : i32 to index
      %get3A_677 = arith.constant 16 : index
      %get3A_678 = tpu.vector_load %arg16[%get3A_675, %get3A_676, %get3A_677] {strides = array<i32>} : memref<4x128x64xf32, #tpu.memory_space<vmem>>, vector<16xf32>,
      %get3A_679 = arith.constant 0 : i32
      %get3A_680 = arith.index_cast %get3A_679 : i32 to index
      %get3A_681 = arith.index_cast %scan3A_655 : i32 to index
      %get3A_682 = arith.constant 16 : index
      %get3A_683 = tpu.vector_load %arg17[%get3A_680, %get3A_681, %get3A_682] {strides = array<i32>} : memref<4x128x64xf32, #tpu.memory_space<vmem>>, vector<16xf32>,
      %get3A_684 = arith.constant 0 : i32
      %get3A_685 = arith.index_cast %get3A_684 : i32 to index
      %get3A_686 = arith.index_cast %scan3A_655 : i32 to index
      %get3A_687 = arith.constant 16 : index
      %get3A_688 = tpu.vector_load %arg18[%get3A_685, %get3A_686, %get3A_687] {strides = array<i32>} : memref<4x128x64xf32, #tpu.memory_space<vmem>>, vector<16xf32>,
      %add3A_689 = arith.addf %get3A_678, %get3A_683 : vector<16xf32>
      %sub3A_690 = arith.subf %add3A_689, %get3A_688 : vector<16xf32>
      %abs3A_691 = math.absf %sub3A_690 : vector<16xf32>
      %add3A_692 = arith.addf %add3A_673, %abs3A_691 : vector<16xf32>
      %get3A_693 = arith.constant 0 : i32
      %get3A_694 = arith.index_cast %get3A_693 : i32 to index
      %get3A_695 = arith.index_cast %scan3A_655 : i32 to index
      %get3A_696 = arith.constant 32 : index
      %get3A_697 = tpu.vector_load %arg16[%get3A_694, %get3A_695, %get3A_696] {strides = array<i32>} : memref<4x128x64xf32, #tpu.memory_space<vmem>>, vector<16xf32>,
      %get3A_698 = arith.constant 0 : i32
      %get3A_699 = arith.index_cast %get3A_698 : i32 to index
      %get3A_700 = arith.index_cast %scan3A_655 : i32 to index
      %get3A_701 = arith.constant 32 : index
      %get3A_702 = tpu.vector_load %arg17[%get3A_699, %get3A_700, %get3A_701] {strides = array<i32>} : memref<4x128x64xf32, #tpu.memory_space<vmem>>, vector<16xf32>,
      %get3A_703 = arith.constant 0 : i32
      %get3A_704 = arith.index_cast %get3A_703 : i32 to index
      %get3A_705 = arith.index_cast %scan3A_655 : i32 to index
      %get3A_706 = arith.constant 32 : index
      %get3A_707 = tpu.vector_load %arg18[%get3A_704, %get3A_705, %get3A_706] {strides = array<i32>} : memref<4x128x64xf32, #tpu.memory_space<vmem>>, vector<16xf32>,
      %add3A_708 = arith.addf %get3A_697, %get3A_702 : vector<16xf32>
      %sub3A_709 = arith.subf %add3A_708, %get3A_707 : vector<16xf32>
      %abs3A_710 = math.absf %sub3A_709 : vector<16xf32>
      %add3A_711 = arith.addf %add3A_692, %abs3A_710 : vector<16xf32>
      %get3A_712 = arith.constant 0 : i32
      %get3A_713 = arith.index_cast %get3A_712 : i32 to index
      %get3A_714 = arith.index_cast %scan3A_655 : i32 to index
      %get3A_715 = arith.constant 48 : index
      %get3A_716 = tpu.vector_load %arg16[%get3A_713, %get3A_714, %get3A_715] {strides = array<i32>} : memref<4x128x64xf32, #tpu.memory_space<vmem>>, vector<16xf32>,
      %get3A_717 = arith.constant 0 : i32
      %get3A_718 = arith.index_cast %get3A_717 : i32 to index
      %get3A_719 = arith.index_cast %scan3A_655 : i32 to index
      %get3A_720 = arith.constant 48 : index
      %get3A_721 = tpu.vector_load %arg17[%get3A_718, %get3A_719, %get3A_720] {strides = array<i32>} : memref<4x128x64xf32, #tpu.memory_space<vmem>>, vector<16xf32>,
      %get3A_722 = arith.constant 0 : i32
      %get3A_723 = arith.index_cast %get3A_722 : i32 to index
      %get3A_724 = arith.index_cast %scan3A_655 : i32 to index
      %get3A_725 = arith.constant 48 : index
      %get3A_726 = tpu.vector_load %arg18[%get3A_723, %get3A_724, %get3A_725] {strides = array<i32>} : memref<4x128x64xf32, #tpu.memory_space<vmem>>, vector<16xf32>,
      %add3A_727 = arith.addf %get3A_716, %get3A_721 : vector<16xf32>
      %sub3A_728 = arith.subf %add3A_727, %get3A_726 : vector<16xf32>
      %abs3A_729 = math.absf %sub3A_728 : vector<16xf32>
      %add3A_730 = arith.addf %add3A_711, %abs3A_729 : vector<16xf32>
      %add3A_731 = arith.constant 0 : i32
      %add3A_732 = arith.addi %add3A_731, %scan3A_655 : i32
      %mul3A_733 = arith.constant 16 : i32
      %mul3A_734 = arith.muli %add3A_732, %mul3A_733 : i32
      %swap3A = arith.index_cast %mul3A_734 : i32 to index
      %swap3A_735 = tpu.vector_load %arg19[%swap3A] {strides = array<i32>} : memref<8192xf32, #tpu.memory_space<vmem>>, vector<16xf32>,
      tpu.vector_store %arg19[%swap3A], %add3A_730 {strides = array<i32>} : memref<8192xf32, #tpu.memory_space<vmem>>, vector<16xf32>,
      %scan3A_736 = arith.constant 0 : i32
      scf.yield %scan3A_736 : i32
    }
    %scan3A_296 = arith.constant 128 : i32
    %scan3A_297 = arith.constant 0 : i32
    %scan3A_298 = arith.constant 0 : i32
    %scan3A_299 = arith.constant 128 : i32
    %scan3A_300 = arith.addi %scan3A_298, %scan3A_299 : i32
    %scan3A_301 = arith.constant 1 : i32
    %scan3A_302 = scf.for %scan3A_655 = %scan3A_298 to %scan3A_300 step %scan3A_301 iter_args(%scan3A_656 = %scan3A_297) -> (i32)  : i32 {
      %broadcast_in_dim3A = arith.constant 0.000000e+00 : f32
      %broadcast_in_dim3A_657 = vector.broadcast %broadcast_in_dim3A : f32 to vector<16xf32>
      %get3A = arith.constant 1 : i32
      %get3A_658 = arith.index_cast %get3A : i32 to index
      %get3A_659 = arith.index_cast %scan3A_655 : i32 to index
      %get3A_660 = arith.constant 0 : index
      %get3A_661 = tpu.vector_load %arg16[%get3A_658, %get3A_659, %get3A_660] {strides = array<i32>} : memref<4x128x64xf32, #tpu.memory_space<vmem>>, vector<16xf32>,
      %get3A_662 = arith.constant 1 : i32
      %get3A_663 = arith.index_cast %get3A_662 : i32 to index
      %get3A_664 = arith.index_cast %scan3A_655 : i32 to index
      %get3A_665 = arith.constant 0 : index
      %get3A_666 = tpu.vector_load %arg17[%get3A_663, %get3A_664, %get3A_665] {strides = array<i32>} : memref<4x128x64xf32, #tpu.memory_space<vmem>>, vector<16xf32>,
      %get3A_667 = arith.constant 1 : i32
      %get3A_668 = arith.index_cast %get3A_667 : i32 to index
      %get3A_669 = arith.index_cast %scan3A_655 : i32 to index
      %get3A_670 = arith.constant 0 : index
      %get3A_671 = tpu.vector_load %arg18[%get3A_668, %get3A_669, %get3A_670] {strides = array<i32>} : memref<4x128x64xf32, #tpu.memory_space<vmem>>, vector<16xf32>,
      %add3A_672 = arith.addf %get3A_661, %get3A_666 : vector<16xf32>
      %sub3A = arith.subf %add3A_672, %get3A_671 : vector<16xf32>
      %abs3A = math.absf %sub3A : vector<16xf32>
      %add3A_673 = arith.addf %broadcast_in_dim3A_657, %abs3A : vector<16xf32>
      %get3A_674 = arith.constant 1 : i32
      %get3A_675 = arith.index_cast %get3A_674 : i32 to index
      %get3A_676 = arith.index_cast %scan3A_655 : i32 to index
      %get3A_677 = arith.constant 16 : index
      %get3A_678 = tpu.vector_load %arg16[%get3A_675, %get3A_676, %get3A_677] {strides = array<i32>} : memref<4x128x64xf32, #tpu.memory_space<vmem>>, vector<16xf32>,
      %get3A_679 = arith.constant 1 : i32
      %get3A_680 = arith.index_cast %get3A_679 : i32 to index
      %get3A_681 = arith.index_cast %scan3A_655 : i32 to index
      %get3A_682 = arith.constant 16 : index
      %get3A_683 = tpu.vector_load %arg17[%get3A_680, %get3A_681, %get3A_682] {strides = array<i32>} : memref<4x128x64xf32, #tpu.memory_space<vmem>>, vector<16xf32>,
      %get3A_684 = arith.constant 1 : i32
      %get3A_685 = arith.index_cast %get3A_684 : i32 to index
      %get3A_686 = arith.index_cast %scan3A_655 : i32 to index
      %get3A_687 = arith.constant 16 : index
      %get3A_688 = tpu.vector_load %arg18[%get3A_685, %get3A_686, %get3A_687] {strides = array<i32>} : memref<4x128x64xf32, #tpu.memory_space<vmem>>, vector<16xf32>,
      %add3A_689 = arith.addf %get3A_678, %get3A_683 : vector<16xf32>
      %sub3A_690 = arith.subf %add3A_689, %get3A_688 : vector<16xf32>
      %abs3A_691 = math.absf %sub3A_690 : vector<16xf32>
      %add3A_692 = arith.addf %add3A_673, %abs3A_691 : vector<16xf32>
      %get3A_693 = arith.constant 1 : i32
      %get3A_694 = arith.index_cast %get3A_693 : i32 to index
      %get3A_695 = arith.index_cast %scan3A_655 : i32 to index
      %get3A_696 = arith.constant 32 : index
      %get3A_697 = tpu.vector_load %arg16[%get3A_694, %get3A_695, %get3A_696] {strides = array<i32>} : memref<4x128x64xf32, #tpu.memory_space<vmem>>, vector<16xf32>,
      %get3A_698 = arith.constant 1 : i32
      %get3A_699 = arith.index_cast %get3A_698 : i32 to index
      %get3A_700 = arith.index_cast %scan3A_655 : i32 to index
      %get3A_701 = arith.constant 32 : index
      %get3A_702 = tpu.vector_load %arg17[%get3A_699, %get3A_700, %get3A_701] {strides = array<i32>} : memref<4x128x64xf32, #tpu.memory_space<vmem>>, vector<16xf32>,
      %get3A_703 = arith.constant 1 : i32
      %get3A_704 = arith.index_cast %get3A_703 : i32 to index
      %get3A_705 = arith.index_cast %scan3A_655 : i32 to index
      %get3A_706 = arith.constant 32 : index
      %get3A_707 = tpu.vector_load %arg18[%get3A_704, %get3A_705, %get3A_706] {strides = array<i32>} : memref<4x128x64xf32, #tpu.memory_space<vmem>>, vector<16xf32>,
      %add3A_708 = arith.addf %get3A_697, %get3A_702 : vector<16xf32>
      %sub3A_709 = arith.subf %add3A_708, %get3A_707 : vector<16xf32>
      %abs3A_710 = math.absf %sub3A_709 : vector<16xf32>
      %add3A_711 = arith.addf %add3A_692, %abs3A_710 : vector<16xf32>
      %get3A_712 = arith.constant 1 : i32
      %get3A_713 = arith.index_cast %get3A_712 : i32 to index
      %get3A_714 = arith.index_cast %scan3A_655 : i32 to index
      %get3A_715 = arith.constant 48 : index
      %get3A_716 = tpu.vector_load %arg16[%get3A_713, %get3A_714, %get3A_715] {strides = array<i32>} : memref<4x128x64xf32, #tpu.memory_space<vmem>>, vector<16xf32>,
      %get3A_717 = arith.constant 1 : i32
      %get3A_718 = arith.index_cast %get3A_717 : i32 to index
      %get3A_719 = arith.index_cast %scan3A_655 : i32 to index
      %get3A_720 = arith.constant 48 : index
      %get3A_721 = tpu.vector_load %arg17[%get3A_718, %get3A_719, %get3A_720] {strides = array<i32>} : memref<4x128x64xf32, #tpu.memory_space<vmem>>, vector<16xf32>,
      %get3A_722 = arith.constant 1 : i32
      %get3A_723 = arith.index_cast %get3A_722 : i32 to index
      %get3A_724 = arith.index_cast %scan3A_655 : i32 to index
      %get3A_725 = arith.constant 48 : index
      %get3A_726 = tpu.vector_load %arg18[%get3A_723, %get3A_724, %get3A_725] {strides = array<i32>} : memref<4x128x64xf32, #tpu.memory_space<vmem>>, vector<16xf32>,
      %add3A_727 = arith.addf %get3A_716, %get3A_721 : vector<16xf32>
      %sub3A_728 = arith.subf %add3A_727, %get3A_726 : vector<16xf32>
      %abs3A_729 = math.absf %sub3A_728 : vector<16xf32>
      %add3A_730 = arith.addf %add3A_711, %abs3A_729 : vector<16xf32>
      %add3A_731 = arith.constant 128 : i32
      %add3A_732 = arith.addi %add3A_731, %scan3A_655 : i32
      %mul3A_733 = arith.constant 16 : i32
      %mul3A_734 = arith.muli %add3A_732, %mul3A_733 : i32
      %swap3A = arith.index_cast %mul3A_734 : i32 to index
      %swap3A_735 = tpu.vector_load %arg19[%swap3A] {strides = array<i32>} : memref<8192xf32, #tpu.memory_space<vmem>>, vector<16xf32>,
      tpu.vector_store %arg19[%swap3A], %add3A_730 {strides = array<i32>} : memref<8192xf32, #tpu.memory_space<vmem>>, vector<16xf32>,
      %scan3A_736 = arith.constant 0 : i32
      scf.yield %scan3A_736 : i32
    }
    %scan3A_303 = arith.constant 128 : i32
    %scan3A_304 = arith.constant 0 : i32
    %scan3A_305 = arith.constant 0 : i32
    %scan3A_306 = arith.constant 128 : i32
    %scan3A_307 = arith.addi %scan3A_305, %scan3A_306 : i32
    %scan3A_308 = arith.constant 1 : i32
    %scan3A_309 = scf.for %scan3A_655 = %scan3A_305 to %scan3A_307 step %scan3A_308 iter_args(%scan3A_656 = %scan3A_304) -> (i32)  : i32 {
      %broadcast_in_dim3A = arith.constant 0.000000e+00 : f32
      %broadcast_in_dim3A_657 = vector.broadcast %broadcast_in_dim3A : f32 to vector<16xf32>
      %get3A = arith.constant 2 : i32
      %get3A_658 = arith.index_cast %get3A : i32 to index
      %get3A_659 = arith.index_cast %scan3A_655 : i32 to index
      %get3A_660 = arith.constant 0 : index
      %get3A_661 = tpu.vector_load %arg16[%get3A_658, %get3A_659, %get3A_660] {strides = array<i32>} : memref<4x128x64xf32, #tpu.memory_space<vmem>>, vector<16xf32>,
      %get3A_662 = arith.constant 2 : i32
      %get3A_663 = arith.index_cast %get3A_662 : i32 to index
      %get3A_664 = arith.index_cast %scan3A_655 : i32 to index
      %get3A_665 = arith.constant 0 : index
      %get3A_666 = tpu.vector_load %arg17[%get3A_663, %get3A_664, %get3A_665] {strides = array<i32>} : memref<4x128x64xf32, #tpu.memory_space<vmem>>, vector<16xf32>,
      %get3A_667 = arith.constant 2 : i32
      %get3A_668 = arith.index_cast %get3A_667 : i32 to index
      %get3A_669 = arith.index_cast %scan3A_655 : i32 to index
      %get3A_670 = arith.constant 0 : index
      %get3A_671 = tpu.vector_load %arg18[%get3A_668, %get3A_669, %get3A_670] {strides = array<i32>} : memref<4x128x64xf32, #tpu.memory_space<vmem>>, vector<16xf32>,
      %add3A_672 = arith.addf %get3A_661, %get3A_666 : vector<16xf32>
      %sub3A = arith.subf %add3A_672, %get3A_671 : vector<16xf32>
      %abs3A = math.absf %sub3A : vector<16xf32>
      %add3A_673 = arith.addf %broadcast_in_dim3A_657, %abs3A : vector<16xf32>
      %get3A_674 = arith.constant 2 : i32
      %get3A_675 = arith.index_cast %get3A_674 : i32 to index
      %get3A_676 = arith.index_cast %scan3A_655 : i32 to index
      %get3A_677 = arith.constant 16 : index
      %get3A_678 = tpu.vector_load %arg16[%get3A_675, %get3A_676, %get3A_677] {strides = array<i32>} : memref<4x128x64xf32, #tpu.memory_space<vmem>>, vector<16xf32>,
      %get3A_679 = arith.constant 2 : i32
      %get3A_680 = arith.index_cast %get3A_679 : i32 to index
      %get3A_681 = arith.index_cast %scan3A_655 : i32 to index
      %get3A_682 = arith.constant 16 : index
      %get3A_683 = tpu.vector_load %arg17[%get3A_680, %get3A_681, %get3A_682] {strides = array<i32>} : memref<4x128x64xf32, #tpu.memory_space<vmem>>, vector<16xf32>,
      %get3A_684 = arith.constant 2 : i32
      %get3A_685 = arith.index_cast %get3A_684 : i32 to index
      %get3A_686 = arith.index_cast %scan3A_655 : i32 to index
      %get3A_687 = arith.constant 16 : index
      %get3A_688 = tpu.vector_load %arg18[%get3A_685, %get3A_686, %get3A_687] {strides = array<i32>} : memref<4x128x64xf32, #tpu.memory_space<vmem>>, vector<16xf32>,
      %add3A_689 = arith.addf %get3A_678, %get3A_683 : vector<16xf32>
      %sub3A_690 = arith.subf %add3A_689, %get3A_688 : vector<16xf32>
      %abs3A_691 = math.absf %sub3A_690 : vector<16xf32>
      %add3A_692 = arith.addf %add3A_673, %abs3A_691 : vector<16xf32>
      %get3A_693 = arith.constant 2 : i32
      %get3A_694 = arith.index_cast %get3A_693 : i32 to index
      %get3A_695 = arith.index_cast %scan3A_655 : i32 to index
      %get3A_696 = arith.constant 32 : index
      %get3A_697 = tpu.vector_load %arg16[%get3A_694, %get3A_695, %get3A_696] {strides = array<i32>} : memref<4x128x64xf32, #tpu.memory_space<vmem>>, vector<16xf32>,
      %get3A_698 = arith.constant 2 : i32
      %get3A_699 = arith.index_cast %get3A_698 : i32 to index
      %get3A_700 = arith.index_cast %scan3A_655 : i32 to index
      %get3A_701 = arith.constant 32 : index
      %get3A_702 = tpu.vector_load %arg17[%get3A_699, %get3A_700, %get3A_701] {strides = array<i32>} : memref<4x128x64xf32, #tpu.memory_space<vmem>>, vector<16xf32>,
      %get3A_703 = arith.constant 2 : i32
      %get3A_704 = arith.index_cast %get3A_703 : i32 to index
      %get3A_705 = arith.index_cast %scan3A_655 : i32 to index
      %get3A_706 = arith.constant 32 : index
      %get3A_707 = tpu.vector_load %arg18[%get3A_704, %get3A_705, %get3A_706] {strides = array<i32>} : memref<4x128x64xf32, #tpu.memory_space<vmem>>, vector<16xf32>,
      %add3A_708 = arith.addf %get3A_697, %get3A_702 : vector<16xf32>
      %sub3A_709 = arith.subf %add3A_708, %get3A_707 : vector<16xf32>
      %abs3A_710 = math.absf %sub3A_709 : vector<16xf32>
      %add3A_711 = arith.addf %add3A_692, %abs3A_710 : vector<16xf32>
      %get3A_712 = arith.constant 2 : i32
      %get3A_713 = arith.index_cast %get3A_712 : i32 to index
      %get3A_714 = arith.index_cast %scan3A_655 : i32 to index
      %get3A_715 = arith.constant 48 : index
      %get3A_716 = tpu.vector_load %arg16[%get3A_713, %get3A_714, %get3A_715] {strides = array<i32>} : memref<4x128x64xf32, #tpu.memory_space<vmem>>, vector<16xf32>,
      %get3A_717 = arith.constant 2 : i32
      %get3A_718 = arith.index_cast %get3A_717 : i32 to index
      %get3A_719 = arith.index_cast %scan3A_655 : i32 to index
      %get3A_720 = arith.constant 48 : index
      %get3A_721 = tpu.vector_load %arg17[%get3A_718, %get3A_719, %get3A_720] {strides = array<i32>} : memref<4x128x64xf32, #tpu.memory_space<vmem>>, vector<16xf32>,
      %get3A_722 = arith.constant 2 : i32
      %get3A_723 = arith.index_cast %get3A_722 : i32 to index
      %get3A_724 = arith.index_cast %scan3A_655 : i32 to index
      %get3A_725 = arith.constant 48 : index
      %get3A_726 = tpu.vector_load %arg18[%get3A_723, %get3A_724, %get3A_725] {strides = array<i32>} : memref<4x128x64xf32, #tpu.memory_space<vmem>>, vector<16xf32>,
      %add3A_727 = arith.addf %get3A_716, %get3A_721 : vector<16xf32>
      %sub3A_728 = arith.subf %add3A_727, %get3A_726 : vector<16xf32>
      %abs3A_729 = math.absf %sub3A_728 : vector<16xf32>
      %add3A_730 = arith.addf %add3A_711, %abs3A_729 : vector<16xf32>
      %add3A_731 = arith.constant 256 : i32
      %add3A_732 = arith.addi %add3A_731, %scan3A_655 : i32
      %mul3A_733 = arith.constant 16 : i32
      %mul3A_734 = arith.muli %add3A_732, %mul3A_733 : i32
      %swap3A = arith.index_cast %mul3A_734 : i32 to index
      %swap3A_735 = tpu.vector_load %arg19[%swap3A] {strides = array<i32>} : memref<8192xf32, #tpu.memory_space<vmem>>, vector<16xf32>,
      tpu.vector_store %arg19[%swap3A], %add3A_730 {strides = array<i32>} : memref<8192xf32, #tpu.memory_space<vmem>>, vector<16xf32>,
      %scan3A_736 = arith.constant 0 : i32
      scf.yield %scan3A_736 : i32
    }
    %scan3A_310 = arith.constant 128 : i32
    %scan3A_311 = arith.constant 0 : i32
    %scan3A_312 = arith.constant 0 : i32
    %scan3A_313 = arith.constant 128 : i32
    %scan3A_314 = arith.addi %scan3A_312, %scan3A_313 : i32
    %scan3A_315 = arith.constant 1 : i32
    %scan3A_316 = scf.for %scan3A_655 = %scan3A_312 to %scan3A_314 step %scan3A_315 iter_args(%scan3A_656 = %scan3A_311) -> (i32)  : i32 {
      %broadcast_in_dim3A = arith.constant 0.000000e+00 : f32
      %broadcast_in_dim3A_657 = vector.broadcast %broadcast_in_dim3A : f32 to vector<16xf32>
      %get3A = arith.constant 3 : i32
      %get3A_658 = arith.index_cast %get3A : i32 to index
      %get3A_659 = arith.index_cast %scan3A_655 : i32 to index
      %get3A_660 = arith.constant 0 : index
      %get3A_661 = tpu.vector_load %arg16[%get3A_658, %get3A_659, %get3A_660] {strides = array<i32>} : memref<4x128x64xf32, #tpu.memory_space<vmem>>, vector<16xf32>,
      %get3A_662 = arith.constant 3 : i32
      %get3A_663 = arith.index_cast %get3A_662 : i32 to index
      %get3A_664 = arith.index_cast %scan3A_655 : i32 to index
      %get3A_665 = arith.constant 0 : index
      %get3A_666 = tpu.vector_load %arg17[%get3A_663, %get3A_664, %get3A_665] {strides = array<i32>} : memref<4x128x64xf32, #tpu.memory_space<vmem>>, vector<16xf32>,
      %get3A_667 = arith.constant 3 : i32
      %get3A_668 = arith.index_cast %get3A_667 : i32 to index
      %get3A_669 = arith.index_cast %scan3A_655 : i32 to index
      %get3A_670 = arith.constant 0 : index
      %get3A_671 = tpu.vector_load %arg18[%get3A_668, %get3A_669, %get3A_670] {strides = array<i32>} : memref<4x128x64xf32, #tpu.memory_space<vmem>>, vector<16xf32>,
      %add3A_672 = arith.addf %get3A_661, %get3A_666 : vector<16xf32>
      %sub3A = arith.subf %add3A_672, %get3A_671 : vector<16xf32>
      %abs3A = math.absf %sub3A : vector<16xf32>
      %add3A_673 = arith.addf %broadcast_in_dim3A_657, %abs3A : vector<16xf32>
      %get3A_674 = arith.constant 3 : i32
      %get3A_675 = arith.index_cast %get3A_674 : i32 to index
      %get3A_676 = arith.index_cast %scan3A_655 : i32 to index
      %get3A_677 = arith.constant 16 : index
      %get3A_678 = tpu.vector_load %arg16[%get3A_675, %get3A_676, %get3A_677] {strides = array<i32>} : memref<4x128x64xf32, #tpu.memory_space<vmem>>, vector<16xf32>,
      %get3A_679 = arith.constant 3 : i32
      %get3A_680 = arith.index_cast %get3A_679 : i32 to index
      %get3A_681 = arith.index_cast %scan3A_655 : i32 to index
      %get3A_682 = arith.constant 16 : index
      %get3A_683 = tpu.vector_load %arg17[%get3A_680, %get3A_681, %get3A_682] {strides = array<i32>} : memref<4x128x64xf32, #tpu.memory_space<vmem>>, vector<16xf32>,
      %get3A_684 = arith.constant 3 : i32
      %get3A_685 = arith.index_cast %get3A_684 : i32 to index
      %get3A_686 = arith.index_cast %scan3A_655 : i32 to index
      %get3A_687 = arith.constant 16 : index
      %get3A_688 = tpu.vector_load %arg18[%get3A_685, %get3A_686, %get3A_687] {strides = array<i32>} : memref<4x128x64xf32, #tpu.memory_space<vmem>>, vector<16xf32>,
      %add3A_689 = arith.addf %get3A_678, %get3A_683 : vector<16xf32>
      %sub3A_690 = arith.subf %add3A_689, %get3A_688 : vector<16xf32>
      %abs3A_691 = math.absf %sub3A_690 : vector<16xf32>
      %add3A_692 = arith.addf %add3A_673, %abs3A_691 : vector<16xf32>
      %get3A_693 = arith.constant 3 : i32
      %get3A_694 = arith.index_cast %get3A_693 : i32 to index
      %get3A_695 = arith.index_cast %scan3A_655 : i32 to index
      %get3A_696 = arith.constant 32 : index
      %get3A_697 = tpu.vector_load %arg16[%get3A_694, %get3A_695, %get3A_696] {strides = array<i32>} : memref<4x128x64xf32, #tpu.memory_space<vmem>>, vector<16xf32>,
      %get3A_698 = arith.constant 3 : i32
      %get3A_699 = arith.index_cast %get3A_698 : i32 to index
      %get3A_700 = arith.index_cast %scan3A_655 : i32 to index
      %get3A_701 = arith.constant 32 : index
      %get3A_702 = tpu.vector_load %arg17[%get3A_699, %get3A_700, %get3A_701] {strides = array<i32>} : memref<4x128x64xf32, #tpu.memory_space<vmem>>, vector<16xf32>,
      %get3A_703 = arith.constant 3 : i32
      %get3A_704 = arith.index_cast %get3A_703 : i32 to index
      %get3A_705 = arith.index_cast %scan3A_655 : i32 to index
      %get3A_706 = arith.constant 32 : index
      %get3A_707 = tpu.vector_load %arg18[%get3A_704, %get3A_705, %get3A_706] {strides = array<i32>} : memref<4x128x64xf32, #tpu.memory_space<vmem>>, vector<16xf32>,
      %add3A_708 = arith.addf %get3A_697, %get3A_702 : vector<16xf32>
      %sub3A_709 = arith.subf %add3A_708, %get3A_707 : vector<16xf32>
      %abs3A_710 = math.absf %sub3A_709 : vector<16xf32>
      %add3A_711 = arith.addf %add3A_692, %abs3A_710 : vector<16xf32>
      %get3A_712 = arith.constant 3 : i32
      %get3A_713 = arith.index_cast %get3A_712 : i32 to index
      %get3A_714 = arith.index_cast %scan3A_655 : i32 to index
      %get3A_715 = arith.constant 48 : index
      %get3A_716 = tpu.vector_load %arg16[%get3A_713, %get3A_714, %get3A_715] {strides = array<i32>} : memref<4x128x64xf32, #tpu.memory_space<vmem>>, vector<16xf32>,
      %get3A_717 = arith.constant 3 : i32
      %get3A_718 = arith.index_cast %get3A_717 : i32 to index
      %get3A_719 = arith.index_cast %scan3A_655 : i32 to index
      %get3A_720 = arith.constant 48 : index
      %get3A_721 = tpu.vector_load %arg17[%get3A_718, %get3A_719, %get3A_720] {strides = array<i32>} : memref<4x128x64xf32, #tpu.memory_space<vmem>>, vector<16xf32>,
      %get3A_722 = arith.constant 3 : i32
      %get3A_723 = arith.index_cast %get3A_722 : i32 to index
      %get3A_724 = arith.index_cast %scan3A_655 : i32 to index
      %get3A_725 = arith.constant 48 : index
      %get3A_726 = tpu.vector_load %arg18[%get3A_723, %get3A_724, %get3A_725] {strides = array<i32>} : memref<4x128x64xf32, #tpu.memory_space<vmem>>, vector<16xf32>,
      %add3A_727 = arith.addf %get3A_716, %get3A_721 : vector<16xf32>
      %sub3A_728 = arith.subf %add3A_727, %get3A_726 : vector<16xf32>
      %abs3A_729 = math.absf %sub3A_728 : vector<16xf32>
      %add3A_730 = arith.addf %add3A_711, %abs3A_729 : vector<16xf32>
      %add3A_731 = arith.constant 384 : i32
      %add3A_732 = arith.addi %add3A_731, %scan3A_655 : i32
      %mul3A_733 = arith.constant 16 : i32
      %mul3A_734 = arith.muli %add3A_732, %mul3A_733 : i32
      %swap3A = arith.index_cast %mul3A_734 : i32 to index
      %swap3A_735 = tpu.vector_load %arg19[%swap3A] {strides = array<i32>} : memref<8192xf32, #tpu.memory_space<vmem>>, vector<16xf32>,
      tpu.vector_store %arg19[%swap3A], %add3A_730 {strides = array<i32>} : memref<8192xf32, #tpu.memory_space<vmem>>, vector<16xf32>,
      %scan3A_736 = arith.constant 0 : i32
      scf.yield %scan3A_736 : i32
    }
    %scan3A_317 = arith.constant 128 : i32
    %scan3A_318 = arith.constant 0 : i32
    %scan3A_319 = arith.constant 0 : i32
    %scan3A_320 = arith.constant 32 : i32
    %scan3A_321 = arith.addi %scan3A_319, %scan3A_320 : i32
    %scan3A_322 = arith.constant 1 : i32
    %scan3A_323 = scf.for %scan3A_655 = %scan3A_319 to %scan3A_321 step %scan3A_322 iter_args(%scan3A_656 = %scan3A_318) -> (i32)  : i32 {
      %mul3A_657 = arith.constant 16 : i32
      %mul3A_658 = arith.muli %scan3A_655, %mul3A_657 : i32
      %iota3A = tpu.iota {dimensions = array<i32: 0>} : vector<16xi32>
      %add3A_659 = vector.broadcast %mul3A_658 : i32 to vector<16xi32>
      %add3A_660 = arith.addi %add3A_659, %iota3A : vector<16xi32>
      %mul3A_661 = arith.constant 16 : i32
      %mul3A_662 = vector.broadcast %mul3A_661 : i32 to vector<16xi32>
      %mul3A_663 = arith.muli %add3A_660, %mul3A_662 : vector<16xi32>
      %broadcast_in_dim3A = arith.constant 0.000000e+00 : f32
      %broadcast_in_dim3A_664 = vector.broadcast %broadcast_in_dim3A : f32 to vector<16xf32>
      %add3A_665 = arith.constant 0 : i32
      %add3A_666 = vector.broadcast %add3A_665 : i32 to vector<16xi32>
      %add3A_667 = arith.addi %mul3A_663, %add3A_666 : vector<16xi32>
      %gather3A = tpu.vector_load_idx %arg19[%add3A_667] : memref<8192xf32, #tpu.memory_space<vmem>>[vector<16xi32>], vector<16xf32>,
      %add3A_668 = arith.addf %broadcast_in_dim3A_664, %gather3A : vector<16xf32>
      %add3A_669 = arith.constant 1 : i32
      %add3A_670 = vector.broadcast %add3A_669 : i32 to vector<16xi32>
      %add3A_671 = arith.addi %mul3A_663, %add3A_670 : vector<16xi32>
      %gather3A_672 = tpu.vector_load_idx %arg19[%add3A_671] : memref<8192xf32, #tpu.memory_space<vmem>>[vector<16xi32>], vector<16xf32>,
      %add3A_673 = arith.addf %add3A_668, %gather3A_672 : vector<16xf32>
      %add3A_674 = arith.constant 2 : i32
      %add3A_675 = vector.broadcast %add3A_674 : i32 to vector<16xi32>
      %add3A_676 = arith.addi %mul3A_663, %add3A_675 : vector<16xi32>
      %gather3A_677 = tpu.vector_load_idx %arg19[%add3A_676] : memref<8192xf32, #tpu.memory_space<vmem>>[vector<16xi32>], vector<16xf32>,
      %add3A_678 = arith.addf %add3A_673, %gather3A_677 : vector<16xf32>
      %add3A_679 = arith.constant 3 : i32
      %add3A_680 = vector.broadcast %add3A_679 : i32 to vector<16xi32>
      %add3A_681 = arith.addi %mul3A_663, %add3A_680 : vector<16xi32>
      %gather3A_682 = tpu.vector_load_idx %arg19[%add3A_681] : memref<8192xf32, #tpu.memory_space<vmem>>[vector<16xi32>], vector<16xf32>,
      %add3A_683 = arith.addf %add3A_678, %gather3A_682 : vector<16xf32>
      %add3A_684 = arith.constant 4 : i32
      %add3A_685 = vector.broadcast %add3A_684 : i32 to vector<16xi32>
      %add3A_686 = arith.addi %mul3A_663, %add3A_685 : vector<16xi32>
      %gather3A_687 = tpu.vector_load_idx %arg19[%add3A_686] : memref<8192xf32, #tpu.memory_space<vmem>>[vector<16xi32>], vector<16xf32>,
      %add3A_688 = arith.addf %add3A_683, %gather3A_687 : vector<16xf32>
      %add3A_689 = arith.constant 5 : i32
      %add3A_690 = vector.broadcast %add3A_689 : i32 to vector<16xi32>
      %add3A_691 = arith.addi %mul3A_663, %add3A_690 : vector<16xi32>
      %gather3A_692 = tpu.vector_load_idx %arg19[%add3A_691] : memref<8192xf32, #tpu.memory_space<vmem>>[vector<16xi32>], vector<16xf32>,
      %add3A_693 = arith.addf %add3A_688, %gather3A_692 : vector<16xf32>
      %add3A_694 = arith.constant 6 : i32
      %add3A_695 = vector.broadcast %add3A_694 : i32 to vector<16xi32>
      %add3A_696 = arith.addi %mul3A_663, %add3A_695 : vector<16xi32>
      %gather3A_697 = tpu.vector_load_idx %arg19[%add3A_696] : memref<8192xf32, #tpu.memory_space<vmem>>[vector<16xi32>], vector<16xf32>,
      %add3A_698 = arith.addf %add3A_693, %gather3A_697 : vector<16xf32>
      %add3A_699 = arith.constant 7 : i32
      %add3A_700 = vector.broadcast %add3A_699 : i32 to vector<16xi32>
      %add3A_701 = arith.addi %mul3A_663, %add3A_700 : vector<16xi32>
      %gather3A_702 = tpu.vector_load_idx %arg19[%add3A_701] : memref<8192xf32, #tpu.memory_space<vmem>>[vector<16xi32>], vector<16xf32>,
      %add3A_703 = arith.addf %add3A_698, %gather3A_702 : vector<16xf32>
      %add3A_704 = arith.constant 8 : i32
      %add3A_705 = vector.broadcast %add3A_704 : i32 to vector<16xi32>
      %add3A_706 = arith.addi %mul3A_663, %add3A_705 : vector<16xi32>
      %gather3A_707 = tpu.vector_load_idx %arg19[%add3A_706] : memref<8192xf32, #tpu.memory_space<vmem>>[vector<16xi32>], vector<16xf32>,
      %add3A_708 = arith.addf %add3A_703, %gather3A_707 : vector<16xf32>
      %add3A_709 = arith.constant 9 : i32
      %add3A_710 = vector.broadcast %add3A_709 : i32 to vector<16xi32>
      %add3A_711 = arith.addi %mul3A_663, %add3A_710 : vector<16xi32>
      %gather3A_712 = tpu.vector_load_idx %arg19[%add3A_711] : memref<8192xf32, #tpu.memory_space<vmem>>[vector<16xi32>], vector<16xf32>,
      %add3A_713 = arith.addf %add3A_708, %gather3A_712 : vector<16xf32>
      %add3A_714 = arith.constant 10 : i32
      %add3A_715 = vector.broadcast %add3A_714 : i32 to vector<16xi32>
      %add3A_716 = arith.addi %mul3A_663, %add3A_715 : vector<16xi32>
      %gather3A_717 = tpu.vector_load_idx %arg19[%add3A_716] : memref<8192xf32, #tpu.memory_space<vmem>>[vector<16xi32>], vector<16xf32>,
      %add3A_718 = arith.addf %add3A_713, %gather3A_717 : vector<16xf32>
      %add3A_719 = arith.constant 11 : i32
      %add3A_720 = vector.broadcast %add3A_719 : i32 to vector<16xi32>
      %add3A_721 = arith.addi %mul3A_663, %add3A_720 : vector<16xi32>
      %gather3A_722 = tpu.vector_load_idx %arg19[%add3A_721] : memref<8192xf32, #tpu.memory_space<vmem>>[vector<16xi32>], vector<16xf32>,
      %add3A_723 = arith.addf %add3A_718, %gather3A_722 : vector<16xf32>
      %add3A_724 = arith.constant 12 : i32
      %add3A_725 = vector.broadcast %add3A_724 : i32 to vector<16xi32>
      %add3A_726 = arith.addi %mul3A_663, %add3A_725 : vector<16xi32>
      %gather3A_727 = tpu.vector_load_idx %arg19[%add3A_726] : memref<8192xf32, #tpu.memory_space<vmem>>[vector<16xi32>], vector<16xf32>,
      %add3A_728 = arith.addf %add3A_723, %gather3A_727 : vector<16xf32>
      %add3A_729 = arith.constant 13 : i32
      %add3A_730 = vector.broadcast %add3A_729 : i32 to vector<16xi32>
      %add3A_731 = arith.addi %mul3A_663, %add3A_730 : vector<16xi32>
      %gather3A_732 = tpu.vector_load_idx %arg19[%add3A_731] : memref<8192xf32, #tpu.memory_space<vmem>>[vector<16xi32>], vector<16xf32>,
      %add3A_733 = arith.addf %add3A_728, %gather3A_732 : vector<16xf32>
      %add3A_734 = arith.constant 14 : i32
      %add3A_735 = vector.broadcast %add3A_734 : i32 to vector<16xi32>
      %add3A_736 = arith.addi %mul3A_663, %add3A_735 : vector<16xi32>
      %gather3A_737 = tpu.vector_load_idx %arg19[%add3A_736] : memref<8192xf32, #tpu.memory_space<vmem>>[vector<16xi32>], vector<16xf32>,
      %add3A_738 = arith.addf %add3A_733, %gather3A_737 : vector<16xf32>
      %add3A_739 = arith.constant 15 : i32
      %add3A_740 = vector.broadcast %add3A_739 : i32 to vector<16xi32>
      %add3A_741 = arith.addi %mul3A_663, %add3A_740 : vector<16xi32>
      %gather3A_742 = tpu.vector_load_idx %arg19[%add3A_741] : memref<8192xf32, #tpu.memory_space<vmem>>[vector<16xi32>], vector<16xf32>,
      %add3A_743 = arith.addf %add3A_738, %gather3A_742 : vector<16xf32>
      %mul3A_744 = arith.constant 16 : i32
      %mul3A_745 = arith.muli %scan3A_655, %mul3A_744 : i32
      %swap3A = arith.index_cast %mul3A_745 : i32 to index
      %swap3A_746 = tpu.vector_load %arg20[%swap3A] {strides = array<i32>} : memref<512xf32, #tpu.memory_space<vmem>>, vector<16xf32>,
      tpu.vector_store %arg20[%swap3A], %add3A_743 {strides = array<i32>} : memref<512xf32, #tpu.memory_space<vmem>>, vector<16xf32>,
      %scan3A_747 = arith.constant 0 : i32
      scf.yield %scan3A_747 : i32
    }
    %scan3A_324 = arith.constant 32 : i32
    "tpu.region"() ({
      %run_scoped3A = tpu.sem_alloc : memref<!tpu.dma_semaphore, #tpu.memory_space<semaphore_mem>>
      %dma_start3A_655 = arith.constant 0 : i32
      %dma_start3A_656 = tpu.memref_slice %arg5[%mul3A_2, %dma_start3A_655] : memref<128x128xi32, #tpu.memory_space<hbm>> -> memref<4x128xi32, #tpu.memory_space<hbm>>
      %dma_start3A_657 = arith.constant 0 : i32
      %dma_start3A_658 = tpu.memref_slice %arg5[%mul3A_2, %dma_start3A_657] : memref<128x128xi32, #tpu.memory_space<hbm>> -> memref<4x128xi32, #tpu.memory_space<hbm>>
      tpu.enqueue_dma source(%dma_start3A_658 : memref<4x128xi32, #tpu.memory_space<hbm>>) target(%arg13 : memref<4x128xi32, #tpu.memory_space<vmem>>) target_semaphore(%run_scoped3A : memref<!tpu.dma_semaphore, #tpu.memory_space<semaphore_mem>>)
      %dma_wait3A_659 = arith.constant 0 : i32
      %dma_wait3A_660 = tpu.memref_slice %arg5[%mul3A_2, %dma_wait3A_659] : memref<128x128xi32, #tpu.memory_space<hbm>> -> memref<4x128xi32, #tpu.memory_space<hbm>>
      %dma_wait3A_661 = arith.constant 0 : i32
      %dma_wait3A_662 = tpu.memref_slice %arg5[%mul3A_2, %dma_wait3A_661] : memref<128x128xi32, #tpu.memory_space<hbm>> -> memref<4x128xi32, #tpu.memory_space<hbm>>
      tpu.wait_dma2 semaphore(%run_scoped3A : memref<!tpu.dma_semaphore, #tpu.memory_space<semaphore_mem>>) src(%dma_wait3A_662 : memref<4x128xi32, #tpu.memory_space<hbm>>) dst(%arg13 : memref<4x128xi32, #tpu.memory_space<vmem>>)
      tpu.yield
    }) : () -> ()
    "tpu.region"() ({
      %run_scoped3A = tpu.sem_alloc : memref<!tpu.dma_semaphore, #tpu.memory_space<semaphore_mem>>
      %dma_start3A_655 = arith.constant 0 : i32
      %dma_start3A_656 = tpu.memref_slice %arg6[%mul3A_2, %dma_start3A_655] : memref<128x128xi32, #tpu.memory_space<hbm>> -> memref<4x128xi32, #tpu.memory_space<hbm>>
      %dma_start3A_657 = arith.constant 0 : i32
      %dma_start3A_658 = tpu.memref_slice %arg6[%mul3A_2, %dma_start3A_657] : memref<128x128xi32, #tpu.memory_space<hbm>> -> memref<4x128xi32, #tpu.memory_space<hbm>>
      tpu.enqueue_dma source(%dma_start3A_658 : memref<4x128xi32, #tpu.memory_space<hbm>>) target(%arg14 : memref<4x128xi32, #tpu.memory_space<vmem>>) target_semaphore(%run_scoped3A : memref<!tpu.dma_semaphore, #tpu.memory_space<semaphore_mem>>)
      %dma_wait3A_659 = arith.constant 0 : i32
      %dma_wait3A_660 = tpu.memref_slice %arg6[%mul3A_2, %dma_wait3A_659] : memref<128x128xi32, #tpu.memory_space<hbm>> -> memref<4x128xi32, #tpu.memory_space<hbm>>
      %dma_wait3A_661 = arith.constant 0 : i32
      %dma_wait3A_662 = tpu.memref_slice %arg6[%mul3A_2, %dma_wait3A_661] : memref<128x128xi32, #tpu.memory_space<hbm>> -> memref<4x128xi32, #tpu.memory_space<hbm>>
      tpu.wait_dma2 semaphore(%run_scoped3A : memref<!tpu.dma_semaphore, #tpu.memory_space<semaphore_mem>>) src(%dma_wait3A_662 : memref<4x128xi32, #tpu.memory_space<hbm>>) dst(%arg14 : memref<4x128xi32, #tpu.memory_space<vmem>>)
      tpu.yield
    }) : () -> ()
    "tpu.region"() ({
      %run_scoped3A = tpu.sem_alloc : memref<!tpu.dma_semaphore, #tpu.memory_space<semaphore_mem>>
      %dma_start3A_655 = arith.constant 0 : i32
      %dma_start3A_656 = tpu.memref_slice %arg7[%mul3A_2, %dma_start3A_655] : memref<128x128xi32, #tpu.memory_space<hbm>> -> memref<4x128xi32, #tpu.memory_space<hbm>>
      %dma_start3A_657 = arith.constant 0 : i32
      %dma_start3A_658 = tpu.memref_slice %arg7[%mul3A_2, %dma_start3A_657] : memref<128x128xi32, #tpu.memory_space<hbm>> -> memref<4x128xi32, #tpu.memory_space<hbm>>
      tpu.enqueue_dma source(%dma_start3A_658 : memref<4x128xi32, #tpu.memory_space<hbm>>) target(%arg15 : memref<4x128xi32, #tpu.memory_space<vmem>>) target_semaphore(%run_scoped3A : memref<!tpu.dma_semaphore, #tpu.memory_space<semaphore_mem>>)
      %dma_wait3A_659 = arith.constant 0 : i32
      %dma_wait3A_660 = tpu.memref_slice %arg7[%mul3A_2, %dma_wait3A_659] : memref<128x128xi32, #tpu.memory_space<hbm>> -> memref<4x128xi32, #tpu.memory_space<hbm>>
      %dma_wait3A_661 = arith.constant 0 : i32
      %dma_wait3A_662 = tpu.memref_slice %arg7[%mul3A_2, %dma_wait3A_661] : memref<128x128xi32, #tpu.memory_space<hbm>> -> memref<4x128xi32, #tpu.memory_space<hbm>>
      tpu.wait_dma2 semaphore(%run_scoped3A : memref<!tpu.dma_semaphore, #tpu.memory_space<semaphore_mem>>) src(%dma_wait3A_662 : memref<4x128xi32, #tpu.memory_space<hbm>>) dst(%arg15 : memref<4x128xi32, #tpu.memory_space<vmem>>)
      tpu.yield
    }) : () -> ()
    %dma_start3A_325 = arith.constant 0 : i32
    %dma_start3A_326 = arith.constant 0 : i32
    %dma_start3A_327 = arith.constant 0 : i32
    %dma_start3A_328 = arith.constant 0 : i32
    %dma_start3A_329 = tpu.memref_slice %arg16[%dma_start3A_326, %dma_start3A_327, %dma_start3A_328] : memref<4x128x64xf32, #tpu.memory_space<vmem>> -> memref<1x128x64xf32, #tpu.memory_space<vmem>>
    %dma_start3A_330 = tpu.memref_squeeze %dma_start3A_329 : memref<1x128x64xf32, #tpu.memory_space<vmem>> -> memref<128x64xf32, #tpu.memory_space<vmem>>
    %dma_start3A_331 = arith.constant 0 : i32
    %dma_start3A_332 = tpu.memref_slice %arg13[%dma_start3A_325, %dma_start3A_331] : memref<4x128xi32, #tpu.memory_space<vmem>> -> memref<1x128xi32, #tpu.memory_space<vmem>>
    %dma_start3A_333 = tpu.memref_squeeze %dma_start3A_332 : memref<1x128xi32, #tpu.memory_space<vmem>> -> memref<128xi32, #tpu.memory_space<vmem>>
    %dma_start3A_334 = arith.constant 0 : i32
    %dma_start3A_335 = arith.constant 0 : i32
    %dma_start3A_336 = tpu.memref_slice %arg8[%dma_start3A_334, %dma_start3A_335] : memref<1000000x64xf32, #tpu.memory_space<hbm>> -> memref<1000000x64xf32, #tpu.memory_space<hbm>>
    tpu.enqueue_indirect_dma source(%dma_start3A_336 : memref<1000000x64xf32, #tpu.memory_space<hbm>>) target(%dma_start3A_330 : memref<128x64xf32, #tpu.memory_space<vmem>>) offsets(%dma_start3A_333 : memref<128xi32, #tpu.memory_space<vmem>>) semaphore(%arg23 : memref<!tpu.dma_semaphore, #tpu.memory_space<semaphore_mem>>)
    %dma_start3A_337 = arith.constant 0 : i32
    %dma_start3A_338 = arith.constant 0 : i32
    %dma_start3A_339 = arith.constant 0 : i32
    %dma_start3A_340 = arith.constant 0 : i32
    %dma_start3A_341 = tpu.memref_slice %arg17[%dma_start3A_338, %dma_start3A_339, %dma_start3A_340] : memref<4x128x64xf32, #tpu.memory_space<vmem>> -> memref<1x128x64xf32, #tpu.memory_space<vmem>>
    %dma_start3A_342 = tpu.memref_squeeze %dma_start3A_341 : memref<1x128x64xf32, #tpu.memory_space<vmem>> -> memref<128x64xf32, #tpu.memory_space<vmem>>
    %dma_start3A_343 = arith.constant 0 : i32
    %dma_start3A_344 = tpu.memref_slice %arg14[%dma_start3A_337, %dma_start3A_343] : memref<4x128xi32, #tpu.memory_space<vmem>> -> memref<1x128xi32, #tpu.memory_space<vmem>>
    %dma_start3A_345 = tpu.memref_squeeze %dma_start3A_344 : memref<1x128xi32, #tpu.memory_space<vmem>> -> memref<128xi32, #tpu.memory_space<vmem>>
    %dma_start3A_346 = arith.constant 0 : i32
    %dma_start3A_347 = arith.constant 0 : i32
    %dma_start3A_348 = tpu.memref_slice %arg9[%dma_start3A_346, %dma_start3A_347] : memref<1000x64xf32, #tpu.memory_space<hbm>> -> memref<1000x64xf32, #tpu.memory_space<hbm>>
    tpu.enqueue_indirect_dma source(%dma_start3A_348 : memref<1000x64xf32, #tpu.memory_space<hbm>>) target(%dma_start3A_342 : memref<128x64xf32, #tpu.memory_space<vmem>>) offsets(%dma_start3A_345 : memref<128xi32, #tpu.memory_space<vmem>>) semaphore(%arg23 : memref<!tpu.dma_semaphore, #tpu.memory_space<semaphore_mem>>)
    %dma_start3A_349 = arith.constant 0 : i32
    %dma_start3A_350 = arith.constant 0 : i32
    %dma_start3A_351 = arith.constant 0 : i32
    %dma_start3A_352 = arith.constant 0 : i32
    %dma_start3A_353 = tpu.memref_slice %arg18[%dma_start3A_350, %dma_start3A_351, %dma_start3A_352] : memref<4x128x64xf32, #tpu.memory_space<vmem>> -> memref<1x128x64xf32, #tpu.memory_space<vmem>>
    %dma_start3A_354 = tpu.memref_squeeze %dma_start3A_353 : memref<1x128x64xf32, #tpu.memory_space<vmem>> -> memref<128x64xf32, #tpu.memory_space<vmem>>
    %dma_start3A_355 = arith.constant 0 : i32
    %dma_start3A_356 = tpu.memref_slice %arg15[%dma_start3A_349, %dma_start3A_355] : memref<4x128xi32, #tpu.memory_space<vmem>> -> memref<1x128xi32, #tpu.memory_space<vmem>>
    %dma_start3A_357 = tpu.memref_squeeze %dma_start3A_356 : memref<1x128xi32, #tpu.memory_space<vmem>> -> memref<128xi32, #tpu.memory_space<vmem>>
    %dma_start3A_358 = arith.constant 0 : i32
    %dma_start3A_359 = arith.constant 0 : i32
    %dma_start3A_360 = tpu.memref_slice %arg8[%dma_start3A_358, %dma_start3A_359] : memref<1000000x64xf32, #tpu.memory_space<hbm>> -> memref<1000000x64xf32, #tpu.memory_space<hbm>>
    tpu.enqueue_indirect_dma source(%dma_start3A_360 : memref<1000000x64xf32, #tpu.memory_space<hbm>>) target(%dma_start3A_354 : memref<128x64xf32, #tpu.memory_space<vmem>>) offsets(%dma_start3A_357 : memref<128xi32, #tpu.memory_space<vmem>>) semaphore(%arg23 : memref<!tpu.dma_semaphore, #tpu.memory_space<semaphore_mem>>)
    %dma_start3A_361 = arith.constant 1 : i32
    %dma_start3A_362 = arith.constant 1 : i32
    %dma_start3A_363 = arith.constant 0 : i32
    %dma_start3A_364 = arith.constant 0 : i32
    %dma_start3A_365 = tpu.memref_slice %arg16[%dma_start3A_362, %dma_start3A_363, %dma_start3A_364] : memref<4x128x64xf32, #tpu.memory_space<vmem>> -> memref<1x128x64xf32, #tpu.memory_space<vmem>>
    %dma_start3A_366 = tpu.memref_squeeze %dma_start3A_365 : memref<1x128x64xf32, #tpu.memory_space<vmem>> -> memref<128x64xf32, #tpu.memory_space<vmem>>
    %dma_start3A_367 = arith.constant 0 : i32
    %dma_start3A_368 = tpu.memref_slice %arg13[%dma_start3A_361, %dma_start3A_367] : memref<4x128xi32, #tpu.memory_space<vmem>> -> memref<1x128xi32, #tpu.memory_space<vmem>>
    %dma_start3A_369 = tpu.memref_squeeze %dma_start3A_368 : memref<1x128xi32, #tpu.memory_space<vmem>> -> memref<128xi32, #tpu.memory_space<vmem>>
    %dma_start3A_370 = arith.constant 0 : i32
    %dma_start3A_371 = arith.constant 0 : i32
    %dma_start3A_372 = tpu.memref_slice %arg8[%dma_start3A_370, %dma_start3A_371] : memref<1000000x64xf32, #tpu.memory_space<hbm>> -> memref<1000000x64xf32, #tpu.memory_space<hbm>>
    tpu.enqueue_indirect_dma source(%dma_start3A_372 : memref<1000000x64xf32, #tpu.memory_space<hbm>>) target(%dma_start3A_366 : memref<128x64xf32, #tpu.memory_space<vmem>>) offsets(%dma_start3A_369 : memref<128xi32, #tpu.memory_space<vmem>>) semaphore(%arg23 : memref<!tpu.dma_semaphore, #tpu.memory_space<semaphore_mem>>)
    %dma_start3A_373 = arith.constant 1 : i32
    %dma_start3A_374 = arith.constant 1 : i32
    %dma_start3A_375 = arith.constant 0 : i32
    %dma_start3A_376 = arith.constant 0 : i32
    %dma_start3A_377 = tpu.memref_slice %arg17[%dma_start3A_374, %dma_start3A_375, %dma_start3A_376] : memref<4x128x64xf32, #tpu.memory_space<vmem>> -> memref<1x128x64xf32, #tpu.memory_space<vmem>>
    %dma_start3A_378 = tpu.memref_squeeze %dma_start3A_377 : memref<1x128x64xf32, #tpu.memory_space<vmem>> -> memref<128x64xf32, #tpu.memory_space<vmem>>
    %dma_start3A_379 = arith.constant 0 : i32
    %dma_start3A_380 = tpu.memref_slice %arg14[%dma_start3A_373, %dma_start3A_379] : memref<4x128xi32, #tpu.memory_space<vmem>> -> memref<1x128xi32, #tpu.memory_space<vmem>>
    %dma_start3A_381 = tpu.memref_squeeze %dma_start3A_380 : memref<1x128xi32, #tpu.memory_space<vmem>> -> memref<128xi32, #tpu.memory_space<vmem>>
    %dma_start3A_382 = arith.constant 0 : i32
    %dma_start3A_383 = arith.constant 0 : i32
    %dma_start3A_384 = tpu.memref_slice %arg9[%dma_start3A_382, %dma_start3A_383] : memref<1000x64xf32, #tpu.memory_space<hbm>> -> memref<1000x64xf32, #tpu.memory_space<hbm>>
    tpu.enqueue_indirect_dma source(%dma_start3A_384 : memref<1000x64xf32, #tpu.memory_space<hbm>>) target(%dma_start3A_378 : memref<128x64xf32, #tpu.memory_space<vmem>>) offsets(%dma_start3A_381 : memref<128xi32, #tpu.memory_space<vmem>>) semaphore(%arg23 : memref<!tpu.dma_semaphore, #tpu.memory_space<semaphore_mem>>)
    %dma_start3A_385 = arith.constant 1 : i32
    %dma_start3A_386 = arith.constant 1 : i32
    %dma_start3A_387 = arith.constant 0 : i32
    %dma_start3A_388 = arith.constant 0 : i32
    %dma_start3A_389 = tpu.memref_slice %arg18[%dma_start3A_386, %dma_start3A_387, %dma_start3A_388] : memref<4x128x64xf32, #tpu.memory_space<vmem>> -> memref<1x128x64xf32, #tpu.memory_space<vmem>>
    %dma_start3A_390 = tpu.memref_squeeze %dma_start3A_389 : memref<1x128x64xf32, #tpu.memory_space<vmem>> -> memref<128x64xf32, #tpu.memory_space<vmem>>
    %dma_start3A_391 = arith.constant 0 : i32
    %dma_start3A_392 = tpu.memref_slice %arg15[%dma_start3A_385, %dma_start3A_391] : memref<4x128xi32, #tpu.memory_space<vmem>> -> memref<1x128xi32, #tpu.memory_space<vmem>>
    %dma_start3A_393 = tpu.memref_squeeze %dma_start3A_392 : memref<1x128xi32, #tpu.memory_space<vmem>> -> memref<128xi32, #tpu.memory_space<vmem>>
    %dma_start3A_394 = arith.constant 0 : i32
    %dma_start3A_395 = arith.constant 0 : i32
    %dma_start3A_396 = tpu.memref_slice %arg8[%dma_start3A_394, %dma_start3A_395] : memref<1000000x64xf32, #tpu.memory_space<hbm>> -> memref<1000000x64xf32, #tpu.memory_space<hbm>>
    tpu.enqueue_indirect_dma source(%dma_start3A_396 : memref<1000000x64xf32, #tpu.memory_space<hbm>>) target(%dma_start3A_390 : memref<128x64xf32, #tpu.memory_space<vmem>>) offsets(%dma_start3A_393 : memref<128xi32, #tpu.memory_space<vmem>>) semaphore(%arg23 : memref<!tpu.dma_semaphore, #tpu.memory_space<semaphore_mem>>)
    %dma_start3A_397 = arith.constant 2 : i32
    %dma_start3A_398 = arith.constant 2 : i32
    %dma_start3A_399 = arith.constant 0 : i32
    %dma_start3A_400 = arith.constant 0 : i32
    %dma_start3A_401 = tpu.memref_slice %arg16[%dma_start3A_398, %dma_start3A_399, %dma_start3A_400] : memref<4x128x64xf32, #tpu.memory_space<vmem>> -> memref<1x128x64xf32, #tpu.memory_space<vmem>>
    %dma_start3A_402 = tpu.memref_squeeze %dma_start3A_401 : memref<1x128x64xf32, #tpu.memory_space<vmem>> -> memref<128x64xf32, #tpu.memory_space<vmem>>
    %dma_start3A_403 = arith.constant 0 : i32
    %dma_start3A_404 = tpu.memref_slice %arg13[%dma_start3A_397, %dma_start3A_403] : memref<4x128xi32, #tpu.memory_space<vmem>> -> memref<1x128xi32, #tpu.memory_space<vmem>>
    %dma_start3A_405 = tpu.memref_squeeze %dma_start3A_404 : memref<1x128xi32, #tpu.memory_space<vmem>> -> memref<128xi32, #tpu.memory_space<vmem>>
    %dma_start3A_406 = arith.constant 0 : i32
    %dma_start3A_407 = arith.constant 0 : i32
    %dma_start3A_408 = tpu.memref_slice %arg8[%dma_start3A_406, %dma_start3A_407] : memref<1000000x64xf32, #tpu.memory_space<hbm>> -> memref<1000000x64xf32, #tpu.memory_space<hbm>>
    tpu.enqueue_indirect_dma source(%dma_start3A_408 : memref<1000000x64xf32, #tpu.memory_space<hbm>>) target(%dma_start3A_402 : memref<128x64xf32, #tpu.memory_space<vmem>>) offsets(%dma_start3A_405 : memref<128xi32, #tpu.memory_space<vmem>>) semaphore(%arg23 : memref<!tpu.dma_semaphore, #tpu.memory_space<semaphore_mem>>)
    %dma_start3A_409 = arith.constant 2 : i32
    %dma_start3A_410 = arith.constant 2 : i32
    %dma_start3A_411 = arith.constant 0 : i32
    %dma_start3A_412 = arith.constant 0 : i32
    %dma_start3A_413 = tpu.memref_slice %arg17[%dma_start3A_410, %dma_start3A_411, %dma_start3A_412] : memref<4x128x64xf32, #tpu.memory_space<vmem>> -> memref<1x128x64xf32, #tpu.memory_space<vmem>>
    %dma_start3A_414 = tpu.memref_squeeze %dma_start3A_413 : memref<1x128x64xf32, #tpu.memory_space<vmem>> -> memref<128x64xf32, #tpu.memory_space<vmem>>
    %dma_start3A_415 = arith.constant 0 : i32
    %dma_start3A_416 = tpu.memref_slice %arg14[%dma_start3A_409, %dma_start3A_415] : memref<4x128xi32, #tpu.memory_space<vmem>> -> memref<1x128xi32, #tpu.memory_space<vmem>>
    %dma_start3A_417 = tpu.memref_squeeze %dma_start3A_416 : memref<1x128xi32, #tpu.memory_space<vmem>> -> memref<128xi32, #tpu.memory_space<vmem>>
    %dma_start3A_418 = arith.constant 0 : i32
    %dma_start3A_419 = arith.constant 0 : i32
    %dma_start3A_420 = tpu.memref_slice %arg9[%dma_start3A_418, %dma_start3A_419] : memref<1000x64xf32, #tpu.memory_space<hbm>> -> memref<1000x64xf32, #tpu.memory_space<hbm>>
    tpu.enqueue_indirect_dma source(%dma_start3A_420 : memref<1000x64xf32, #tpu.memory_space<hbm>>) target(%dma_start3A_414 : memref<128x64xf32, #tpu.memory_space<vmem>>) offsets(%dma_start3A_417 : memref<128xi32, #tpu.memory_space<vmem>>) semaphore(%arg23 : memref<!tpu.dma_semaphore, #tpu.memory_space<semaphore_mem>>)
    %dma_start3A_421 = arith.constant 2 : i32
    %dma_start3A_422 = arith.constant 2 : i32
    %dma_start3A_423 = arith.constant 0 : i32
    %dma_start3A_424 = arith.constant 0 : i32
    %dma_start3A_425 = tpu.memref_slice %arg18[%dma_start3A_422, %dma_start3A_423, %dma_start3A_424] : memref<4x128x64xf32, #tpu.memory_space<vmem>> -> memref<1x128x64xf32, #tpu.memory_space<vmem>>
    %dma_start3A_426 = tpu.memref_squeeze %dma_start3A_425 : memref<1x128x64xf32, #tpu.memory_space<vmem>> -> memref<128x64xf32, #tpu.memory_space<vmem>>
    %dma_start3A_427 = arith.constant 0 : i32
    %dma_start3A_428 = tpu.memref_slice %arg15[%dma_start3A_421, %dma_start3A_427] : memref<4x128xi32, #tpu.memory_space<vmem>> -> memref<1x128xi32, #tpu.memory_space<vmem>>
    %dma_start3A_429 = tpu.memref_squeeze %dma_start3A_428 : memref<1x128xi32, #tpu.memory_space<vmem>> -> memref<128xi32, #tpu.memory_space<vmem>>
    %dma_start3A_430 = arith.constant 0 : i32
    %dma_start3A_431 = arith.constant 0 : i32
    %dma_start3A_432 = tpu.memref_slice %arg8[%dma_start3A_430, %dma_start3A_431] : memref<1000000x64xf32, #tpu.memory_space<hbm>> -> memref<1000000x64xf32, #tpu.memory_space<hbm>>
    tpu.enqueue_indirect_dma source(%dma_start3A_432 : memref<1000000x64xf32, #tpu.memory_space<hbm>>) target(%dma_start3A_426 : memref<128x64xf32, #tpu.memory_space<vmem>>) offsets(%dma_start3A_429 : memref<128xi32, #tpu.memory_space<vmem>>) semaphore(%arg23 : memref<!tpu.dma_semaphore, #tpu.memory_space<semaphore_mem>>)
    %dma_start3A_433 = arith.constant 3 : i32
    %dma_start3A_434 = arith.constant 3 : i32
    %dma_start3A_435 = arith.constant 0 : i32
    %dma_start3A_436 = arith.constant 0 : i32
    %dma_start3A_437 = tpu.memref_slice %arg16[%dma_start3A_434, %dma_start3A_435, %dma_start3A_436] : memref<4x128x64xf32, #tpu.memory_space<vmem>> -> memref<1x128x64xf32, #tpu.memory_space<vmem>>
    %dma_start3A_438 = tpu.memref_squeeze %dma_start3A_437 : memref<1x128x64xf32, #tpu.memory_space<vmem>> -> memref<128x64xf32, #tpu.memory_space<vmem>>
    %dma_start3A_439 = arith.constant 0 : i32
    %dma_start3A_440 = tpu.memref_slice %arg13[%dma_start3A_433, %dma_start3A_439] : memref<4x128xi32, #tpu.memory_space<vmem>> -> memref<1x128xi32, #tpu.memory_space<vmem>>
    %dma_start3A_441 = tpu.memref_squeeze %dma_start3A_440 : memref<1x128xi32, #tpu.memory_space<vmem>> -> memref<128xi32, #tpu.memory_space<vmem>>
    %dma_start3A_442 = arith.constant 0 : i32
    %dma_start3A_443 = arith.constant 0 : i32
    %dma_start3A_444 = tpu.memref_slice %arg8[%dma_start3A_442, %dma_start3A_443] : memref<1000000x64xf32, #tpu.memory_space<hbm>> -> memref<1000000x64xf32, #tpu.memory_space<hbm>>
    tpu.enqueue_indirect_dma source(%dma_start3A_444 : memref<1000000x64xf32, #tpu.memory_space<hbm>>) target(%dma_start3A_438 : memref<128x64xf32, #tpu.memory_space<vmem>>) offsets(%dma_start3A_441 : memref<128xi32, #tpu.memory_space<vmem>>) semaphore(%arg23 : memref<!tpu.dma_semaphore, #tpu.memory_space<semaphore_mem>>)
    %dma_start3A_445 = arith.constant 3 : i32
    %dma_start3A_446 = arith.constant 3 : i32
    %dma_start3A_447 = arith.constant 0 : i32
    %dma_start3A_448 = arith.constant 0 : i32
    %dma_start3A_449 = tpu.memref_slice %arg17[%dma_start3A_446, %dma_start3A_447, %dma_start3A_448] : memref<4x128x64xf32, #tpu.memory_space<vmem>> -> memref<1x128x64xf32, #tpu.memory_space<vmem>>
    %dma_start3A_450 = tpu.memref_squeeze %dma_start3A_449 : memref<1x128x64xf32, #tpu.memory_space<vmem>> -> memref<128x64xf32, #tpu.memory_space<vmem>>
    %dma_start3A_451 = arith.constant 0 : i32
    %dma_start3A_452 = tpu.memref_slice %arg14[%dma_start3A_445, %dma_start3A_451] : memref<4x128xi32, #tpu.memory_space<vmem>> -> memref<1x128xi32, #tpu.memory_space<vmem>>
    %dma_start3A_453 = tpu.memref_squeeze %dma_start3A_452 : memref<1x128xi32, #tpu.memory_space<vmem>> -> memref<128xi32, #tpu.memory_space<vmem>>
    %dma_start3A_454 = arith.constant 0 : i32
    %dma_start3A_455 = arith.constant 0 : i32
    %dma_start3A_456 = tpu.memref_slice %arg9[%dma_start3A_454, %dma_start3A_455] : memref<1000x64xf32, #tpu.memory_space<hbm>> -> memref<1000x64xf32, #tpu.memory_space<hbm>>
    tpu.enqueue_indirect_dma source(%dma_start3A_456 : memref<1000x64xf32, #tpu.memory_space<hbm>>) target(%dma_start3A_450 : memref<128x64xf32, #tpu.memory_space<vmem>>) offsets(%dma_start3A_453 : memref<128xi32, #tpu.memory_space<vmem>>) semaphore(%arg23 : memref<!tpu.dma_semaphore, #tpu.memory_space<semaphore_mem>>)
    %dma_start3A_457 = arith.constant 3 : i32
    %dma_start3A_458 = arith.constant 3 : i32
    %dma_start3A_459 = arith.constant 0 : i32
    %dma_start3A_460 = arith.constant 0 : i32
    %dma_start3A_461 = tpu.memref_slice %arg18[%dma_start3A_458, %dma_start3A_459, %dma_start3A_460] : memref<4x128x64xf32, #tpu.memory_space<vmem>> -> memref<1x128x64xf32, #tpu.memory_space<vmem>>
    %dma_start3A_462 = tpu.memref_squeeze %dma_start3A_461 : memref<1x128x64xf32, #tpu.memory_space<vmem>> -> memref<128x64xf32, #tpu.memory_space<vmem>>
    %dma_start3A_463 = arith.constant 0 : i32
    %dma_start3A_464 = tpu.memref_slice %arg15[%dma_start3A_457, %dma_start3A_463] : memref<4x128xi32, #tpu.memory_space<vmem>> -> memref<1x128xi32, #tpu.memory_space<vmem>>
    %dma_start3A_465 = tpu.memref_squeeze %dma_start3A_464 : memref<1x128xi32, #tpu.memory_space<vmem>> -> memref<128xi32, #tpu.memory_space<vmem>>
    %dma_start3A_466 = arith.constant 0 : i32
    %dma_start3A_467 = arith.constant 0 : i32
    %dma_start3A_468 = tpu.memref_slice %arg8[%dma_start3A_466, %dma_start3A_467] : memref<1000000x64xf32, #tpu.memory_space<hbm>> -> memref<1000000x64xf32, #tpu.memory_space<hbm>>
    tpu.enqueue_indirect_dma source(%dma_start3A_468 : memref<1000000x64xf32, #tpu.memory_space<hbm>>) target(%dma_start3A_462 : memref<128x64xf32, #tpu.memory_space<vmem>>) offsets(%dma_start3A_465 : memref<128xi32, #tpu.memory_space<vmem>>) semaphore(%arg23 : memref<!tpu.dma_semaphore, #tpu.memory_space<semaphore_mem>>)
    %dma_wait3A_469 = arith.constant 0 : i32
    %dma_wait3A_470 = arith.constant 0 : i32
    %dma_wait3A_471 = arith.constant 0 : i32
    %dma_wait3A_472 = arith.constant 0 : i32
    %dma_wait3A_473 = tpu.memref_slice %arg16[%dma_wait3A_470, %dma_wait3A_471, %dma_wait3A_472] : memref<4x128x64xf32, #tpu.memory_space<vmem>> -> memref<1x128x64xf32, #tpu.memory_space<vmem>>
    %dma_wait3A_474 = tpu.memref_squeeze %dma_wait3A_473 : memref<1x128x64xf32, #tpu.memory_space<vmem>> -> memref<128x64xf32, #tpu.memory_space<vmem>>
    %dma_wait3A_475 = arith.constant 0 : i32
    %dma_wait3A_476 = tpu.memref_slice %arg13[%dma_wait3A_469, %dma_wait3A_475] : memref<4x128xi32, #tpu.memory_space<vmem>> -> memref<1x128xi32, #tpu.memory_space<vmem>>
    %dma_wait3A_477 = tpu.memref_squeeze %dma_wait3A_476 : memref<1x128xi32, #tpu.memory_space<vmem>> -> memref<128xi32, #tpu.memory_space<vmem>>
    %dma_wait3A_478 = arith.constant 0 : i32
    %dma_wait3A_479 = arith.constant 0 : i32
    %dma_wait3A_480 = tpu.memref_slice %arg8[%dma_wait3A_478, %dma_wait3A_479] : memref<1000000x64xf32, #tpu.memory_space<hbm>> -> memref<1000000x64xf32, #tpu.memory_space<hbm>>
    tpu.wait_indirect_dma semaphore(%arg23 : memref<!tpu.dma_semaphore, #tpu.memory_space<semaphore_mem>>) src(%dma_wait3A_480 : memref<1000000x64xf32, #tpu.memory_space<hbm>>) dst(%dma_wait3A_474 : memref<128x64xf32, #tpu.memory_space<vmem>>)
    %dma_wait3A_481 = arith.constant 0 : i32
    %dma_wait3A_482 = arith.constant 0 : i32
    %dma_wait3A_483 = arith.constant 0 : i32
    %dma_wait3A_484 = arith.constant 0 : i32
    %dma_wait3A_485 = tpu.memref_slice %arg17[%dma_wait3A_482, %dma_wait3A_483, %dma_wait3A_484] : memref<4x128x64xf32, #tpu.memory_space<vmem>> -> memref<1x128x64xf32, #tpu.memory_space<vmem>>
    %dma_wait3A_486 = tpu.memref_squeeze %dma_wait3A_485 : memref<1x128x64xf32, #tpu.memory_space<vmem>> -> memref<128x64xf32, #tpu.memory_space<vmem>>
    %dma_wait3A_487 = arith.constant 0 : i32
    %dma_wait3A_488 = tpu.memref_slice %arg14[%dma_wait3A_481, %dma_wait3A_487] : memref<4x128xi32, #tpu.memory_space<vmem>> -> memref<1x128xi32, #tpu.memory_space<vmem>>
    %dma_wait3A_489 = tpu.memref_squeeze %dma_wait3A_488 : memref<1x128xi32, #tpu.memory_space<vmem>> -> memref<128xi32, #tpu.memory_space<vmem>>
    %dma_wait3A_490 = arith.constant 0 : i32
    %dma_wait3A_491 = arith.constant 0 : i32
    %dma_wait3A_492 = tpu.memref_slice %arg9[%dma_wait3A_490, %dma_wait3A_491] : memref<1000x64xf32, #tpu.memory_space<hbm>> -> memref<1000x64xf32, #tpu.memory_space<hbm>>
    tpu.wait_indirect_dma semaphore(%arg23 : memref<!tpu.dma_semaphore, #tpu.memory_space<semaphore_mem>>) src(%dma_wait3A_492 : memref<1000x64xf32, #tpu.memory_space<hbm>>) dst(%dma_wait3A_486 : memref<128x64xf32, #tpu.memory_space<vmem>>)
    %dma_wait3A_493 = arith.constant 0 : i32
    %dma_wait3A_494 = arith.constant 0 : i32
    %dma_wait3A_495 = arith.constant 0 : i32
    %dma_wait3A_496 = arith.constant 0 : i32
    %dma_wait3A_497 = tpu.memref_slice %arg18[%dma_wait3A_494, %dma_wait3A_495, %dma_wait3A_496] : memref<4x128x64xf32, #tpu.memory_space<vmem>> -> memref<1x128x64xf32, #tpu.memory_space<vmem>>
    %dma_wait3A_498 = tpu.memref_squeeze %dma_wait3A_497 : memref<1x128x64xf32, #tpu.memory_space<vmem>> -> memref<128x64xf32, #tpu.memory_space<vmem>>
    %dma_wait3A_499 = arith.constant 0 : i32
    %dma_wait3A_500 = tpu.memref_slice %arg15[%dma_wait3A_493, %dma_wait3A_499] : memref<4x128xi32, #tpu.memory_space<vmem>> -> memref<1x128xi32, #tpu.memory_space<vmem>>
    %dma_wait3A_501 = tpu.memref_squeeze %dma_wait3A_500 : memref<1x128xi32, #tpu.memory_space<vmem>> -> memref<128xi32, #tpu.memory_space<vmem>>
    %dma_wait3A_502 = arith.constant 0 : i32
    %dma_wait3A_503 = arith.constant 0 : i32
    %dma_wait3A_504 = tpu.memref_slice %arg8[%dma_wait3A_502, %dma_wait3A_503] : memref<1000000x64xf32, #tpu.memory_space<hbm>> -> memref<1000000x64xf32, #tpu.memory_space<hbm>>
    tpu.wait_indirect_dma semaphore(%arg23 : memref<!tpu.dma_semaphore, #tpu.memory_space<semaphore_mem>>) src(%dma_wait3A_504 : memref<1000000x64xf32, #tpu.memory_space<hbm>>) dst(%dma_wait3A_498 : memref<128x64xf32, #tpu.memory_space<vmem>>)
    %dma_wait3A_505 = arith.constant 1 : i32
    %dma_wait3A_506 = arith.constant 1 : i32
    %dma_wait3A_507 = arith.constant 0 : i32
    %dma_wait3A_508 = arith.constant 0 : i32
    %dma_wait3A_509 = tpu.memref_slice %arg16[%dma_wait3A_506, %dma_wait3A_507, %dma_wait3A_508] : memref<4x128x64xf32, #tpu.memory_space<vmem>> -> memref<1x128x64xf32, #tpu.memory_space<vmem>>
    %dma_wait3A_510 = tpu.memref_squeeze %dma_wait3A_509 : memref<1x128x64xf32, #tpu.memory_space<vmem>> -> memref<128x64xf32, #tpu.memory_space<vmem>>
    %dma_wait3A_511 = arith.constant 0 : i32
    %dma_wait3A_512 = tpu.memref_slice %arg13[%dma_wait3A_505, %dma_wait3A_511] : memref<4x128xi32, #tpu.memory_space<vmem>> -> memref<1x128xi32, #tpu.memory_space<vmem>>
    %dma_wait3A_513 = tpu.memref_squeeze %dma_wait3A_512 : memref<1x128xi32, #tpu.memory_space<vmem>> -> memref<128xi32, #tpu.memory_space<vmem>>
    %dma_wait3A_514 = arith.constant 0 : i32
    %dma_wait3A_515 = arith.constant 0 : i32
    %dma_wait3A_516 = tpu.memref_slice %arg8[%dma_wait3A_514, %dma_wait3A_515] : memref<1000000x64xf32, #tpu.memory_space<hbm>> -> memref<1000000x64xf32, #tpu.memory_space<hbm>>
    tpu.wait_indirect_dma semaphore(%arg23 : memref<!tpu.dma_semaphore, #tpu.memory_space<semaphore_mem>>) src(%dma_wait3A_516 : memref<1000000x64xf32, #tpu.memory_space<hbm>>) dst(%dma_wait3A_510 : memref<128x64xf32, #tpu.memory_space<vmem>>)
    %dma_wait3A_517 = arith.constant 1 : i32
    %dma_wait3A_518 = arith.constant 1 : i32
    %dma_wait3A_519 = arith.constant 0 : i32
    %dma_wait3A_520 = arith.constant 0 : i32
    %dma_wait3A_521 = tpu.memref_slice %arg17[%dma_wait3A_518, %dma_wait3A_519, %dma_wait3A_520] : memref<4x128x64xf32, #tpu.memory_space<vmem>> -> memref<1x128x64xf32, #tpu.memory_space<vmem>>
    %dma_wait3A_522 = tpu.memref_squeeze %dma_wait3A_521 : memref<1x128x64xf32, #tpu.memory_space<vmem>> -> memref<128x64xf32, #tpu.memory_space<vmem>>
    %dma_wait3A_523 = arith.constant 0 : i32
    %dma_wait3A_524 = tpu.memref_slice %arg14[%dma_wait3A_517, %dma_wait3A_523] : memref<4x128xi32, #tpu.memory_space<vmem>> -> memref<1x128xi32, #tpu.memory_space<vmem>>
    %dma_wait3A_525 = tpu.memref_squeeze %dma_wait3A_524 : memref<1x128xi32, #tpu.memory_space<vmem>> -> memref<128xi32, #tpu.memory_space<vmem>>
    %dma_wait3A_526 = arith.constant 0 : i32
    %dma_wait3A_527 = arith.constant 0 : i32
    %dma_wait3A_528 = tpu.memref_slice %arg9[%dma_wait3A_526, %dma_wait3A_527] : memref<1000x64xf32, #tpu.memory_space<hbm>> -> memref<1000x64xf32, #tpu.memory_space<hbm>>
    tpu.wait_indirect_dma semaphore(%arg23 : memref<!tpu.dma_semaphore, #tpu.memory_space<semaphore_mem>>) src(%dma_wait3A_528 : memref<1000x64xf32, #tpu.memory_space<hbm>>) dst(%dma_wait3A_522 : memref<128x64xf32, #tpu.memory_space<vmem>>)
    %dma_wait3A_529 = arith.constant 1 : i32
    %dma_wait3A_530 = arith.constant 1 : i32
    %dma_wait3A_531 = arith.constant 0 : i32
    %dma_wait3A_532 = arith.constant 0 : i32
    %dma_wait3A_533 = tpu.memref_slice %arg18[%dma_wait3A_530, %dma_wait3A_531, %dma_wait3A_532] : memref<4x128x64xf32, #tpu.memory_space<vmem>> -> memref<1x128x64xf32, #tpu.memory_space<vmem>>
    %dma_wait3A_534 = tpu.memref_squeeze %dma_wait3A_533 : memref<1x128x64xf32, #tpu.memory_space<vmem>> -> memref<128x64xf32, #tpu.memory_space<vmem>>
    %dma_wait3A_535 = arith.constant 0 : i32
    %dma_wait3A_536 = tpu.memref_slice %arg15[%dma_wait3A_529, %dma_wait3A_535] : memref<4x128xi32, #tpu.memory_space<vmem>> -> memref<1x128xi32, #tpu.memory_space<vmem>>
    %dma_wait3A_537 = tpu.memref_squeeze %dma_wait3A_536 : memref<1x128xi32, #tpu.memory_space<vmem>> -> memref<128xi32, #tpu.memory_space<vmem>>
    %dma_wait3A_538 = arith.constant 0 : i32
    %dma_wait3A_539 = arith.constant 0 : i32
    %dma_wait3A_540 = tpu.memref_slice %arg8[%dma_wait3A_538, %dma_wait3A_539] : memref<1000000x64xf32, #tpu.memory_space<hbm>> -> memref<1000000x64xf32, #tpu.memory_space<hbm>>
    tpu.wait_indirect_dma semaphore(%arg23 : memref<!tpu.dma_semaphore, #tpu.memory_space<semaphore_mem>>) src(%dma_wait3A_540 : memref<1000000x64xf32, #tpu.memory_space<hbm>>) dst(%dma_wait3A_534 : memref<128x64xf32, #tpu.memory_space<vmem>>)
    %dma_wait3A_541 = arith.constant 2 : i32
    %dma_wait3A_542 = arith.constant 2 : i32
    %dma_wait3A_543 = arith.constant 0 : i32
    %dma_wait3A_544 = arith.constant 0 : i32
    %dma_wait3A_545 = tpu.memref_slice %arg16[%dma_wait3A_542, %dma_wait3A_543, %dma_wait3A_544] : memref<4x128x64xf32, #tpu.memory_space<vmem>> -> memref<1x128x64xf32, #tpu.memory_space<vmem>>
    %dma_wait3A_546 = tpu.memref_squeeze %dma_wait3A_545 : memref<1x128x64xf32, #tpu.memory_space<vmem>> -> memref<128x64xf32, #tpu.memory_space<vmem>>
    %dma_wait3A_547 = arith.constant 0 : i32
    %dma_wait3A_548 = tpu.memref_slice %arg13[%dma_wait3A_541, %dma_wait3A_547] : memref<4x128xi32, #tpu.memory_space<vmem>> -> memref<1x128xi32, #tpu.memory_space<vmem>>
    %dma_wait3A_549 = tpu.memref_squeeze %dma_wait3A_548 : memref<1x128xi32, #tpu.memory_space<vmem>> -> memref<128xi32, #tpu.memory_space<vmem>>
    %dma_wait3A_550 = arith.constant 0 : i32
    %dma_wait3A_551 = arith.constant 0 : i32
    %dma_wait3A_552 = tpu.memref_slice %arg8[%dma_wait3A_550, %dma_wait3A_551] : memref<1000000x64xf32, #tpu.memory_space<hbm>> -> memref<1000000x64xf32, #tpu.memory_space<hbm>>
    tpu.wait_indirect_dma semaphore(%arg23 : memref<!tpu.dma_semaphore, #tpu.memory_space<semaphore_mem>>) src(%dma_wait3A_552 : memref<1000000x64xf32, #tpu.memory_space<hbm>>) dst(%dma_wait3A_546 : memref<128x64xf32, #tpu.memory_space<vmem>>)
    %dma_wait3A_553 = arith.constant 2 : i32
    %dma_wait3A_554 = arith.constant 2 : i32
    %dma_wait3A_555 = arith.constant 0 : i32
    %dma_wait3A_556 = arith.constant 0 : i32
    %dma_wait3A_557 = tpu.memref_slice %arg17[%dma_wait3A_554, %dma_wait3A_555, %dma_wait3A_556] : memref<4x128x64xf32, #tpu.memory_space<vmem>> -> memref<1x128x64xf32, #tpu.memory_space<vmem>>
    %dma_wait3A_558 = tpu.memref_squeeze %dma_wait3A_557 : memref<1x128x64xf32, #tpu.memory_space<vmem>> -> memref<128x64xf32, #tpu.memory_space<vmem>>
    %dma_wait3A_559 = arith.constant 0 : i32
    %dma_wait3A_560 = tpu.memref_slice %arg14[%dma_wait3A_553, %dma_wait3A_559] : memref<4x128xi32, #tpu.memory_space<vmem>> -> memref<1x128xi32, #tpu.memory_space<vmem>>
    %dma_wait3A_561 = tpu.memref_squeeze %dma_wait3A_560 : memref<1x128xi32, #tpu.memory_space<vmem>> -> memref<128xi32, #tpu.memory_space<vmem>>
    %dma_wait3A_562 = arith.constant 0 : i32
    %dma_wait3A_563 = arith.constant 0 : i32
    %dma_wait3A_564 = tpu.memref_slice %arg9[%dma_wait3A_562, %dma_wait3A_563] : memref<1000x64xf32, #tpu.memory_space<hbm>> -> memref<1000x64xf32, #tpu.memory_space<hbm>>
    tpu.wait_indirect_dma semaphore(%arg23 : memref<!tpu.dma_semaphore, #tpu.memory_space<semaphore_mem>>) src(%dma_wait3A_564 : memref<1000x64xf32, #tpu.memory_space<hbm>>) dst(%dma_wait3A_558 : memref<128x64xf32, #tpu.memory_space<vmem>>)
    %dma_wait3A_565 = arith.constant 2 : i32
    %dma_wait3A_566 = arith.constant 2 : i32
    %dma_wait3A_567 = arith.constant 0 : i32
    %dma_wait3A_568 = arith.constant 0 : i32
    %dma_wait3A_569 = tpu.memref_slice %arg18[%dma_wait3A_566, %dma_wait3A_567, %dma_wait3A_568] : memref<4x128x64xf32, #tpu.memory_space<vmem>> -> memref<1x128x64xf32, #tpu.memory_space<vmem>>
    %dma_wait3A_570 = tpu.memref_squeeze %dma_wait3A_569 : memref<1x128x64xf32, #tpu.memory_space<vmem>> -> memref<128x64xf32, #tpu.memory_space<vmem>>
    %dma_wait3A_571 = arith.constant 0 : i32
    %dma_wait3A_572 = tpu.memref_slice %arg15[%dma_wait3A_565, %dma_wait3A_571] : memref<4x128xi32, #tpu.memory_space<vmem>> -> memref<1x128xi32, #tpu.memory_space<vmem>>
    %dma_wait3A_573 = tpu.memref_squeeze %dma_wait3A_572 : memref<1x128xi32, #tpu.memory_space<vmem>> -> memref<128xi32, #tpu.memory_space<vmem>>
    %dma_wait3A_574 = arith.constant 0 : i32
    %dma_wait3A_575 = arith.constant 0 : i32
    %dma_wait3A_576 = tpu.memref_slice %arg8[%dma_wait3A_574, %dma_wait3A_575] : memref<1000000x64xf32, #tpu.memory_space<hbm>> -> memref<1000000x64xf32, #tpu.memory_space<hbm>>
    tpu.wait_indirect_dma semaphore(%arg23 : memref<!tpu.dma_semaphore, #tpu.memory_space<semaphore_mem>>) src(%dma_wait3A_576 : memref<1000000x64xf32, #tpu.memory_space<hbm>>) dst(%dma_wait3A_570 : memref<128x64xf32, #tpu.memory_space<vmem>>)
    %dma_wait3A_577 = arith.constant 3 : i32
    %dma_wait3A_578 = arith.constant 3 : i32
    %dma_wait3A_579 = arith.constant 0 : i32
    %dma_wait3A_580 = arith.constant 0 : i32
    %dma_wait3A_581 = tpu.memref_slice %arg16[%dma_wait3A_578, %dma_wait3A_579, %dma_wait3A_580] : memref<4x128x64xf32, #tpu.memory_space<vmem>> -> memref<1x128x64xf32, #tpu.memory_space<vmem>>
    %dma_wait3A_582 = tpu.memref_squeeze %dma_wait3A_581 : memref<1x128x64xf32, #tpu.memory_space<vmem>> -> memref<128x64xf32, #tpu.memory_space<vmem>>
    %dma_wait3A_583 = arith.constant 0 : i32
    %dma_wait3A_584 = tpu.memref_slice %arg13[%dma_wait3A_577, %dma_wait3A_583] : memref<4x128xi32, #tpu.memory_space<vmem>> -> memref<1x128xi32, #tpu.memory_space<vmem>>
    %dma_wait3A_585 = tpu.memref_squeeze %dma_wait3A_584 : memref<1x128xi32, #tpu.memory_space<vmem>> -> memref<128xi32, #tpu.memory_space<vmem>>
    %dma_wait3A_586 = arith.constant 0 : i32
    %dma_wait3A_587 = arith.constant 0 : i32
    %dma_wait3A_588 = tpu.memref_slice %arg8[%dma_wait3A_586, %dma_wait3A_587] : memref<1000000x64xf32, #tpu.memory_space<hbm>> -> memref<1000000x64xf32, #tpu.memory_space<hbm>>
    tpu.wait_indirect_dma semaphore(%arg23 : memref<!tpu.dma_semaphore, #tpu.memory_space<semaphore_mem>>) src(%dma_wait3A_588 : memref<1000000x64xf32, #tpu.memory_space<hbm>>) dst(%dma_wait3A_582 : memref<128x64xf32, #tpu.memory_space<vmem>>)
    %dma_wait3A_589 = arith.constant 3 : i32
    %dma_wait3A_590 = arith.constant 3 : i32
    %dma_wait3A_591 = arith.constant 0 : i32
    %dma_wait3A_592 = arith.constant 0 : i32
    %dma_wait3A_593 = tpu.memref_slice %arg17[%dma_wait3A_590, %dma_wait3A_591, %dma_wait3A_592] : memref<4x128x64xf32, #tpu.memory_space<vmem>> -> memref<1x128x64xf32, #tpu.memory_space<vmem>>
    %dma_wait3A_594 = tpu.memref_squeeze %dma_wait3A_593 : memref<1x128x64xf32, #tpu.memory_space<vmem>> -> memref<128x64xf32, #tpu.memory_space<vmem>>
    %dma_wait3A_595 = arith.constant 0 : i32
    %dma_wait3A_596 = tpu.memref_slice %arg14[%dma_wait3A_589, %dma_wait3A_595] : memref<4x128xi32, #tpu.memory_space<vmem>> -> memref<1x128xi32, #tpu.memory_space<vmem>>
    %dma_wait3A_597 = tpu.memref_squeeze %dma_wait3A_596 : memref<1x128xi32, #tpu.memory_space<vmem>> -> memref<128xi32, #tpu.memory_space<vmem>>
    %dma_wait3A_598 = arith.constant 0 : i32
    %dma_wait3A_599 = arith.constant 0 : i32
    %dma_wait3A_600 = tpu.memref_slice %arg9[%dma_wait3A_598, %dma_wait3A_599] : memref<1000x64xf32, #tpu.memory_space<hbm>> -> memref<1000x64xf32, #tpu.memory_space<hbm>>
    tpu.wait_indirect_dma semaphore(%arg23 : memref<!tpu.dma_semaphore, #tpu.memory_space<semaphore_mem>>) src(%dma_wait3A_600 : memref<1000x64xf32, #tpu.memory_space<hbm>>) dst(%dma_wait3A_594 : memref<128x64xf32, #tpu.memory_space<vmem>>)
    %dma_wait3A_601 = arith.constant 3 : i32
    %dma_wait3A_602 = arith.constant 3 : i32
    %dma_wait3A_603 = arith.constant 0 : i32
    %dma_wait3A_604 = arith.constant 0 : i32
    %dma_wait3A_605 = tpu.memref_slice %arg18[%dma_wait3A_602, %dma_wait3A_603, %dma_wait3A_604] : memref<4x128x64xf32, #tpu.memory_space<vmem>> -> memref<1x128x64xf32, #tpu.memory_space<vmem>>
    %dma_wait3A_606 = tpu.memref_squeeze %dma_wait3A_605 : memref<1x128x64xf32, #tpu.memory_space<vmem>> -> memref<128x64xf32, #tpu.memory_space<vmem>>
    %dma_wait3A_607 = arith.constant 0 : i32
    %dma_wait3A_608 = tpu.memref_slice %arg15[%dma_wait3A_601, %dma_wait3A_607] : memref<4x128xi32, #tpu.memory_space<vmem>> -> memref<1x128xi32, #tpu.memory_space<vmem>>
    %dma_wait3A_609 = tpu.memref_squeeze %dma_wait3A_608 : memref<1x128xi32, #tpu.memory_space<vmem>> -> memref<128xi32, #tpu.memory_space<vmem>>
    %dma_wait3A_610 = arith.constant 0 : i32
    %dma_wait3A_611 = arith.constant 0 : i32
    %dma_wait3A_612 = tpu.memref_slice %arg8[%dma_wait3A_610, %dma_wait3A_611] : memref<1000000x64xf32, #tpu.memory_space<hbm>> -> memref<1000000x64xf32, #tpu.memory_space<hbm>>
    tpu.wait_indirect_dma semaphore(%arg23 : memref<!tpu.dma_semaphore, #tpu.memory_space<semaphore_mem>>) src(%dma_wait3A_612 : memref<1000000x64xf32, #tpu.memory_space<hbm>>) dst(%dma_wait3A_606 : memref<128x64xf32, #tpu.memory_space<vmem>>)
    %scan3A_613 = arith.constant 0 : i32
    %scan3A_614 = arith.constant 0 : i32
    %scan3A_615 = arith.constant 128 : i32
    %scan3A_616 = arith.addi %scan3A_614, %scan3A_615 : i32
    %scan3A_617 = arith.constant 1 : i32
    %scan3A_618 = scf.for %scan3A_655 = %scan3A_614 to %scan3A_616 step %scan3A_617 iter_args(%scan3A_656 = %scan3A_613) -> (i32)  : i32 {
      %broadcast_in_dim3A = arith.constant 0.000000e+00 : f32
      %broadcast_in_dim3A_657 = vector.broadcast %broadcast_in_dim3A : f32 to vector<16xf32>
      %get3A = arith.constant 0 : i32
      %get3A_658 = arith.index_cast %get3A : i32 to index
      %get3A_659 = arith.index_cast %scan3A_655 : i32 to index
      %get3A_660 = arith.constant 0 : index
      %get3A_661 = tpu.vector_load %arg16[%get3A_658, %get3A_659, %get3A_660] {strides = array<i32>} : memref<4x128x64xf32, #tpu.memory_space<vmem>>, vector<16xf32>,
      %get3A_662 = arith.constant 0 : i32
      %get3A_663 = arith.index_cast %get3A_662 : i32 to index
      %get3A_664 = arith.index_cast %scan3A_655 : i32 to index
      %get3A_665 = arith.constant 0 : index
      %get3A_666 = tpu.vector_load %arg17[%get3A_663, %get3A_664, %get3A_665] {strides = array<i32>} : memref<4x128x64xf32, #tpu.memory_space<vmem>>, vector<16xf32>,
      %get3A_667 = arith.constant 0 : i32
      %get3A_668 = arith.index_cast %get3A_667 : i32 to index
      %get3A_669 = arith.index_cast %scan3A_655 : i32 to index
      %get3A_670 = arith.constant 0 : index
      %get3A_671 = tpu.vector_load %arg18[%get3A_668, %get3A_669, %get3A_670] {strides = array<i32>} : memref<4x128x64xf32, #tpu.memory_space<vmem>>, vector<16xf32>,
      %add3A_672 = arith.addf %get3A_661, %get3A_666 : vector<16xf32>
      %sub3A = arith.subf %add3A_672, %get3A_671 : vector<16xf32>
      %abs3A = math.absf %sub3A : vector<16xf32>
      %add3A_673 = arith.addf %broadcast_in_dim3A_657, %abs3A : vector<16xf32>
      %get3A_674 = arith.constant 0 : i32
      %get3A_675 = arith.index_cast %get3A_674 : i32 to index
      %get3A_676 = arith.index_cast %scan3A_655 : i32 to index
      %get3A_677 = arith.constant 16 : index
      %get3A_678 = tpu.vector_load %arg16[%get3A_675, %get3A_676, %get3A_677] {strides = array<i32>} : memref<4x128x64xf32, #tpu.memory_space<vmem>>, vector<16xf32>,
      %get3A_679 = arith.constant 0 : i32
      %get3A_680 = arith.index_cast %get3A_679 : i32 to index
      %get3A_681 = arith.index_cast %scan3A_655 : i32 to index
      %get3A_682 = arith.constant 16 : index
      %get3A_683 = tpu.vector_load %arg17[%get3A_680, %get3A_681, %get3A_682] {strides = array<i32>} : memref<4x128x64xf32, #tpu.memory_space<vmem>>, vector<16xf32>,
      %get3A_684 = arith.constant 0 : i32
      %get3A_685 = arith.index_cast %get3A_684 : i32 to index
      %get3A_686 = arith.index_cast %scan3A_655 : i32 to index
      %get3A_687 = arith.constant 16 : index
      %get3A_688 = tpu.vector_load %arg18[%get3A_685, %get3A_686, %get3A_687] {strides = array<i32>} : memref<4x128x64xf32, #tpu.memory_space<vmem>>, vector<16xf32>,
      %add3A_689 = arith.addf %get3A_678, %get3A_683 : vector<16xf32>
      %sub3A_690 = arith.subf %add3A_689, %get3A_688 : vector<16xf32>
      %abs3A_691 = math.absf %sub3A_690 : vector<16xf32>
      %add3A_692 = arith.addf %add3A_673, %abs3A_691 : vector<16xf32>
      %get3A_693 = arith.constant 0 : i32
      %get3A_694 = arith.index_cast %get3A_693 : i32 to index
      %get3A_695 = arith.index_cast %scan3A_655 : i32 to index
      %get3A_696 = arith.constant 32 : index
      %get3A_697 = tpu.vector_load %arg16[%get3A_694, %get3A_695, %get3A_696] {strides = array<i32>} : memref<4x128x64xf32, #tpu.memory_space<vmem>>, vector<16xf32>,
      %get3A_698 = arith.constant 0 : i32
      %get3A_699 = arith.index_cast %get3A_698 : i32 to index
      %get3A_700 = arith.index_cast %scan3A_655 : i32 to index
      %get3A_701 = arith.constant 32 : index
      %get3A_702 = tpu.vector_load %arg17[%get3A_699, %get3A_700, %get3A_701] {strides = array<i32>} : memref<4x128x64xf32, #tpu.memory_space<vmem>>, vector<16xf32>,
      %get3A_703 = arith.constant 0 : i32
      %get3A_704 = arith.index_cast %get3A_703 : i32 to index
      %get3A_705 = arith.index_cast %scan3A_655 : i32 to index
      %get3A_706 = arith.constant 32 : index
      %get3A_707 = tpu.vector_load %arg18[%get3A_704, %get3A_705, %get3A_706] {strides = array<i32>} : memref<4x128x64xf32, #tpu.memory_space<vmem>>, vector<16xf32>,
      %add3A_708 = arith.addf %get3A_697, %get3A_702 : vector<16xf32>
      %sub3A_709 = arith.subf %add3A_708, %get3A_707 : vector<16xf32>
      %abs3A_710 = math.absf %sub3A_709 : vector<16xf32>
      %add3A_711 = arith.addf %add3A_692, %abs3A_710 : vector<16xf32>
      %get3A_712 = arith.constant 0 : i32
      %get3A_713 = arith.index_cast %get3A_712 : i32 to index
      %get3A_714 = arith.index_cast %scan3A_655 : i32 to index
      %get3A_715 = arith.constant 48 : index
      %get3A_716 = tpu.vector_load %arg16[%get3A_713, %get3A_714, %get3A_715] {strides = array<i32>} : memref<4x128x64xf32, #tpu.memory_space<vmem>>, vector<16xf32>,
      %get3A_717 = arith.constant 0 : i32
      %get3A_718 = arith.index_cast %get3A_717 : i32 to index
      %get3A_719 = arith.index_cast %scan3A_655 : i32 to index
      %get3A_720 = arith.constant 48 : index
      %get3A_721 = tpu.vector_load %arg17[%get3A_718, %get3A_719, %get3A_720] {strides = array<i32>} : memref<4x128x64xf32, #tpu.memory_space<vmem>>, vector<16xf32>,
      %get3A_722 = arith.constant 0 : i32
      %get3A_723 = arith.index_cast %get3A_722 : i32 to index
      %get3A_724 = arith.index_cast %scan3A_655 : i32 to index
      %get3A_725 = arith.constant 48 : index
      %get3A_726 = tpu.vector_load %arg18[%get3A_723, %get3A_724, %get3A_725] {strides = array<i32>} : memref<4x128x64xf32, #tpu.memory_space<vmem>>, vector<16xf32>,
      %add3A_727 = arith.addf %get3A_716, %get3A_721 : vector<16xf32>
      %sub3A_728 = arith.subf %add3A_727, %get3A_726 : vector<16xf32>
      %abs3A_729 = math.absf %sub3A_728 : vector<16xf32>
      %add3A_730 = arith.addf %add3A_711, %abs3A_729 : vector<16xf32>
      %add3A_731 = arith.constant 0 : i32
      %add3A_732 = arith.addi %add3A_731, %scan3A_655 : i32
      %mul3A_733 = arith.constant 16 : i32
      %mul3A_734 = arith.muli %add3A_732, %mul3A_733 : i32
      %swap3A = arith.index_cast %mul3A_734 : i32 to index
      %swap3A_735 = tpu.vector_load %arg19[%swap3A] {strides = array<i32>} : memref<8192xf32, #tpu.memory_space<vmem>>, vector<16xf32>,
      tpu.vector_store %arg19[%swap3A], %add3A_730 {strides = array<i32>} : memref<8192xf32, #tpu.memory_space<vmem>>, vector<16xf32>,
      %scan3A_736 = arith.constant 0 : i32
      scf.yield %scan3A_736 : i32
    }
    %scan3A_619 = arith.constant 128 : i32
    %scan3A_620 = arith.constant 0 : i32
    %scan3A_621 = arith.constant 0 : i32
    %scan3A_622 = arith.constant 128 : i32
    %scan3A_623 = arith.addi %scan3A_621, %scan3A_622 : i32
    %scan3A_624 = arith.constant 1 : i32
    %scan3A_625 = scf.for %scan3A_655 = %scan3A_621 to %scan3A_623 step %scan3A_624 iter_args(%scan3A_656 = %scan3A_620) -> (i32)  : i32 {
      %broadcast_in_dim3A = arith.constant 0.000000e+00 : f32
      %broadcast_in_dim3A_657 = vector.broadcast %broadcast_in_dim3A : f32 to vector<16xf32>
      %get3A = arith.constant 1 : i32
      %get3A_658 = arith.index_cast %get3A : i32 to index
      %get3A_659 = arith.index_cast %scan3A_655 : i32 to index
      %get3A_660 = arith.constant 0 : index
      %get3A_661 = tpu.vector_load %arg16[%get3A_658, %get3A_659, %get3A_660] {strides = array<i32>} : memref<4x128x64xf32, #tpu.memory_space<vmem>>, vector<16xf32>,
      %get3A_662 = arith.constant 1 : i32
      %get3A_663 = arith.index_cast %get3A_662 : i32 to index
      %get3A_664 = arith.index_cast %scan3A_655 : i32 to index
      %get3A_665 = arith.constant 0 : index
      %get3A_666 = tpu.vector_load %arg17[%get3A_663, %get3A_664, %get3A_665] {strides = array<i32>} : memref<4x128x64xf32, #tpu.memory_space<vmem>>, vector<16xf32>,
      %get3A_667 = arith.constant 1 : i32
      %get3A_668 = arith.index_cast %get3A_667 : i32 to index
      %get3A_669 = arith.index_cast %scan3A_655 : i32 to index
      %get3A_670 = arith.constant 0 : index
      %get3A_671 = tpu.vector_load %arg18[%get3A_668, %get3A_669, %get3A_670] {strides = array<i32>} : memref<4x128x64xf32, #tpu.memory_space<vmem>>, vector<16xf32>,
      %add3A_672 = arith.addf %get3A_661, %get3A_666 : vector<16xf32>
      %sub3A = arith.subf %add3A_672, %get3A_671 : vector<16xf32>
      %abs3A = math.absf %sub3A : vector<16xf32>
      %add3A_673 = arith.addf %broadcast_in_dim3A_657, %abs3A : vector<16xf32>
      %get3A_674 = arith.constant 1 : i32
      %get3A_675 = arith.index_cast %get3A_674 : i32 to index
      %get3A_676 = arith.index_cast %scan3A_655 : i32 to index
      %get3A_677 = arith.constant 16 : index
      %get3A_678 = tpu.vector_load %arg16[%get3A_675, %get3A_676, %get3A_677] {strides = array<i32>} : memref<4x128x64xf32, #tpu.memory_space<vmem>>, vector<16xf32>,
      %get3A_679 = arith.constant 1 : i32
      %get3A_680 = arith.index_cast %get3A_679 : i32 to index
      %get3A_681 = arith.index_cast %scan3A_655 : i32 to index
      %get3A_682 = arith.constant 16 : index
      %get3A_683 = tpu.vector_load %arg17[%get3A_680, %get3A_681, %get3A_682] {strides = array<i32>} : memref<4x128x64xf32, #tpu.memory_space<vmem>>, vector<16xf32>,
      %get3A_684 = arith.constant 1 : i32
      %get3A_685 = arith.index_cast %get3A_684 : i32 to index
      %get3A_686 = arith.index_cast %scan3A_655 : i32 to index
      %get3A_687 = arith.constant 16 : index
      %get3A_688 = tpu.vector_load %arg18[%get3A_685, %get3A_686, %get3A_687] {strides = array<i32>} : memref<4x128x64xf32, #tpu.memory_space<vmem>>, vector<16xf32>,
      %add3A_689 = arith.addf %get3A_678, %get3A_683 : vector<16xf32>
      %sub3A_690 = arith.subf %add3A_689, %get3A_688 : vector<16xf32>
      %abs3A_691 = math.absf %sub3A_690 : vector<16xf32>
      %add3A_692 = arith.addf %add3A_673, %abs3A_691 : vector<16xf32>
      %get3A_693 = arith.constant 1 : i32
      %get3A_694 = arith.index_cast %get3A_693 : i32 to index
      %get3A_695 = arith.index_cast %scan3A_655 : i32 to index
      %get3A_696 = arith.constant 32 : index
      %get3A_697 = tpu.vector_load %arg16[%get3A_694, %get3A_695, %get3A_696] {strides = array<i32>} : memref<4x128x64xf32, #tpu.memory_space<vmem>>, vector<16xf32>,
      %get3A_698 = arith.constant 1 : i32
      %get3A_699 = arith.index_cast %get3A_698 : i32 to index
      %get3A_700 = arith.index_cast %scan3A_655 : i32 to index
      %get3A_701 = arith.constant 32 : index
      %get3A_702 = tpu.vector_load %arg17[%get3A_699, %get3A_700, %get3A_701] {strides = array<i32>} : memref<4x128x64xf32, #tpu.memory_space<vmem>>, vector<16xf32>,
      %get3A_703 = arith.constant 1 : i32
      %get3A_704 = arith.index_cast %get3A_703 : i32 to index
      %get3A_705 = arith.index_cast %scan3A_655 : i32 to index
      %get3A_706 = arith.constant 32 : index
      %get3A_707 = tpu.vector_load %arg18[%get3A_704, %get3A_705, %get3A_706] {strides = array<i32>} : memref<4x128x64xf32, #tpu.memory_space<vmem>>, vector<16xf32>,
      %add3A_708 = arith.addf %get3A_697, %get3A_702 : vector<16xf32>
      %sub3A_709 = arith.subf %add3A_708, %get3A_707 : vector<16xf32>
      %abs3A_710 = math.absf %sub3A_709 : vector<16xf32>
      %add3A_711 = arith.addf %add3A_692, %abs3A_710 : vector<16xf32>
      %get3A_712 = arith.constant 1 : i32
      %get3A_713 = arith.index_cast %get3A_712 : i32 to index
      %get3A_714 = arith.index_cast %scan3A_655 : i32 to index
      %get3A_715 = arith.constant 48 : index
      %get3A_716 = tpu.vector_load %arg16[%get3A_713, %get3A_714, %get3A_715] {strides = array<i32>} : memref<4x128x64xf32, #tpu.memory_space<vmem>>, vector<16xf32>,
      %get3A_717 = arith.constant 1 : i32
      %get3A_718 = arith.index_cast %get3A_717 : i32 to index
      %get3A_719 = arith.index_cast %scan3A_655 : i32 to index
      %get3A_720 = arith.constant 48 : index
      %get3A_721 = tpu.vector_load %arg17[%get3A_718, %get3A_719, %get3A_720] {strides = array<i32>} : memref<4x128x64xf32, #tpu.memory_space<vmem>>, vector<16xf32>,
      %get3A_722 = arith.constant 1 : i32
      %get3A_723 = arith.index_cast %get3A_722 : i32 to index
      %get3A_724 = arith.index_cast %scan3A_655 : i32 to index
      %get3A_725 = arith.constant 48 : index
      %get3A_726 = tpu.vector_load %arg18[%get3A_723, %get3A_724, %get3A_725] {strides = array<i32>} : memref<4x128x64xf32, #tpu.memory_space<vmem>>, vector<16xf32>,
      %add3A_727 = arith.addf %get3A_716, %get3A_721 : vector<16xf32>
      %sub3A_728 = arith.subf %add3A_727, %get3A_726 : vector<16xf32>
      %abs3A_729 = math.absf %sub3A_728 : vector<16xf32>
      %add3A_730 = arith.addf %add3A_711, %abs3A_729 : vector<16xf32>
      %add3A_731 = arith.constant 128 : i32
      %add3A_732 = arith.addi %add3A_731, %scan3A_655 : i32
      %mul3A_733 = arith.constant 16 : i32
      %mul3A_734 = arith.muli %add3A_732, %mul3A_733 : i32
      %swap3A = arith.index_cast %mul3A_734 : i32 to index
      %swap3A_735 = tpu.vector_load %arg19[%swap3A] {strides = array<i32>} : memref<8192xf32, #tpu.memory_space<vmem>>, vector<16xf32>,
      tpu.vector_store %arg19[%swap3A], %add3A_730 {strides = array<i32>} : memref<8192xf32, #tpu.memory_space<vmem>>, vector<16xf32>,
      %scan3A_736 = arith.constant 0 : i32
      scf.yield %scan3A_736 : i32
    }
    %scan3A_626 = arith.constant 128 : i32
    %scan3A_627 = arith.constant 0 : i32
    %scan3A_628 = arith.constant 0 : i32
    %scan3A_629 = arith.constant 128 : i32
    %scan3A_630 = arith.addi %scan3A_628, %scan3A_629 : i32
    %scan3A_631 = arith.constant 1 : i32
    %scan3A_632 = scf.for %scan3A_655 = %scan3A_628 to %scan3A_630 step %scan3A_631 iter_args(%scan3A_656 = %scan3A_627) -> (i32)  : i32 {
      %broadcast_in_dim3A = arith.constant 0.000000e+00 : f32
      %broadcast_in_dim3A_657 = vector.broadcast %broadcast_in_dim3A : f32 to vector<16xf32>
      %get3A = arith.constant 2 : i32
      %get3A_658 = arith.index_cast %get3A : i32 to index
      %get3A_659 = arith.index_cast %scan3A_655 : i32 to index
      %get3A_660 = arith.constant 0 : index
      %get3A_661 = tpu.vector_load %arg16[%get3A_658, %get3A_659, %get3A_660] {strides = array<i32>} : memref<4x128x64xf32, #tpu.memory_space<vmem>>, vector<16xf32>,
      %get3A_662 = arith.constant 2 : i32
      %get3A_663 = arith.index_cast %get3A_662 : i32 to index
      %get3A_664 = arith.index_cast %scan3A_655 : i32 to index
      %get3A_665 = arith.constant 0 : index
      %get3A_666 = tpu.vector_load %arg17[%get3A_663, %get3A_664, %get3A_665] {strides = array<i32>} : memref<4x128x64xf32, #tpu.memory_space<vmem>>, vector<16xf32>,
      %get3A_667 = arith.constant 2 : i32
      %get3A_668 = arith.index_cast %get3A_667 : i32 to index
      %get3A_669 = arith.index_cast %scan3A_655 : i32 to index
      %get3A_670 = arith.constant 0 : index
      %get3A_671 = tpu.vector_load %arg18[%get3A_668, %get3A_669, %get3A_670] {strides = array<i32>} : memref<4x128x64xf32, #tpu.memory_space<vmem>>, vector<16xf32>,
      %add3A_672 = arith.addf %get3A_661, %get3A_666 : vector<16xf32>
      %sub3A = arith.subf %add3A_672, %get3A_671 : vector<16xf32>
      %abs3A = math.absf %sub3A : vector<16xf32>
      %add3A_673 = arith.addf %broadcast_in_dim3A_657, %abs3A : vector<16xf32>
      %get3A_674 = arith.constant 2 : i32
      %get3A_675 = arith.index_cast %get3A_674 : i32 to index
      %get3A_676 = arith.index_cast %scan3A_655 : i32 to index
      %get3A_677 = arith.constant 16 : index
      %get3A_678 = tpu.vector_load %arg16[%get3A_675, %get3A_676, %get3A_677] {strides = array<i32>} : memref<4x128x64xf32, #tpu.memory_space<vmem>>, vector<16xf32>,
      %get3A_679 = arith.constant 2 : i32
      %get3A_680 = arith.index_cast %get3A_679 : i32 to index
      %get3A_681 = arith.index_cast %scan3A_655 : i32 to index
      %get3A_682 = arith.constant 16 : index
      %get3A_683 = tpu.vector_load %arg17[%get3A_680, %get3A_681, %get3A_682] {strides = array<i32>} : memref<4x128x64xf32, #tpu.memory_space<vmem>>, vector<16xf32>,
      %get3A_684 = arith.constant 2 : i32
      %get3A_685 = arith.index_cast %get3A_684 : i32 to index
      %get3A_686 = arith.index_cast %scan3A_655 : i32 to index
      %get3A_687 = arith.constant 16 : index
      %get3A_688 = tpu.vector_load %arg18[%get3A_685, %get3A_686, %get3A_687] {strides = array<i32>} : memref<4x128x64xf32, #tpu.memory_space<vmem>>, vector<16xf32>,
      %add3A_689 = arith.addf %get3A_678, %get3A_683 : vector<16xf32>
      %sub3A_690 = arith.subf %add3A_689, %get3A_688 : vector<16xf32>
      %abs3A_691 = math.absf %sub3A_690 : vector<16xf32>
      %add3A_692 = arith.addf %add3A_673, %abs3A_691 : vector<16xf32>
      %get3A_693 = arith.constant 2 : i32
      %get3A_694 = arith.index_cast %get3A_693 : i32 to index
      %get3A_695 = arith.index_cast %scan3A_655 : i32 to index
      %get3A_696 = arith.constant 32 : index
      %get3A_697 = tpu.vector_load %arg16[%get3A_694, %get3A_695, %get3A_696] {strides = array<i32>} : memref<4x128x64xf32, #tpu.memory_space<vmem>>, vector<16xf32>,
      %get3A_698 = arith.constant 2 : i32
      %get3A_699 = arith.index_cast %get3A_698 : i32 to index
      %get3A_700 = arith.index_cast %scan3A_655 : i32 to index
      %get3A_701 = arith.constant 32 : index
      %get3A_702 = tpu.vector_load %arg17[%get3A_699, %get3A_700, %get3A_701] {strides = array<i32>} : memref<4x128x64xf32, #tpu.memory_space<vmem>>, vector<16xf32>,
      %get3A_703 = arith.constant 2 : i32
      %get3A_704 = arith.index_cast %get3A_703 : i32 to index
      %get3A_705 = arith.index_cast %scan3A_655 : i32 to index
      %get3A_706 = arith.constant 32 : index
      %get3A_707 = tpu.vector_load %arg18[%get3A_704, %get3A_705, %get3A_706] {strides = array<i32>} : memref<4x128x64xf32, #tpu.memory_space<vmem>>, vector<16xf32>,
      %add3A_708 = arith.addf %get3A_697, %get3A_702 : vector<16xf32>
      %sub3A_709 = arith.subf %add3A_708, %get3A_707 : vector<16xf32>
      %abs3A_710 = math.absf %sub3A_709 : vector<16xf32>
      %add3A_711 = arith.addf %add3A_692, %abs3A_710 : vector<16xf32>
      %get3A_712 = arith.constant 2 : i32
      %get3A_713 = arith.index_cast %get3A_712 : i32 to index
      %get3A_714 = arith.index_cast %scan3A_655 : i32 to index
      %get3A_715 = arith.constant 48 : index
      %get3A_716 = tpu.vector_load %arg16[%get3A_713, %get3A_714, %get3A_715] {strides = array<i32>} : memref<4x128x64xf32, #tpu.memory_space<vmem>>, vector<16xf32>,
      %get3A_717 = arith.constant 2 : i32
      %get3A_718 = arith.index_cast %get3A_717 : i32 to index
      %get3A_719 = arith.index_cast %scan3A_655 : i32 to index
      %get3A_720 = arith.constant 48 : index
      %get3A_721 = tpu.vector_load %arg17[%get3A_718, %get3A_719, %get3A_720] {strides = array<i32>} : memref<4x128x64xf32, #tpu.memory_space<vmem>>, vector<16xf32>,
      %get3A_722 = arith.constant 2 : i32
      %get3A_723 = arith.index_cast %get3A_722 : i32 to index
      %get3A_724 = arith.index_cast %scan3A_655 : i32 to index
      %get3A_725 = arith.constant 48 : index
      %get3A_726 = tpu.vector_load %arg18[%get3A_723, %get3A_724, %get3A_725] {strides = array<i32>} : memref<4x128x64xf32, #tpu.memory_space<vmem>>, vector<16xf32>,
      %add3A_727 = arith.addf %get3A_716, %get3A_721 : vector<16xf32>
      %sub3A_728 = arith.subf %add3A_727, %get3A_726 : vector<16xf32>
      %abs3A_729 = math.absf %sub3A_728 : vector<16xf32>
      %add3A_730 = arith.addf %add3A_711, %abs3A_729 : vector<16xf32>
      %add3A_731 = arith.constant 256 : i32
      %add3A_732 = arith.addi %add3A_731, %scan3A_655 : i32
      %mul3A_733 = arith.constant 16 : i32
      %mul3A_734 = arith.muli %add3A_732, %mul3A_733 : i32
      %swap3A = arith.index_cast %mul3A_734 : i32 to index
      %swap3A_735 = tpu.vector_load %arg19[%swap3A] {strides = array<i32>} : memref<8192xf32, #tpu.memory_space<vmem>>, vector<16xf32>,
      tpu.vector_store %arg19[%swap3A], %add3A_730 {strides = array<i32>} : memref<8192xf32, #tpu.memory_space<vmem>>, vector<16xf32>,
      %scan3A_736 = arith.constant 0 : i32
      scf.yield %scan3A_736 : i32
    }
    %scan3A_633 = arith.constant 128 : i32
    %scan3A_634 = arith.constant 0 : i32
    %scan3A_635 = arith.constant 0 : i32
    %scan3A_636 = arith.constant 128 : i32
    %scan3A_637 = arith.addi %scan3A_635, %scan3A_636 : i32
    %scan3A_638 = arith.constant 1 : i32
    %scan3A_639 = scf.for %scan3A_655 = %scan3A_635 to %scan3A_637 step %scan3A_638 iter_args(%scan3A_656 = %scan3A_634) -> (i32)  : i32 {
      %broadcast_in_dim3A = arith.constant 0.000000e+00 : f32
      %broadcast_in_dim3A_657 = vector.broadcast %broadcast_in_dim3A : f32 to vector<16xf32>
      %get3A = arith.constant 3 : i32
      %get3A_658 = arith.index_cast %get3A : i32 to index
      %get3A_659 = arith.index_cast %scan3A_655 : i32 to index
      %get3A_660 = arith.constant 0 : index
      %get3A_661 = tpu.vector_load %arg16[%get3A_658, %get3A_659, %get3A_660] {strides = array<i32>} : memref<4x128x64xf32, #tpu.memory_space<vmem>>, vector<16xf32>,
      %get3A_662 = arith.constant 3 : i32
      %get3A_663 = arith.index_cast %get3A_662 : i32 to index
      %get3A_664 = arith.index_cast %scan3A_655 : i32 to index
      %get3A_665 = arith.constant 0 : index
      %get3A_666 = tpu.vector_load %arg17[%get3A_663, %get3A_664, %get3A_665] {strides = array<i32>} : memref<4x128x64xf32, #tpu.memory_space<vmem>>, vector<16xf32>,
      %get3A_667 = arith.constant 3 : i32
      %get3A_668 = arith.index_cast %get3A_667 : i32 to index
      %get3A_669 = arith.index_cast %scan3A_655 : i32 to index
      %get3A_670 = arith.constant 0 : index
      %get3A_671 = tpu.vector_load %arg18[%get3A_668, %get3A_669, %get3A_670] {strides = array<i32>} : memref<4x128x64xf32, #tpu.memory_space<vmem>>, vector<16xf32>,
      %add3A_672 = arith.addf %get3A_661, %get3A_666 : vector<16xf32>
      %sub3A = arith.subf %add3A_672, %get3A_671 : vector<16xf32>
      %abs3A = math.absf %sub3A : vector<16xf32>
      %add3A_673 = arith.addf %broadcast_in_dim3A_657, %abs3A : vector<16xf32>
      %get3A_674 = arith.constant 3 : i32
      %get3A_675 = arith.index_cast %get3A_674 : i32 to index
      %get3A_676 = arith.index_cast %scan3A_655 : i32 to index
      %get3A_677 = arith.constant 16 : index
      %get3A_678 = tpu.vector_load %arg16[%get3A_675, %get3A_676, %get3A_677] {strides = array<i32>} : memref<4x128x64xf32, #tpu.memory_space<vmem>>, vector<16xf32>,
      %get3A_679 = arith.constant 3 : i32
      %get3A_680 = arith.index_cast %get3A_679 : i32 to index
      %get3A_681 = arith.index_cast %scan3A_655 : i32 to index
      %get3A_682 = arith.constant 16 : index
      %get3A_683 = tpu.vector_load %arg17[%get3A_680, %get3A_681, %get3A_682] {strides = array<i32>} : memref<4x128x64xf32, #tpu.memory_space<vmem>>, vector<16xf32>,
      %get3A_684 = arith.constant 3 : i32
      %get3A_685 = arith.index_cast %get3A_684 : i32 to index
      %get3A_686 = arith.index_cast %scan3A_655 : i32 to index
      %get3A_687 = arith.constant 16 : index
      %get3A_688 = tpu.vector_load %arg18[%get3A_685, %get3A_686, %get3A_687] {strides = array<i32>} : memref<4x128x64xf32, #tpu.memory_space<vmem>>, vector<16xf32>,
      %add3A_689 = arith.addf %get3A_678, %get3A_683 : vector<16xf32>
      %sub3A_690 = arith.subf %add3A_689, %get3A_688 : vector<16xf32>
      %abs3A_691 = math.absf %sub3A_690 : vector<16xf32>
      %add3A_692 = arith.addf %add3A_673, %abs3A_691 : vector<16xf32>
      %get3A_693 = arith.constant 3 : i32
      %get3A_694 = arith.index_cast %get3A_693 : i32 to index
      %get3A_695 = arith.index_cast %scan3A_655 : i32 to index
      %get3A_696 = arith.constant 32 : index
      %get3A_697 = tpu.vector_load %arg16[%get3A_694, %get3A_695, %get3A_696] {strides = array<i32>} : memref<4x128x64xf32, #tpu.memory_space<vmem>>, vector<16xf32>,
      %get3A_698 = arith.constant 3 : i32
      %get3A_699 = arith.index_cast %get3A_698 : i32 to index
      %get3A_700 = arith.index_cast %scan3A_655 : i32 to index
      %get3A_701 = arith.constant 32 : index
      %get3A_702 = tpu.vector_load %arg17[%get3A_699, %get3A_700, %get3A_701] {strides = array<i32>} : memref<4x128x64xf32, #tpu.memory_space<vmem>>, vector<16xf32>,
      %get3A_703 = arith.constant 3 : i32
      %get3A_704 = arith.index_cast %get3A_703 : i32 to index
      %get3A_705 = arith.index_cast %scan3A_655 : i32 to index
      %get3A_706 = arith.constant 32 : index
      %get3A_707 = tpu.vector_load %arg18[%get3A_704, %get3A_705, %get3A_706] {strides = array<i32>} : memref<4x128x64xf32, #tpu.memory_space<vmem>>, vector<16xf32>,
      %add3A_708 = arith.addf %get3A_697, %get3A_702 : vector<16xf32>
      %sub3A_709 = arith.subf %add3A_708, %get3A_707 : vector<16xf32>
      %abs3A_710 = math.absf %sub3A_709 : vector<16xf32>
      %add3A_711 = arith.addf %add3A_692, %abs3A_710 : vector<16xf32>
      %get3A_712 = arith.constant 3 : i32
      %get3A_713 = arith.index_cast %get3A_712 : i32 to index
      %get3A_714 = arith.index_cast %scan3A_655 : i32 to index
      %get3A_715 = arith.constant 48 : index
      %get3A_716 = tpu.vector_load %arg16[%get3A_713, %get3A_714, %get3A_715] {strides = array<i32>} : memref<4x128x64xf32, #tpu.memory_space<vmem>>, vector<16xf32>,
      %get3A_717 = arith.constant 3 : i32
      %get3A_718 = arith.index_cast %get3A_717 : i32 to index
      %get3A_719 = arith.index_cast %scan3A_655 : i32 to index
      %get3A_720 = arith.constant 48 : index
      %get3A_721 = tpu.vector_load %arg17[%get3A_718, %get3A_719, %get3A_720] {strides = array<i32>} : memref<4x128x64xf32, #tpu.memory_space<vmem>>, vector<16xf32>,
      %get3A_722 = arith.constant 3 : i32
      %get3A_723 = arith.index_cast %get3A_722 : i32 to index
      %get3A_724 = arith.index_cast %scan3A_655 : i32 to index
      %get3A_725 = arith.constant 48 : index
      %get3A_726 = tpu.vector_load %arg18[%get3A_723, %get3A_724, %get3A_725] {strides = array<i32>} : memref<4x128x64xf32, #tpu.memory_space<vmem>>, vector<16xf32>,
      %add3A_727 = arith.addf %get3A_716, %get3A_721 : vector<16xf32>
      %sub3A_728 = arith.subf %add3A_727, %get3A_726 : vector<16xf32>
      %abs3A_729 = math.absf %sub3A_728 : vector<16xf32>
      %add3A_730 = arith.addf %add3A_711, %abs3A_729 : vector<16xf32>
      %add3A_731 = arith.constant 384 : i32
      %add3A_732 = arith.addi %add3A_731, %scan3A_655 : i32
      %mul3A_733 = arith.constant 16 : i32
      %mul3A_734 = arith.muli %add3A_732, %mul3A_733 : i32
      %swap3A = arith.index_cast %mul3A_734 : i32 to index
      %swap3A_735 = tpu.vector_load %arg19[%swap3A] {strides = array<i32>} : memref<8192xf32, #tpu.memory_space<vmem>>, vector<16xf32>,
      tpu.vector_store %arg19[%swap3A], %add3A_730 {strides = array<i32>} : memref<8192xf32, #tpu.memory_space<vmem>>, vector<16xf32>,
      %scan3A_736 = arith.constant 0 : i32
      scf.yield %scan3A_736 : i32
    }
    %scan3A_640 = arith.constant 128 : i32
    %scan3A_641 = arith.constant 0 : i32
    %scan3A_642 = arith.constant 0 : i32
    %scan3A_643 = arith.constant 32 : i32
    %scan3A_644 = arith.addi %scan3A_642, %scan3A_643 : i32
    %scan3A_645 = arith.constant 1 : i32
    %scan3A_646 = scf.for %scan3A_655 = %scan3A_642 to %scan3A_644 step %scan3A_645 iter_args(%scan3A_656 = %scan3A_641) -> (i32)  : i32 {
      %mul3A_657 = arith.constant 16 : i32
      %mul3A_658 = arith.muli %scan3A_655, %mul3A_657 : i32
      %iota3A = tpu.iota {dimensions = array<i32: 0>} : vector<16xi32>
      %add3A_659 = vector.broadcast %mul3A_658 : i32 to vector<16xi32>
      %add3A_660 = arith.addi %add3A_659, %iota3A : vector<16xi32>
      %mul3A_661 = arith.constant 16 : i32
      %mul3A_662 = vector.broadcast %mul3A_661 : i32 to vector<16xi32>
      %mul3A_663 = arith.muli %add3A_660, %mul3A_662 : vector<16xi32>
      %broadcast_in_dim3A = arith.constant 0.000000e+00 : f32
      %broadcast_in_dim3A_664 = vector.broadcast %broadcast_in_dim3A : f32 to vector<16xf32>
      %add3A_665 = arith.constant 0 : i32
      %add3A_666 = vector.broadcast %add3A_665 : i32 to vector<16xi32>
      %add3A_667 = arith.addi %mul3A_663, %add3A_666 : vector<16xi32>
      %gather3A = tpu.vector_load_idx %arg19[%add3A_667] : memref<8192xf32, #tpu.memory_space<vmem>>[vector<16xi32>], vector<16xf32>,
      %add3A_668 = arith.addf %broadcast_in_dim3A_664, %gather3A : vector<16xf32>
      %add3A_669 = arith.constant 1 : i32
      %add3A_670 = vector.broadcast %add3A_669 : i32 to vector<16xi32>
      %add3A_671 = arith.addi %mul3A_663, %add3A_670 : vector<16xi32>
      %gather3A_672 = tpu.vector_load_idx %arg19[%add3A_671] : memref<8192xf32, #tpu.memory_space<vmem>>[vector<16xi32>], vector<16xf32>,
      %add3A_673 = arith.addf %add3A_668, %gather3A_672 : vector<16xf32>
      %add3A_674 = arith.constant 2 : i32
      %add3A_675 = vector.broadcast %add3A_674 : i32 to vector<16xi32>
      %add3A_676 = arith.addi %mul3A_663, %add3A_675 : vector<16xi32>
      %gather3A_677 = tpu.vector_load_idx %arg19[%add3A_676] : memref<8192xf32, #tpu.memory_space<vmem>>[vector<16xi32>], vector<16xf32>,
      %add3A_678 = arith.addf %add3A_673, %gather3A_677 : vector<16xf32>
      %add3A_679 = arith.constant 3 : i32
      %add3A_680 = vector.broadcast %add3A_679 : i32 to vector<16xi32>
      %add3A_681 = arith.addi %mul3A_663, %add3A_680 : vector<16xi32>
      %gather3A_682 = tpu.vector_load_idx %arg19[%add3A_681] : memref<8192xf32, #tpu.memory_space<vmem>>[vector<16xi32>], vector<16xf32>,
      %add3A_683 = arith.addf %add3A_678, %gather3A_682 : vector<16xf32>
      %add3A_684 = arith.constant 4 : i32
      %add3A_685 = vector.broadcast %add3A_684 : i32 to vector<16xi32>
      %add3A_686 = arith.addi %mul3A_663, %add3A_685 : vector<16xi32>
      %gather3A_687 = tpu.vector_load_idx %arg19[%add3A_686] : memref<8192xf32, #tpu.memory_space<vmem>>[vector<16xi32>], vector<16xf32>,
      %add3A_688 = arith.addf %add3A_683, %gather3A_687 : vector<16xf32>
      %add3A_689 = arith.constant 5 : i32
      %add3A_690 = vector.broadcast %add3A_689 : i32 to vector<16xi32>
      %add3A_691 = arith.addi %mul3A_663, %add3A_690 : vector<16xi32>
      %gather3A_692 = tpu.vector_load_idx %arg19[%add3A_691] : memref<8192xf32, #tpu.memory_space<vmem>>[vector<16xi32>], vector<16xf32>,
      %add3A_693 = arith.addf %add3A_688, %gather3A_692 : vector<16xf32>
      %add3A_694 = arith.constant 6 : i32
      %add3A_695 = vector.broadcast %add3A_694 : i32 to vector<16xi32>
      %add3A_696 = arith.addi %mul3A_663, %add3A_695 : vector<16xi32>
      %gather3A_697 = tpu.vector_load_idx %arg19[%add3A_696] : memref<8192xf32, #tpu.memory_space<vmem>>[vector<16xi32>], vector<16xf32>,
      %add3A_698 = arith.addf %add3A_693, %gather3A_697 : vector<16xf32>
      %add3A_699 = arith.constant 7 : i32
      %add3A_700 = vector.broadcast %add3A_699 : i32 to vector<16xi32>
      %add3A_701 = arith.addi %mul3A_663, %add3A_700 : vector<16xi32>
      %gather3A_702 = tpu.vector_load_idx %arg19[%add3A_701] : memref<8192xf32, #tpu.memory_space<vmem>>[vector<16xi32>], vector<16xf32>,
      %add3A_703 = arith.addf %add3A_698, %gather3A_702 : vector<16xf32>
      %add3A_704 = arith.constant 8 : i32
      %add3A_705 = vector.broadcast %add3A_704 : i32 to vector<16xi32>
      %add3A_706 = arith.addi %mul3A_663, %add3A_705 : vector<16xi32>
      %gather3A_707 = tpu.vector_load_idx %arg19[%add3A_706] : memref<8192xf32, #tpu.memory_space<vmem>>[vector<16xi32>], vector<16xf32>,
      %add3A_708 = arith.addf %add3A_703, %gather3A_707 : vector<16xf32>
      %add3A_709 = arith.constant 9 : i32
      %add3A_710 = vector.broadcast %add3A_709 : i32 to vector<16xi32>
      %add3A_711 = arith.addi %mul3A_663, %add3A_710 : vector<16xi32>
      %gather3A_712 = tpu.vector_load_idx %arg19[%add3A_711] : memref<8192xf32, #tpu.memory_space<vmem>>[vector<16xi32>], vector<16xf32>,
      %add3A_713 = arith.addf %add3A_708, %gather3A_712 : vector<16xf32>
      %add3A_714 = arith.constant 10 : i32
      %add3A_715 = vector.broadcast %add3A_714 : i32 to vector<16xi32>
      %add3A_716 = arith.addi %mul3A_663, %add3A_715 : vector<16xi32>
      %gather3A_717 = tpu.vector_load_idx %arg19[%add3A_716] : memref<8192xf32, #tpu.memory_space<vmem>>[vector<16xi32>], vector<16xf32>,
      %add3A_718 = arith.addf %add3A_713, %gather3A_717 : vector<16xf32>
      %add3A_719 = arith.constant 11 : i32
      %add3A_720 = vector.broadcast %add3A_719 : i32 to vector<16xi32>
      %add3A_721 = arith.addi %mul3A_663, %add3A_720 : vector<16xi32>
      %gather3A_722 = tpu.vector_load_idx %arg19[%add3A_721] : memref<8192xf32, #tpu.memory_space<vmem>>[vector<16xi32>], vector<16xf32>,
      %add3A_723 = arith.addf %add3A_718, %gather3A_722 : vector<16xf32>
      %add3A_724 = arith.constant 12 : i32
      %add3A_725 = vector.broadcast %add3A_724 : i32 to vector<16xi32>
      %add3A_726 = arith.addi %mul3A_663, %add3A_725 : vector<16xi32>
      %gather3A_727 = tpu.vector_load_idx %arg19[%add3A_726] : memref<8192xf32, #tpu.memory_space<vmem>>[vector<16xi32>], vector<16xf32>,
      %add3A_728 = arith.addf %add3A_723, %gather3A_727 : vector<16xf32>
      %add3A_729 = arith.constant 13 : i32
      %add3A_730 = vector.broadcast %add3A_729 : i32 to vector<16xi32>
      %add3A_731 = arith.addi %mul3A_663, %add3A_730 : vector<16xi32>
      %gather3A_732 = tpu.vector_load_idx %arg19[%add3A_731] : memref<8192xf32, #tpu.memory_space<vmem>>[vector<16xi32>], vector<16xf32>,
      %add3A_733 = arith.addf %add3A_728, %gather3A_732 : vector<16xf32>
      %add3A_734 = arith.constant 14 : i32
      %add3A_735 = vector.broadcast %add3A_734 : i32 to vector<16xi32>
      %add3A_736 = arith.addi %mul3A_663, %add3A_735 : vector<16xi32>
      %gather3A_737 = tpu.vector_load_idx %arg19[%add3A_736] : memref<8192xf32, #tpu.memory_space<vmem>>[vector<16xi32>], vector<16xf32>,
      %add3A_738 = arith.addf %add3A_733, %gather3A_737 : vector<16xf32>
      %add3A_739 = arith.constant 15 : i32
      %add3A_740 = vector.broadcast %add3A_739 : i32 to vector<16xi32>
      %add3A_741 = arith.addi %mul3A_663, %add3A_740 : vector<16xi32>
      %gather3A_742 = tpu.vector_load_idx %arg19[%add3A_741] : memref<8192xf32, #tpu.memory_space<vmem>>[vector<16xi32>], vector<16xf32>,
      %add3A_743 = arith.addf %add3A_738, %gather3A_742 : vector<16xf32>
      %mul3A_744 = arith.constant 16 : i32
      %mul3A_745 = arith.muli %scan3A_655, %mul3A_744 : i32
      %swap3A = arith.index_cast %mul3A_745 : i32 to index
      %swap3A_746 = tpu.vector_load %arg21[%swap3A] {strides = array<i32>} : memref<512xf32, #tpu.memory_space<vmem>>, vector<16xf32>,
      tpu.vector_store %arg21[%swap3A], %add3A_743 {strides = array<i32>} : memref<512xf32, #tpu.memory_space<vmem>>, vector<16xf32>,
      %scan3A_747 = arith.constant 0 : i32
      scf.yield %scan3A_747 : i32
    }
    %scan3A_647 = arith.constant 32 : i32
    %scan3A_648 = arith.constant 0 : i32
    %scan3A_649 = arith.constant 0 : i32
    %scan3A_650 = arith.constant 32 : i32
    %scan3A_651 = arith.addi %scan3A_649, %scan3A_650 : i32
    %scan3A_652 = arith.constant 1 : i32
    %scan3A_653 = scf.for %scan3A_655 = %scan3A_649 to %scan3A_651 step %scan3A_652 iter_args(%scan3A_656 = %scan3A_648) -> (i32)  : i32 {
      %mul3A_657 = arith.constant 16 : i32
      %mul3A_658 = arith.muli %scan3A_655, %mul3A_657 : i32
      %get3A = arith.index_cast %mul3A_658 : i32 to index
      %get3A_659 = tpu.vector_load %arg20[%get3A] {strides = array<i32>} : memref<512xf32, #tpu.memory_space<vmem>>, vector<16xf32>,
      %mul3A_660 = arith.constant 16 : i32
      %mul3A_661 = arith.muli %scan3A_655, %mul3A_660 : i32
      %get3A_662 = arith.index_cast %mul3A_661 : i32 to index
      %get3A_663 = tpu.vector_load %arg21[%get3A_662] {strides = array<i32>} : memref<512xf32, #tpu.memory_space<vmem>>, vector<16xf32>,
      %sub3A = arith.subf %get3A_659, %get3A_663 : vector<16xf32>
      %add3A_664 = arith.constant 1.000000e+00 : f32
      %add3A_665 = vector.broadcast %add3A_664 : f32 to vector<16xf32>
      %add3A_666 = arith.addf %sub3A, %add3A_665 : vector<16xf32>
      %max3A = arith.constant 0.000000e+00 : f32
      %max3A_667 = vector.broadcast %max3A : f32 to vector<16xf32>
      %max3A_668 = arith.maximumf %add3A_666, %max3A_667 : vector<16xf32>
      %mul3A_669 = arith.constant 16 : i32
      %mul3A_670 = arith.muli %scan3A_655, %mul3A_669 : i32
      %swap3A = arith.index_cast %mul3A_670 : i32 to index
      %swap3A_671 = tpu.vector_load %arg22[%swap3A] {strides = array<i32>} : memref<512xf32, #tpu.memory_space<vmem>>, vector<16xf32>,
      tpu.vector_store %arg22[%swap3A], %max3A_668 {strides = array<i32>} : memref<512xf32, #tpu.memory_space<vmem>>, vector<16xf32>,
      %scan3A_672 = arith.constant 0 : i32
      scf.yield %scan3A_672 : i32
    }
    %scan3A_654 = arith.constant 32 : i32
    "tpu.region"() ({
      %run_scoped3A = tpu.sem_alloc : memref<!tpu.dma_semaphore, #tpu.memory_space<semaphore_mem>>
      %dma_start3A_655 = tpu.memref_slice %arg10[%mul3A_4] : memref<16384xf32, #tpu.memory_space<hbm>> -> memref<512xf32, #tpu.memory_space<hbm>>
      %dma_start3A_656 = tpu.memref_slice %arg10[%mul3A_4] : memref<16384xf32, #tpu.memory_space<hbm>> -> memref<512xf32, #tpu.memory_space<hbm>>
      tpu.enqueue_dma source(%arg22 : memref<512xf32, #tpu.memory_space<vmem>>) target(%dma_start3A_656 : memref<512xf32, #tpu.memory_space<hbm>>) target_semaphore(%run_scoped3A : memref<!tpu.dma_semaphore, #tpu.memory_space<semaphore_mem>>)
      %dma_wait3A_657 = tpu.memref_slice %arg10[%mul3A_4] : memref<16384xf32, #tpu.memory_space<hbm>> -> memref<512xf32, #tpu.memory_space<hbm>>
      %dma_wait3A_658 = tpu.memref_slice %arg10[%mul3A_4] : memref<16384xf32, #tpu.memory_space<hbm>> -> memref<512xf32, #tpu.memory_space<hbm>>
      tpu.wait_dma2 semaphore(%run_scoped3A : memref<!tpu.dma_semaphore, #tpu.memory_space<semaphore_mem>>) src(%arg22 : memref<512xf32, #tpu.memory_space<vmem>>) dst(%dma_wait3A_658 : memref<512xf32, #tpu.memory_space<hbm>>)
      tpu.yield
    }) : () -> ()
    "tpu.region"() ({
      %run_scoped3A = tpu.sem_alloc : memref<!tpu.dma_semaphore, #tpu.memory_space<semaphore_mem>>
      %dma_start3A_655 = tpu.memref_slice %arg11[%mul3A_4] : memref<16384xf32, #tpu.memory_space<hbm>> -> memref<512xf32, #tpu.memory_space<hbm>>
      %dma_start3A_656 = tpu.memref_slice %arg11[%mul3A_4] : memref<16384xf32, #tpu.memory_space<hbm>> -> memref<512xf32, #tpu.memory_space<hbm>>
      tpu.enqueue_dma source(%arg20 : memref<512xf32, #tpu.memory_space<vmem>>) target(%dma_start3A_656 : memref<512xf32, #tpu.memory_space<hbm>>) target_semaphore(%run_scoped3A : memref<!tpu.dma_semaphore, #tpu.memory_space<semaphore_mem>>)
      %dma_wait3A_657 = tpu.memref_slice %arg11[%mul3A_4] : memref<16384xf32, #tpu.memory_space<hbm>> -> memref<512xf32, #tpu.memory_space<hbm>>
      %dma_wait3A_658 = tpu.memref_slice %arg11[%mul3A_4] : memref<16384xf32, #tpu.memory_space<hbm>> -> memref<512xf32, #tpu.memory_space<hbm>>
      tpu.wait_dma2 semaphore(%run_scoped3A : memref<!tpu.dma_semaphore, #tpu.memory_space<semaphore_mem>>) src(%arg20 : memref<512xf32, #tpu.memory_space<vmem>>) dst(%dma_wait3A_658 : memref<512xf32, #tpu.memory_space<hbm>>)
      tpu.yield
    }) : () -> ()
    "tpu.region"() ({
      %run_scoped3A = tpu.sem_alloc : memref<!tpu.dma_semaphore, #tpu.memory_space<semaphore_mem>>
      %dma_start3A_655 = tpu.memref_slice %arg12[%mul3A_4] : memref<16384xf32, #tpu.memory_space<hbm>> -> memref<512xf32, #tpu.memory_space<hbm>>
      %dma_start3A_656 = tpu.memref_slice %arg12[%mul3A_4] : memref<16384xf32, #tpu.memory_space<hbm>> -> memref<512xf32, #tpu.memory_space<hbm>>
      tpu.enqueue_dma source(%arg21 : memref<512xf32, #tpu.memory_space<vmem>>) target(%dma_start3A_656 : memref<512xf32, #tpu.memory_space<hbm>>) target_semaphore(%run_scoped3A : memref<!tpu.dma_semaphore, #tpu.memory_space<semaphore_mem>>)
      %dma_wait3A_657 = tpu.memref_slice %arg12[%mul3A_4] : memref<16384xf32, #tpu.memory_space<hbm>> -> memref<512xf32, #tpu.memory_space<hbm>>
      %dma_wait3A_658 = tpu.memref_slice %arg12[%mul3A_4] : memref<16384xf32, #tpu.memory_space<hbm>> -> memref<512xf32, #tpu.memory_space<hbm>>
      tpu.wait_dma2 semaphore(%run_scoped3A : memref<!tpu.dma_semaphore, #tpu.memory_space<semaphore_mem>>) src(%arg21 : memref<512xf32, #tpu.memory_space<vmem>>) dst(%dma_wait3A_658 : memref<512xf32, #tpu.memory_space<hbm>>)
      tpu.yield
    }) : () -> ()
    return
  }
}

</mosaic_0001>

<sc_bundles>
// kernel: kernel.3.cloned.1.call-start
scs
__scs_entry_jumppad:
0x0: {  	(pc) =	sbr.rel $0x88, $3  }
0x1: {  	(tag) =	ssettag $0x0;
	lr =	simm.s32 $0x1  }
0x2: {  	[smem:$0x3F9D] =	sst lr;
	_ =	strace $0xD0000000  }
0x3: {  	_ = 	snop  }
0x4: {  	_ = 	snop  }
0x5: {  	_ = 	snop  }
0x6: {  	_ = 	snop  }
0x7: {  	_ = 	snop  }
__scs_overlays_trampoline_lowered:
0x8: {  	[smem:$0x3FAC] =	sst s0  }
0x9: {  	[smem:$0x3FAD] =	sst s1  }
0xa: {  	[smem:$0x3FAE] =	sst s2  }
0xb: {  	[smem:$0x3FAF] =	sst s3  }
0xc: {  	[smem:$0x3FB0] =	sst s4  }
0xd: {  	[smem:$0x3FB1] =	sst s5  }
0xe: {  	[smem:$0x3FB2] =	sst s6  }
0xf: {  	[smem:$0x3FB3] =	sst s7  }
0x10: {  	[smem:$0x3FB4] =	sst s8  }
0x11: {  	[smem:$0x3FB5] =	sst s9;
	s0 =	simm.s32 @!p0 $0x0  }
0x12: {  	s1 =	sld [smem:$0x3F9B];
	s0 =	simm.s32 @p0 $0x1  }
0x13: {  	[smem:$0x3FB6] =	sst s0;
	s0 =	simm.s32 @!p1 $0x0  }
0x14: {  	s2 =	sld [smem:$0x3F9A];
	s0 =	simm.s32 @p1 $0x1  }
0x15: {  	[smem:$0x3FB7] =	sst s0;
	s0 =	simm.s32 @!p2 $0x0  }
0x16: {  	s3 =	sld [smem:$0x3FDB];
	s0 =	simm.s32 @p2 $0x1  }
0x17: {  	s4 =	simm.s32 $0x1BF5;
	[smem:$0x3FB9] =	sst s0  }
0x18: {  	s0 =	sld [smem:$0x3F9C];
	_ =	swait.ge [sflag:s4], $0x0  }
0x19: {  	s7 =	sld [smem:$0x3F9D]  }
0x1a: {  	s8 =	sadd.s32 $0xFFFFE003, lr  }
0x1b: {  	s9 =	sadd.s32 $0xFFFFFEF7, lr;
	s5 =	simm.s32 $0xFFFFFFFF;
	p2 =	slt.u32 s8, $0xFFFFF086  }
0x1c: {  	p1 =	slt.u32 s9, $0xF7A;
	s5 =	simm.s32 @!p2 $0x0  }
0x1d: {  	s5 =	simm.s32 @p1 $0x1;
	p0 =	seq.s32 s7, s2  }
0x1e: {  	s7 =	smul.u32 @!p0 $0xF7A, s2;
	p2 =	seq.s32 @!p0 s5, $0x0  }
0x1f: {  	s9 =	smul.u32 $0xF7A, s1;
	s8 =	simm.s32 @!p0 $0x1BF5;
	p2 =	por !p2, p0  }
0x20: {  	[sflag:s8] =	ssyncset.s32 @!p0 $0xFFFFF086;
	s6 =	sadd.s32 @!p0 s3, s7;
	s7 =	simm.s32 @!p0 $0x108  }
0x21: {  	s3 =	sadd.s32 s3, s9;
	s6 =	sadd.s32 @!p0 $0x88, s6;
	s7 =	simm.s32 @p2 $0x1082  }
0x22: {  	[simem:s7], [sflag:s8] =	dma.local @!p0 [hbm:s6], $0xF7A  }
0x23: {  	s9 =	sor.u32 $0xD0000000, s2;
	s6 =	simm.s32 $0x108;
	_ =	swait.ge @!p0 [sflag:s8], $0x0  }
0x24: {  	s3 =	sadd.s32 $0x88, s3;
	s6 =	simm.s32 @!p1 $0x1082;
	[sflag:s4] =	ssyncset.s32 $0xFFFFF086  }
0x25: {  	[simem:s6], [sflag:s4] =	dma.local [hbm:s3], $0xF7A  }
0x26: {  	[smem:$0x3F9D] =	sst s1;
	(tag) =	ssettag s2;
	_ =	strace s9  }
0x27: {  	s1 =	sld [smem:$0x3FAD]  }
0x28: {  	s2 =	sld [smem:$0x3FAE]  }
0x29: {  	s4 =	sld [smem:$0x3FB0]  }
0x2a: {  	p0 =	seq.s32 s5, $0x0;
	s5 =	sld [smem:$0x3FB1]  }
0x2b: {  	s6 =	sld [smem:$0x3FB2]  }
0x2c: {  	s7 =	sld [smem:$0x3FB3]  }
0x2d: {  	s3 =	simm.s32 $0x108;
	s8 =	sld [smem:$0x3FB4]  }
0x2e: {  	s3 =	simm.s32 @!p0 $0x1082;
	s9 =	sld [smem:$0x3FB5]  }
0x2f: {  	lr =	sadd.s32 s0, s3;
	s0 =	sld [smem:$0x3FAC]  }
0x30: {  	s3 =	sld [smem:$0x3FAF]  }
0x31: {  	[smem:$0x3FB8] =	sst s10  }
0x32: {  	s10 =	sld [smem:$0x3FB6];
	_ =	sdelay $0x3  }
0x33: {  	p0 =	seq.s32 s10, $0x1;
	s10 =	sld [smem:$0x3FB8];
	_ =	sdelay $0x3  }
0x34: {  	[smem:$0x3FB8] =	sst s10  }
0x35: {  	s10 =	sld [smem:$0x3FB7];
	_ =	sdelay $0x3  }
0x36: {  	p1 =	seq.s32 s10, $0x1;
	s10 =	sld [smem:$0x3FB8];
	_ =	sdelay $0x3  }
0x37: {  	[smem:$0x3FB8] =	sst s10  }
0x38: {  	s10 =	sld [smem:$0x3FB9]  }
0x39: {  	_ = 	snop;
	(pc) =	sbr.ind lr, $3  }
0x3a: {  	_ = 	snop  }
0x3b: {  	_ = 	snop  }
0x3c: {  	p2 =	seq.s32 s10, $0x1;
	s10 =	sld [smem:$0x3FB8]  }
0x3d: {  	_ =	shalt  }
0x3e: {  	_ =	shalt  }
0x3f: {  	_ =	shalt  }
0x40: {  	_ =	shalt  }
0x41: {  	_ =	shalt  }
0x42: {  	_ =	shalt  }
0x43: {  	_ =	shalt  }
0x44: {  	_ =	shalt  }
0x45: {  	_ =	shalt  }
0x46: {  	_ =	shalt  }
0x47: {  	_ =	shalt  }
0x48: {  	_ =	shalt  }
0x49: {  	_ =	shalt  }
0x4a: {  	_ =	shalt  }
0x4b: {  	_ =	shalt  }
0x4c: {  	_ =	shalt  }
0x4d: {  	_ =	shalt  }
0x4e: {  	_ =	shalt  }
0x4f: {  	_ =	shalt  }
0x50: {  	_ =	shalt  }
0x51: {  	_ =	shalt  }
0x52: {  	_ =	shalt  }
0x53: {  	_ =	shalt  }
0x54: {  	_ =	shalt  }
0x55: {  	_ =	shalt  }
0x56: {  	_ =	shalt  }
0x57: {  	_ =	shalt  }
0x58: {  	_ =	shalt  }
0x59: {  	_ =	shalt  }
0x5a: {  	_ =	shalt  }
0x5b: {  	_ =	shalt  }
0x5c: {  	_ =	shalt  }
0x5d: {  	_ =	shalt  }
0x5e: {  	_ =	shalt  }
0x5f: {  	_ =	shalt  }
0x60: {  	_ =	shalt  }
0x61: {  	_ =	shalt  }
0x62: {  	_ =	shalt  }
0x63: {  	_ =	shalt  }
0x64: {  	_ =	shalt  }
0x65: {  	_ =	shalt  }
0x66: {  	_ =	shalt  }
0x67: {  	_ =	shalt  }
0x68: {  	_ =	shalt  }
0x69: {  	_ =	shalt  }
0x6a: {  	_ =	shalt  }
0x6b: {  	_ =	shalt  }
0x6c: {  	_ =	shalt  }
0x6d: {  	_ =	shalt  }
0x6e: {  	_ =	shalt  }
0x6f: {  	_ =	shalt  }
0x70: {  	_ =	shalt  }
0x71: {  	_ =	shalt  }
0x72: {  	_ =	shalt  }
0x73: {  	_ =	shalt  }
0x74: {  	_ =	shalt  }
0x75: {  	_ =	shalt  }
0x76: {  	_ =	shalt  }
0x77: {  	_ =	shalt  }
0x78: {  	_ =	shalt  }
0x79: {  	_ =	shalt  }
0x7a: {  	_ =	shalt  }
0x7b: {  	_ =	shalt  }
0x7c: {  	_ =	shalt  }
0x7d: {  	_ =	shalt  }
0x7e: {  	_ =	shalt  }
0x7f: {  	_ =	shalt  }
0x80: {  	_ =	shalt  }
0x81: {  	_ =	shalt  }
0x82: {  	_ =	shalt  }
0x83: {  	_ =	shalt  }
0x84: {  	_ =	shalt  }
0x85: {  	_ =	shalt  }
0x86: {  	_ =	shalt  }
0x87: {  	_ =	shalt  }
.Lfunc_end0:
.L_simem_size_0:
called_computation_lowered:
.L_overlay_start_0:
0x88: {  	s2 =	sld [smem:$0x3FD9]  }
0x89: {  	s3 =	sld [smem:$0x3FFE];
	_ =	sdelay $0x1  }
0x8a: {  	s1 =	srdreg.scid  }
0x8b: {  	s0 =	sand.u32 $0x1, s1  }
0x8c: {  	s14 =	sshll.u32 s0, $0xA;
	s2 =	sadd.s32 s3, s2  }
0x8d: {  	s2 =	sadd.s32 s2, s14  }
0x8e: {  	[smem:$0x3FC4] =	sst s2  }
0x8f: {  	_ = 	snop  }
0x90: {  	s2 =	sld [smem:$0x3FD0];
	_ =	sdelay $0x2  }
0x91: {  	s15 =	simm.s32 $0xA;
	s4 =	simm.s32 $0x10  }
0x92: {  	[smem:s4], [sflag:s15] =	dma.local [hbm:s2], $0x1  }
0x93: {  	_ =	swait.eq [sflag:s15], $0x1  }
0x94: {  	s16 =	sld [smem:$0x10];
	[sflag:s15] =	ssyncset.done $0x0  }
0x95: {  	s17 =	sld [smem:$0x11];
	[sflag:s15] =	ssyncadd.s32 $0xFFFFFFFF  }
0x96: {  	s18 =	sld [smem:$0x12];
	(tm) =	ssettm $0x1  }
0x97: {  	s5 =	sld [smem:$0x3FFB];
	_ =	sdelay $0x3  }
0x98: {  	_ =	strace s5  }
0x99: {  	s5 =	sld [smem:$0x3FFC];
	_ =	sdelay $0x3  }
0x9a: {  	_ =	strace s5  }
0x9b: {  	s5 =	sld [smem:$0x3FFD];
	_ =	sdelay $0x3  }
0x9c: {  	_ =	strace s5  }
0x9d: {  	_ =	strace $0x8FFFFFFF  }
0x9e: {  	s19 =	sld [smem:$0x3FDB];
	_ =	sdelay $0x1  }
0x9f: {  	s6 =	simm.s32 $_scs_section_size  }
0xa0: {  	s7 =	simm.s32 $_size__tile_overlayer_lowered;
	s8 =	simm.s32 $_tile_overlayer_lowered  }
0xa1: {  	s22 =	simm.s32 $0x1BFF;
	s21 =	sshll.u32 s8, $0x1;
	s5 =	sadd.s32 s6, s19  }
0xa2: {  	s9 =	simm.s32 $0x0;
	s20 =	sshll.u32 s7, $0x1;
	s7 =	sadd.s32 s21, s5  }
0xa3: {  	[timem:s9], [sflag:s22] =	dma.local [hbm:s7], s20  }
0xa4: {  	_ =	swait.ge [sflag:s22], s20  }
0xa5: {  	s6 =	ssub.s32 $0x0, s20;
	[sflag:s22] =	ssyncset.done $0x0  }
0xa6: {  	[sflag:s22] =	ssyncadd.s32 s6;
	_ =	sdelay $0x1  }
0xa7: {  	s23 =	simm.s32 $0x1B8B  }
0xa8: {  	_ =	swait.ge [sflag:s23], $0x1  }
0xa9: {  	[sflag:s23] =	ssyncset.done $0x0  }
0xaa: {  	s25 =	simm.s32 $0x1B8E;
	s24 =	sld [smem:$0x3FFE];
	[sflag:s23] =	ssyncadd.s32 $0xFFFFFFFF  }
0xab: {  	s26 =	simm.s32 $execute0_lowered;
	[smem:$0x3FD2] =	sst s25  }
0xac: {  	s7 =	sshll.u32 s26, $0x1;
	_ =	strace $0x80000046;
	[dreg:$0x1] =	wrdreg $0xFFFFFFFF  }
0xad: {  	s28 =	simm.s32 $_size_execute0_lowered;
	s5 =	sadd.s32 s5, s7;
	[dreg:$0x0] =	wrdreg $0x0  }
0xae: {  	s7 =	sshll.u32 s28, $0x1;
	[dreg:$0x2] =	wrdreg s5  }
0xaf: {  	[dreg:$0x3] =	wrdreg s7  }
0xb0: {  	[dreg:$0x4] =	wrdreg $0xC0  }
0xb1: {  	_ =	task [dreg:s9], $0x5FFFF  }
0xb2: {  	[dreg:$0x1] =	wrdreg $0xFFFFFFFF  }
0xb3: {  	[dreg:$0x0] =	wrdreg $0x60  }
0xb4: {  	[dreg:$0x2] =	wrdreg s24  }
0xb5: {  	[dreg:$0x3] =	wrdreg s16  }
0xb6: {  	[dreg:$0x4] =	wrdreg s17  }
0xb7: {  	[dreg:$0x5] =	wrdreg s18  }
0xb8: {  	[dreg:$0x6] =	wrdreg $0x9  }
0xb9: {  	_ =	task.clear_ibuf [dreg:s9], $0x7FFFF;
	_ =	strace $0x90000046  }
0xba: {  	s29 =	simm.s32 $0x9;
	_ =	strace $0x80000048  }
0xbb: {  	_ =	swait.ge [sflag:s29], $0x1  }
0xbc: {  	[sflag:s29] =	ssyncadd.s32 $0xFFFFFFFF  }
0xbd: {  	_ =	strace $0x90000048  }
0xbe: {  	_ =	sfence  }
0xbf: {  	s30 =	sld [smem:$0x0];
	_ =	sdelay $0x2  }
0xc0: {  	s31 =	sshll.u32 s1, $0xD;
	s1 =	sshrl.u32 s1, $0x2  }
0xc1: {  	s3 =	sand.u32 $0x4000, s31;
	s1 =	sadd.s32 s1, s30  }
0xc2: {  	s0 =	sor.u32 s3, s0;
	s1 =	sshll.u32 s1, $0x11  }
0xc3: {  	s0 =	sor.u32 s1, s0  }
0xc4: {  	s0 =	sadd.s32 $0x8F2B, s0  }
0xc5: {  	[sflag:s0] =	ssyncadd.remote.s32 $0x1  }
0xc6: {  	_ =	sfence.sel $0xFFFF  }
0xc7: {  	[dreg:$0x0] =	wrdreg $0xFFFFFFFF;
	(pc) =	sbr.abs _section_cstart, $3  }
0xc8: {  	[dreg:$0x1] =	wrdreg $0xFFFFFFFF  }
0xc9: {  	_ =	task.clear_ibuf [dreg:s9], $0x2FFFF;
	_ =	strace $0x9FFFFFFF  }
0xca: {  	(tm) =	ssettm $0x7FFFFFFF  }
0xcb: {  	_ =	shalt  }
tec
execute0_lowered:
.L_overlay_start_1:
0x0: {  	(tag) =	ssettag $0x1  }
0x1: {  	s0 =	rddreg [dreg:$0x0]  }
0x2: {  	s1 =	rddreg [dreg:$0x1]  }
0x3: {  	s5 =	rddreg [dreg:$0x2]  }
0x4: {  	s13 =	rddreg [dreg:$0x3];
	s3 =	srdreg.scid;
	s2 =	simm.s32 $0x0  }
0x5: {  	s4 =	stileid.u32;
	s15 =	simm.s32 $0x2;
	s16 =	simm.s32 $0x200  }
0x6: {  	s17 =	simm.s32 $0x400;
	s18 =	simm.s32 $0x80;
	s19 =	simm.s32 $0x180  }
0x7: {  	s20 =	simm.s32 $0x6600;
	s21 =	simm.s32 $0x380;
	s22 =	simm.s32 $0xE600  }
0x8: {  	s23 =	simm.s32 $0x580;
	s24 =	simm.s32 $0x16600;
	s25 =	simm.s32 $0x1  }
0x9: {  	s26 =	simm.s32 $0x18600;
	s28 =	simm.s32 $0x0;
	s3 =	sand.u32 $0x1, s3  }
0xa: {  	[smem:$0x7FF] =	sst s2;
	s4 =	sshll.u32 s4, $0x7;
	s6 =	sshll.u32 s3, $0x6  }
0xb: {  	_ =	strace $0x80000047;
	s29 =	ssub.s32 $0x2, s3;
	s3 =	sadd.s32 $0xF46200, s0  }
0xc: {  	s14 =	sor.u32 s6, s4;
	s7 =	sshrl.u32 s29, $0x1;
	s4 =	sadd.s32 $0x3E00, s0  }
0xd: {  	s10 =	sadd.s32 s14, s0;
	s30 =	ssub.s32 s29, s7;
	s11 =	sadd.s32 s1, s14  }
0xe: {  	s12 =	sadd.s32 s5, s14;
	s13 =	sadd.s32 s13, s14;
	s0 =	simm.s32 $0x500  }
0xf: {  	s1 =	simm.s32 $0x14600;
	s31 =	sadd.s32 $0x1E00, s10;
	s6 =	sadd.s32 $0x1600, s10  }
0x10: {  	v0 =	vlaneseq.u32;
	s7 =	sadd.s32 $0xE00, s10;
	s8 =	sadd.s32 $0x3600, s10;
	s9 =	sadd.s32 $0x2E00, s10  }
0x11: {  	v0 =	vmul.u32 $0x10, v0;
	s10 =	sadd.s32 $0x2600, s10;
	s14 =	smax.u32 s30, $0x1;
	[dreg:$0x5] =	wrdreg s31  }
.LBB2_1:
0x12: {  	s5 =	rddreg [dreg:$0x5]  }
0x13: {  	[tilespmem:s2], [sflag:$0x2] =	stream.linear.gather [hbm4b:s5+s2], $0x200, $0x38;
	[tilespmem:$0x1AC00] =	vst v63  }
0x14: {  	_ =	swait.ge [sflag:s15], $0x200  }
0x15: {  	[sflag:s15] =	ssyncset.done $0x0  }
0x16: {  	[sflag:s15] =	ssyncadd.s32 $0xFFFFFE00  }
0x17: {  	[tilespmem:s16], [sflag:$0x2] =	stream.linear.gather [hbm4b:s6+s2], $0x200, $0x38;
	[tilespmem:$0x1AC00] =	vst v63  }
0x18: {  	_ =	swait.ge [sflag:s15], $0x200  }
0x19: {  	[sflag:s15] =	ssyncset.done $0x0  }
0x1a: {  	[sflag:s15] =	ssyncadd.s32 $0xFFFFFE00  }
0x1b: {  	[tilespmem:s17], [sflag:$0x2] =	stream.linear.gather [hbm4b:s7+s2], $0x200, $0x38;
	[tilespmem:$0x1AC00] =	vst v63  }
0x1c: {  	_ =	swait.ge [sflag:s15], $0x200  }
0x1d: {  	[sflag:s15] =	ssyncset.done $0x0  }
0x1e: {  	s5 =	simm.s32 $0x600;
	[sflag:s15] =	ssyncadd.s32 $0xFFFFFE00  }
0x1f: {  	[tilespmem:s5], [sflag:$0x1] =	stream.indirect.gather [hbm4b:s3+s18], $0x40, s2, s18, $0xb8;
	[tilespmem:$0x1AC00] =	vst v63  }
0x20: {  	s5 =	simm.s32 $0x8600  }
0x21: {  	[tilespmem:s5], [sflag:$0x1] =	stream.indirect.gather [hbm4b:s4+s18], $0x40, s16, s18, $0xb8;
	[tilespmem:$0x1AC00] =	vst v63  }
0x22: {  	s5 =	simm.s32 $0x10600  }
0x23: {  	[tilespmem:s5], [sflag:$0x1] =	stream.indirect.gather [hbm4b:s3+s18], $0x40, s17, s18, $0xb8;
	[tilespmem:$0x1AC00] =	vst v63  }
0x24: {  	s5 =	simm.s32 $0x2600  }
0x25: {  	[tilespmem:s5], [sflag:$0x1] =	stream.indirect.gather [hbm4b:s3+s18], $0x40, s18, s18, $0xb8;
	[tilespmem:$0x1AC00] =	vst v63  }
0x26: {  	s29 =	simm.s32 $0xA600;
	s5 =	simm.s32 $0x280  }
0x27: {  	[tilespmem:s29], [sflag:$0x1] =	stream.indirect.gather [hbm4b:s4+s18], $0x40, s5, s18, $0xb8;
	[tilespmem:$0x1AC00] =	vst v63  }
0x28: {  	s5 =	simm.s32 $0x480;
	s29 =	simm.s32 $0x12600  }
0x29: {  	[tilespmem:s29], [sflag:$0x1] =	stream.indirect.gather [hbm4b:s3+s18], $0x40, s5, s18, $0xb8;
	[tilespmem:$0x1AC00] =	vst v63  }
0x2a: {  	s5 =	simm.s32 $0x100;
	s29 =	simm.s32 $0x4600  }
0x2b: {  	[tilespmem:s29], [sflag:$0x1] =	stream.indirect.gather [hbm4b:s3+s18], $0x40, s5, s18, $0xb8;
	[tilespmem:$0x1AC00] =	vst v63  }
0x2c: {  	s5 =	simm.s32 $0x300;
	s29 =	simm.s32 $0xC600  }
0x2d: {  	[tilespmem:s29], [sflag:$0x1] =	stream.indirect.gather [hbm4b:s4+s18], $0x40, s5, s18, $0xb8;
	[tilespmem:$0x1AC00] =	vst v63  }
0x2e: {  	_ = 	snop  }
0x2f: {  	[tilespmem:s1], [sflag:$0x1] =	stream.indirect.gather [hbm4b:s3+s18], $0x40, s0, s18, $0xb8;
	[tilespmem:$0x1AC00] =	vst v63  }
0x30: {  	_ = 	snop  }
0x31: {  	[tilespmem:s20], [sflag:$0x1] =	stream.indirect.gather [hbm4b:s3+s18], $0x40, s19, s18, $0xb8;
	[tilespmem:$0x1AC00] =	vst v63  }
0x32: {  	_ = 	snop  }
0x33: {  	[tilespmem:s22], [sflag:$0x1] =	stream.indirect.gather [hbm4b:s4+s18], $0x40, s21, s18, $0xb8;
	[tilespmem:$0x1AC00] =	vst v63  }
0x34: {  	_ = 	snop  }
0x35: {  	[tilespmem:s24], [sflag:$0x1] =	stream.indirect.gather [hbm4b:s3+s18], $0x40, s23, s18, $0xb8;
	[tilespmem:$0x1AC00] =	vst v63  }
0x36: {  	_ =	swait.ge [sflag:s25], $0x2000  }
0x37: {  	[sflag:s25] =	ssyncset.done $0x0  }
0x38: {  	[sflag:s25] =	ssyncadd.s32 $0xFFFFE000  }
0x39: {  	_ =	swait.ge [sflag:s25], $0x2000  }
0x3a: {  	[sflag:s25] =	ssyncset.done $0x0  }
0x3b: {  	[sflag:s25] =	ssyncadd.s32 $0xFFFFE000  }
0x3c: {  	_ =	swait.ge [sflag:s25], $0x2000  }
0x3d: {  	[sflag:s25] =	ssyncset.done $0x0  }
0x3e: {  	[sflag:s25] =	ssyncadd.s32 $0xFFFFE000  }
0x3f: {  	_ =	swait.ge [sflag:s25], $0x2000  }
0x40: {  	[sflag:s25] =	ssyncset.done $0x0  }
0x41: {  	[sflag:s25] =	ssyncadd.s32 $0xFFFFE000  }
0x42: {  	_ =	swait.ge [sflag:s25], $0x2000  }
0x43: {  	[sflag:s25] =	ssyncset.done $0x0  }
0x44: {  	[sflag:s25] =	ssyncadd.s32 $0xFFFFE000  }
0x45: {  	_ =	swait.ge [sflag:s25], $0x2000  }
0x46: {  	[sflag:s25] =	ssyncset.done $0x0  }
0x47: {  	[sflag:s25] =	ssyncadd.s32 $0xFFFFE000  }
0x48: {  	_ =	swait.ge [sflag:s25], $0x2000  }
0x49: {  	[sflag:s25] =	ssyncset.done $0x0  }
0x4a: {  	[sflag:s25] =	ssyncadd.s32 $0xFFFFE000  }
0x4b: {  	_ =	swait.ge [sflag:s25], $0x2000  }
0x4c: {  	[sflag:s25] =	ssyncset.done $0x0  }
0x4d: {  	[sflag:s25] =	ssyncadd.s32 $0xFFFFE000  }
0x4e: {  	_ =	swait.ge [sflag:s25], $0x2000  }
0x4f: {  	[sflag:s25] =	ssyncset.done $0x0  }
0x50: {  	[sflag:s25] =	ssyncadd.s32 $0xFFFFE000  }
0x51: {  	_ =	swait.ge [sflag:s25], $0x2000  }
0x52: {  	[sflag:s25] =	ssyncset.done $0x0  }
0x53: {  	[sflag:s25] =	ssyncadd.s32 $0xFFFFE000  }
0x54: {  	_ =	swait.ge [sflag:s25], $0x2000  }
0x55: {  	[sflag:s25] =	ssyncset.done $0x0  }
0x56: {  	[sflag:s25] =	ssyncadd.s32 $0xFFFFE000  }
0x57: {  	_ =	swait.ge [sflag:s25], $0x2000  }
0x58: {  	[sflag:s25] =	ssyncset.done $0x0  }
0x59: {  	s5 =	simm.s32 $0x0;
	[sflag:s25] =	ssyncadd.s32 $0xFFFFE000  }
0x5a: {  	v1 =	vld [tilespmem:s5+$0x630]  }
0x5b: {  	v2 =	vld [tilespmem:s5+$0x10600]  }
0x5c: {  	v3 =	vld [tilespmem:s5+$0x620]  }
0x5d: {  	v4 =	vld [tilespmem:s5+$0x8600]  }
0x5e: {  	v5 =	vld [tilespmem:s5+$0x600]  }
0x5f: {  	v6 =	vld [tilespmem:s5+$0x610]  }
0x60: {  	v7 =	vld [tilespmem:s5+$0x8610]  }
0x61: {  	v8 =	vld [tilespmem:s5+$0x8620]  }
0x62: {  	v9 =	vld [tilespmem:s5+$0x10610]  }
0x63: {  	v10 =	vld [tilespmem:s5+$0x8630]  }
0x64: {  	v11 =	vld [tilespmem:s5+$0x10620]  }
0x65: {  	v4 =	vadd.f32 v4, v5;
	v5 =	vadd.f32 v7, v6  }
0x66: {  	v3 =	vadd.f32 v8, v3;
	v6 =	vld [tilespmem:s5+$0x10630]  }
0x67: {  	v2 =	vsub.f32 v4, v2;
	v4 =	vsub.f32 v5, v9  }
0x68: {  	v1 =	vadd.f32 v10, v1  }
0x69: {  	v3 =	vsub.f32 v3, v11;
	v2 =	vand.u32 $0x7FFFFFFF, v2;
	v4 =	vand.u32 $0x7FFFFFFF, v4  }
0x6a: {  	v2 =	vadd.f32 v4, v2  }
0x6b: {  	v3 =	vand.u32 $0x7FFFFFFF, v3;
	v1 =	vsub.f32 v1, v6  }
0x6c: {  	v2 =	vadd.f32 v3, v2  }
0x6d: {  	v1 =	vand.u32 $0x7FFFFFFF, v1  }
0x6e: {  	v1 =	vadd.f32 v1, v2;
	_ =	sdelay $0x1  }
0x6f: {  	s31 =	simm.s32 $0x40;
	[tilespmem:s26+$0x0] =	vst v1  }
0x70: {  	v1 =	vld [tilespmem:s31+$0x630]  }
0x71: {  	v2 =	vld [tilespmem:s31+$0x10600]  }
0x72: {  	v3 =	vld [tilespmem:s31+$0x620]  }
0x73: {  	v4 =	vld [tilespmem:s31+$0x8600]  }
0x74: {  	v5 =	vld [tilespmem:s31+$0x600]  }
0x75: {  	s30 =	simm.s32 $0x200;
	s29 =	simm.s32 $0x18600;
	v6 =	vld [tilespmem:s31+$0x610]  }
.LBB2_2:
0x76: {  	p0 =	sne.s32 s30, $0x7F00;
	v7 =	vld [tilespmem:s31+$0x8610]  }
0x77: {  	v8 =	vld [tilespmem:s31+$0x8620]  }
0x78: {  	v9 =	vld [tilespmem:s31+$0x10610]  }
0x79: {  	v10 =	vld [tilespmem:s31+$0x8630]  }
0x7a: {  	v11 =	vld [tilespmem:s31+$0x10620]  }
0x7b: {  	v4 =	vadd.f32 v4, v5;
	v5 =	vadd.f32 v7, v6  }
0x7c: {  	v3 =	vadd.f32 v8, v3;
	v6 =	vld [tilespmem:s31+$0x10630]  }
0x7d: {  	v2 =	vsub.f32 v4, v2;
	v4 =	vsub.f32 v5, v9  }
0x7e: {  	v1 =	vadd.f32 v10, v1  }
0x7f: {  	v2 =	vand.u32 $0x7FFFFFFF, v2;
	v4 =	vand.u32 $0x7FFFFFFF, v4;
	v3 =	vsub.f32 v3, v11  }
0x80: {  	v2 =	vadd.f32 v4, v2  }
0x81: {  	v3 =	vand.u32 $0x7FFFFFFF, v3;
	v1 =	vsub.f32 v1, v6  }
0x82: {  	v2 =	vadd.f32 v3, v2  }
0x83: {  	v1 =	vand.u32 $0x7FFFFFFF, v1  }
0x84: {  	v1 =	vadd.f32 v1, v2  }
0x85: {  	s29 =	sadd.s32 $0x10, s29  }
0x86: {  	s31 =	sshra.s32 s30, $0x2;
	[tilespmem:s29+$0x0] =	vst v1  }
0x87: {  	v1 =	vld [tilespmem:s31+$0x630]  }
.Ltmp0:
0x88: {  	v2 =	vld [tilespmem:s31+$0x10600];
	(pc) =	sbr.rel @p0 .LBB2_2-.Ltmp0, $4  }
0x89: {  	v3 =	vld [tilespmem:s31+$0x620]  }
0x8a: {  	v4 =	vld [tilespmem:s31+$0x8600]  }
0x8b: {  	v5 =	vld [tilespmem:s31+$0x600]  }
0x8c: {  	s30 =	sadd.s32 $0x100, s30;
	v6 =	vld [tilespmem:s31+$0x610]  }
0x8d: {  	v7 =	vld [tilespmem:s31+$0x8610]  }
0x8e: {  	v8 =	vld [tilespmem:s31+$0x8620]  }
0x8f: {  	v9 =	vld [tilespmem:s31+$0x10610]  }
0x90: {  	v10 =	vld [tilespmem:s31+$0x8630]  }
0x91: {  	v11 =	vld [tilespmem:s31+$0x10620]  }
0x92: {  	v4 =	vadd.f32 v4, v5;
	v5 =	vadd.f32 v7, v6  }
0x93: {  	v3 =	vadd.f32 v8, v3;
	v6 =	vld [tilespmem:s31+$0x10630]  }
0x94: {  	v2 =	vsub.f32 v4, v2;
	v4 =	vsub.f32 v5, v9  }
0x95: {  	v1 =	vadd.f32 v10, v1  }
0x96: {  	v2 =	vand.u32 $0x7FFFFFFF, v2;
	v3 =	vsub.f32 v3, v11;
	v4 =	vand.u32 $0x7FFFFFFF, v4  }
0x97: {  	v2 =	vadd.f32 v4, v2  }
0x98: {  	v3 =	vand.u32 $0x7FFFFFFF, v3;
	v1 =	vsub.f32 v1, v6  }
0x99: {  	v2 =	vadd.f32 v3, v2  }
0x9a: {  	v1 =	vand.u32 $0x7FFFFFFF, v1  }
0x9b: {  	v1 =	vadd.f32 v1, v2  }
0x9c: {  	s5 =	sadd.s32 $0x10, s29  }
0x9d: {  	s29 =	simm.s32 $0x0;
	[tilespmem:s5+$0x0] =	vst v1  }
0x9e: {  	v1 =	vld [tilespmem:s29+$0x2630]  }
0x9f: {  	v2 =	vld [tilespmem:s29+$0x12600]  }
0xa0: {  	v3 =	vld [tilespmem:s29+$0x2620]  }
0xa1: {  	v4 =	vld [tilespmem:s29+$0xA600]  }
0xa2: {  	v5 =	vld [tilespmem:s29+$0x2600]  }
0xa3: {  	v6 =	vld [tilespmem:s29+$0x2610]  }
0xa4: {  	v7 =	vld [tilespmem:s29+$0xA610]  }
0xa5: {  	v8 =	vld [tilespmem:s29+$0xA620]  }
0xa6: {  	v61 =	vld [tilespmem:s29+$0x12610]  }
0xa7: {  	v62 =	vld [tilespmem:s29+$0xA630]  }
0xa8: {  	v63 =	vld [tilespmem:s29+$0x12620]  }
0xa9: {  	v4 =	vadd.f32 v4, v5;
	v5 =	vadd.f32 v7, v6  }
0xaa: {  	v3 =	vadd.f32 v8, v3;
	v6 =	vld [tilespmem:s29+$0x12630]  }
0xab: {  	v2 =	vsub.f32 v4, v2;
	v4 =	vsub.f32 v5, v61  }
0xac: {  	v1 =	vadd.f32 v62, v1  }
0xad: {  	v3 =	vsub.f32 v3, v63;
	v2 =	vand.u32 $0x7FFFFFFF, v2;
	v4 =	vand.u32 $0x7FFFFFFF, v4  }
0xae: {  	v2 =	vadd.f32 v4, v2  }
0xaf: {  	v3 =	vand.u32 $0x7FFFFFFF, v3;
	v1 =	vsub.f32 v1, v6  }
0xb0: {  	v2 =	vadd.f32 v3, v2  }
0xb1: {  	v1 =	vand.u32 $0x7FFFFFFF, v1  }
0xb2: {  	v1 =	vadd.f32 v1, v2  }
0xb3: {  	s30 =	simm.s32 $0x18E00  }
0xb4: {  	s5 =	simm.s32 $0x40;
	[tilespmem:s30+$0x0] =	vst v1  }
0xb5: {  	v1 =	vld [tilespmem:s5+$0x2630]  }
0xb6: {  	v2 =	vld [tilespmem:s5+$0x12600]  }
0xb7: {  	v3 =	vld [tilespmem:s5+$0x2620]  }
0xb8: {  	v4 =	vld [tilespmem:s5+$0xA600]  }
0xb9: {  	v5 =	vld [tilespmem:s5+$0x2600]  }
0xba: {  	s31 =	simm.s32 $0x200;
	v6 =	vld [tilespmem:s5+$0x2610]  }
.LBB2_4:
0xbb: {  	p0 =	sne.s32 s31, $0x7F00;
	v7 =	vld [tilespmem:s5+$0xA610]  }
0xbc: {  	v8 =	vld [tilespmem:s5+$0xA620]  }
0xbd: {  	v9 =	vld [tilespmem:s5+$0x12610]  }
0xbe: {  	v10 =	vld [tilespmem:s5+$0xA630]  }
0xbf: {  	v11 =	vld [tilespmem:s5+$0x12620]  }
0xc0: {  	v4 =	vadd.f32 v4, v5;
	v5 =	vadd.f32 v7, v6  }
0xc1: {  	v3 =	vadd.f32 v8, v3;
	v6 =	vld [tilespmem:s5+$0x12630]  }
0xc2: {  	v2 =	vsub.f32 v4, v2;
	v4 =	vsub.f32 v5, v9  }
0xc3: {  	v1 =	vadd.f32 v10, v1  }
0xc4: {  	v2 =	vand.u32 $0x7FFFFFFF, v2;
	v4 =	vand.u32 $0x7FFFFFFF, v4;
	v3 =	vsub.f32 v3, v11  }
0xc5: {  	v2 =	vadd.f32 v4, v2  }
0xc6: {  	v3 =	vand.u32 $0x7FFFFFFF, v3;
	v1 =	vsub.f32 v1, v6  }
0xc7: {  	v2 =	vadd.f32 v3, v2  }
0xc8: {  	v1 =	vand.u32 $0x7FFFFFFF, v1  }
0xc9: {  	v1 =	vadd.f32 v1, v2  }
0xca: {  	s30 =	sadd.s32 $0x10, s30  }
0xcb: {  	s5 =	sshra.s32 s31, $0x2;
	[tilespmem:s30+$0x0] =	vst v1  }
0xcc: {  	v1 =	vld [tilespmem:s5+$0x2630]  }
.Ltmp1:
0xcd: {  	v2 =	vld [tilespmem:s5+$0x12600];
	(pc) =	sbr.rel @p0 .LBB2_4-.Ltmp1, $4  }
0xce: {  	v3 =	vld [tilespmem:s5+$0x2620]  }
0xcf: {  	v4 =	vld [tilespmem:s5+$0xA600]  }
0xd0: {  	v5 =	vld [tilespmem:s5+$0x2600]  }
0xd1: {  	s31 =	sadd.s32 $0x100, s31;
	v6 =	vld [tilespmem:s5+$0x2610]  }
0xd2: {  	v7 =	vld [tilespmem:s5+$0xA610]  }
0xd3: {  	v8 =	vld [tilespmem:s5+$0xA620]  }
0xd4: {  	v9 =	vld [tilespmem:s5+$0x12610]  }
0xd5: {  	v10 =	vld [tilespmem:s5+$0xA630]  }
0xd6: {  	v11 =	vld [tilespmem:s5+$0x12620]  }
0xd7: {  	v4 =	vadd.f32 v4, v5;
	v5 =	vadd.f32 v7, v6  }
0xd8: {  	v3 =	vadd.f32 v8, v3;
	v6 =	vld [tilespmem:s5+$0x12630]  }
0xd9: {  	v2 =	vsub.f32 v4, v2;
	v4 =	vsub.f32 v5, v9  }
0xda: {  	v1 =	vadd.f32 v10, v1  }
0xdb: {  	v2 =	vand.u32 $0x7FFFFFFF, v2;
	v3 =	vsub.f32 v3, v11;
	v4 =	vand.u32 $0x7FFFFFFF, v4  }
0xdc: {  	v2 =	vadd.f32 v4, v2  }
0xdd: {  	v3 =	vand.u32 $0x7FFFFFFF, v3;
	v1 =	vsub.f32 v1, v6  }
0xde: {  	v2 =	vadd.f32 v3, v2  }
0xdf: {  	v1 =	vand.u32 $0x7FFFFFFF, v1  }
0xe0: {  	v1 =	vadd.f32 v1, v2  }
0xe1: {  	s31 =	sadd.s32 $0x10, s30  }
0xe2: {  	[tilespmem:s31+$0x0] =	vst v1  }
0xe3: {  	v1 =	vld [tilespmem:s29+$0x4630]  }
0xe4: {  	v2 =	vld [tilespmem:s29+$0x14600]  }
0xe5: {  	v3 =	vld [tilespmem:s29+$0x4620]  }
0xe6: {  	v4 =	vld [tilespmem:s29+$0xC600]  }
0xe7: {  	v5 =	vld [tilespmem:s29+$0x4600]  }
0xe8: {  	v6 =	vld [tilespmem:s29+$0x4610]  }
0xe9: {  	v7 =	vld [tilespmem:s29+$0xC610]  }
0xea: {  	v8 =	vld [tilespmem:s29+$0xC620]  }
0xeb: {  	v61 =	vld [tilespmem:s29+$0x14610]  }
0xec: {  	v62 =	vld [tilespmem:s29+$0xC630]  }
0xed: {  	v63 =	vld [tilespmem:s29+$0x14620]  }
0xee: {  	v4 =	vadd.f32 v4, v5;
	v5 =	vadd.f32 v7, v6  }
0xef: {  	v3 =	vadd.f32 v8, v3;
	v6 =	vld [tilespmem:s29+$0x14630]  }
0xf0: {  	v2 =	vsub.f32 v4, v2;
	v4 =	vsub.f32 v5, v61  }
0xf1: {  	v1 =	vadd.f32 v62, v1  }
0xf2: {  	v3 =	vsub.f32 v3, v63;
	v2 =	vand.u32 $0x7FFFFFFF, v2;
	v4 =	vand.u32 $0x7FFFFFFF, v4  }
0xf3: {  	v2 =	vadd.f32 v4, v2  }
0xf4: {  	v3 =	vand.u32 $0x7FFFFFFF, v3;
	v1 =	vsub.f32 v1, v6  }
0xf5: {  	v2 =	vadd.f32 v3, v2  }
0xf6: {  	v1 =	vand.u32 $0x7FFFFFFF, v1  }
0xf7: {  	v1 =	vadd.f32 v1, v2  }
0xf8: {  	s29 =	simm.s32 $0x19600  }
0xf9: {  	s5 =	simm.s32 $0x40;
	[tilespmem:s29+$0x0] =	vst v1  }
0xfa: {  	v1 =	vld [tilespmem:s5+$0x4630]  }
0xfb: {  	v2 =	vld [tilespmem:s5+$0x14600]  }
0xfc: {  	v3 =	vld [tilespmem:s5+$0x4620]  }
0xfd: {  	v4 =	vld [tilespmem:s5+$0xC600]  }
0xfe: {  	v5 =	vld [tilespmem:s5+$0x4600]  }
0xff: {  	s30 =	simm.s32 $0x200;
	v6 =	vld [tilespmem:s5+$0x4610]  }
.LBB2_6:
0x100: {  	p0 =	sne.s32 s30, $0x7F00;
	v7 =	vld [tilespmem:s5+$0xC610]  }
0x101: {  	v8 =	vld [tilespmem:s5+$0xC620]  }
0x102: {  	v9 =	vld [tilespmem:s5+$0x14610]  }
0x103: {  	v10 =	vld [tilespmem:s5+$0xC630]  }
0x104: {  	v11 =	vld [tilespmem:s5+$0x14620]  }
0x105: {  	v4 =	vadd.f32 v4, v5;
	v5 =	vadd.f32 v7, v6  }
0x106: {  	v3 =	vadd.f32 v8, v3;
	v6 =	vld [tilespmem:s5+$0x14630]  }
0x107: {  	v2 =	vsub.f32 v4, v2;
	v4 =	vsub.f32 v5, v9  }
0x108: {  	v1 =	vadd.f32 v10, v1  }
0x109: {  	v2 =	vand.u32 $0x7FFFFFFF, v2;
	v4 =	vand.u32 $0x7FFFFFFF, v4;
	v3 =	vsub.f32 v3, v11  }
0x10a: {  	v2 =	vadd.f32 v4, v2  }
0x10b: {  	v3 =	vand.u32 $0x7FFFFFFF, v3;
	v1 =	vsub.f32 v1, v6  }
0x10c: {  	v2 =	vadd.f32 v3, v2  }
0x10d: {  	v1 =	vand.u32 $0x7FFFFFFF, v1  }
0x10e: {  	v1 =	vadd.f32 v1, v2  }
0x10f: {  	s29 =	sadd.s32 $0x10, s29  }
0x110: {  	s5 =	sshra.s32 s30, $0x2;
	[tilespmem:s29+$0x0] =	vst v1  }
0x111: {  	v1 =	vld [tilespmem:s5+$0x4630]  }
.Ltmp2:
0x112: {  	v2 =	vld [tilespmem:s5+$0x14600];
	(pc) =	sbr.rel @p0 .LBB2_6-.Ltmp2, $4  }
0x113: {  	v3 =	vld [tilespmem:s5+$0x4620]  }
0x114: {  	v4 =	vld [tilespmem:s5+$0xC600]  }
0x115: {  	v5 =	vld [tilespmem:s5+$0x4600]  }
0x116: {  	s30 =	sadd.s32 $0x100, s30;
	v6 =	vld [tilespmem:s5+$0x4610]  }
0x117: {  	v7 =	vld [tilespmem:s5+$0xC610]  }
0x118: {  	v8 =	vld [tilespmem:s5+$0xC620]  }
0x119: {  	v9 =	vld [tilespmem:s5+$0x14610]  }
0x11a: {  	v10 =	vld [tilespmem:s5+$0xC630]  }
0x11b: {  	v11 =	vld [tilespmem:s5+$0x14620]  }
0x11c: {  	v4 =	vadd.f32 v4, v5;
	v5 =	vadd.f32 v7, v6  }
0x11d: {  	v3 =	vadd.f32 v8, v3;
	v6 =	vld [tilespmem:s5+$0x14630]  }
0x11e: {  	v2 =	vsub.f32 v4, v2;
	v4 =	vsub.f32 v5, v9  }
0x11f: {  	v1 =	vadd.f32 v10, v1  }
0x120: {  	v2 =	vand.u32 $0x7FFFFFFF, v2;
	v3 =	vsub.f32 v3, v11;
	v4 =	vand.u32 $0x7FFFFFFF, v4  }
0x121: {  	v2 =	vadd.f32 v4, v2  }
0x122: {  	v3 =	vand.u32 $0x7FFFFFFF, v3;
	v1 =	vsub.f32 v1, v6  }
0x123: {  	v2 =	vadd.f32 v3, v2  }
0x124: {  	v1 =	vand.u32 $0x7FFFFFFF, v1  }
0x125: {  	v1 =	vadd.f32 v1, v2  }
0x126: {  	s5 =	sadd.s32 $0x10, s29  }
0x127: {  	[tilespmem:s5+$0x0] =	vst v1;
	s5 =	simm.s32 $0x0  }
0x128: {  	v1 =	vld [tilespmem:s5+$0x6630]  }
0x129: {  	v2 =	vld [tilespmem:s5+$0x16600]  }
0x12a: {  	v3 =	vld [tilespmem:s5+$0x6620]  }
0x12b: {  	v4 =	vld [tilespmem:s5+$0xE600]  }
0x12c: {  	v5 =	vld [tilespmem:s5+$0x6600]  }
0x12d: {  	v6 =	vld [tilespmem:s5+$0x6610]  }
0x12e: {  	v7 =	vld [tilespmem:s5+$0xE610]  }
0x12f: {  	v8 =	vld [tilespmem:s5+$0xE620]  }
0x130: {  	v61 =	vld [tilespmem:s5+$0x16610]  }
0x131: {  	v62 =	vld [tilespmem:s5+$0xE630]  }
0x132: {  	v63 =	vld [tilespmem:s5+$0x16620]  }
0x133: {  	v4 =	vadd.f32 v4, v5;
	v5 =	vadd.f32 v7, v6  }
0x134: {  	v3 =	vadd.f32 v8, v3;
	v6 =	vld [tilespmem:s5+$0x16630]  }
0x135: {  	v2 =	vsub.f32 v4, v2;
	v4 =	vsub.f32 v5, v61  }
0x136: {  	v1 =	vadd.f32 v62, v1  }
0x137: {  	v3 =	vsub.f32 v3, v63;
	v2 =	vand.u32 $0x7FFFFFFF, v2;
	v4 =	vand.u32 $0x7FFFFFFF, v4  }
0x138: {  	v2 =	vadd.f32 v4, v2  }
0x139: {  	v3 =	vand.u32 $0x7FFFFFFF, v3;
	v1 =	vsub.f32 v1, v6  }
0x13a: {  	v2 =	vadd.f32 v3, v2  }
0x13b: {  	v1 =	vand.u32 $0x7FFFFFFF, v1  }
0x13c: {  	v1 =	vadd.f32 v1, v2  }
0x13d: {  	s29 =	simm.s32 $0x19E00  }
0x13e: {  	s5 =	simm.s32 $0x40;
	[tilespmem:s29+$0x0] =	vst v1  }
0x13f: {  	v1 =	vld [tilespmem:s5+$0x6630]  }
0x140: {  	v2 =	vld [tilespmem:s5+$0x16600]  }
0x141: {  	v3 =	vld [tilespmem:s5+$0x6620]  }
0x142: {  	v4 =	vld [tilespmem:s5+$0xE600]  }
0x143: {  	v5 =	vld [tilespmem:s5+$0x6600]  }
0x144: {  	s30 =	simm.s32 $0x0;
	s31 =	simm.s32 $0x200;
	v6 =	vld [tilespmem:s5+$0x6610]  }
.LBB2_8:
0x145: {  	p0 =	sne.s32 s31, $0x7F00;
	v7 =	vld [tilespmem:s5+$0xE610]  }
0x146: {  	v8 =	vld [tilespmem:s5+$0xE620]  }
0x147: {  	v9 =	vld [tilespmem:s5+$0x16610]  }
0x148: {  	v10 =	vld [tilespmem:s5+$0xE630]  }
0x149: {  	v11 =	vld [tilespmem:s5+$0x16620]  }
0x14a: {  	v4 =	vadd.f32 v4, v5;
	v5 =	vadd.f32 v7, v6  }
0x14b: {  	v3 =	vadd.f32 v8, v3;
	v6 =	vld [tilespmem:s5+$0x16630]  }
0x14c: {  	v2 =	vsub.f32 v4, v2;
	v4 =	vsub.f32 v5, v9  }
0x14d: {  	v1 =	vadd.f32 v10, v1  }
0x14e: {  	v2 =	vand.u32 $0x7FFFFFFF, v2;
	v4 =	vand.u32 $0x7FFFFFFF, v4;
	v3 =	vsub.f32 v3, v11  }
0x14f: {  	v2 =	vadd.f32 v4, v2  }
0x150: {  	v3 =	vand.u32 $0x7FFFFFFF, v3;
	v1 =	vsub.f32 v1, v6  }
0x151: {  	v2 =	vadd.f32 v3, v2  }
0x152: {  	v1 =	vand.u32 $0x7FFFFFFF, v1  }
0x153: {  	v1 =	vadd.f32 v1, v2  }
0x154: {  	s29 =	sadd.s32 $0x10, s29  }
0x155: {  	s5 =	sshra.s32 s31, $0x2;
	[tilespmem:s29+$0x0] =	vst v1  }
0x156: {  	v1 =	vld [tilespmem:s5+$0x6630]  }
.Ltmp3:
0x157: {  	v2 =	vld [tilespmem:s5+$0x16600];
	(pc) =	sbr.rel @p0 .LBB2_8-.Ltmp3, $4  }
0x158: {  	v3 =	vld [tilespmem:s5+$0x6620]  }
0x159: {  	v4 =	vld [tilespmem:s5+$0xE600]  }
0x15a: {  	v5 =	vld [tilespmem:s5+$0x6600]  }
0x15b: {  	s31 =	sadd.s32 $0x100, s31;
	v6 =	vld [tilespmem:s5+$0x6610]  }
0x15c: {  	v7 =	vld [tilespmem:s5+$0xE610]  }
0x15d: {  	v8 =	vld [tilespmem:s5+$0xE620]  }
0x15e: {  	v9 =	vld [tilespmem:s5+$0x16610]  }
0x15f: {  	v10 =	vld [tilespmem:s5+$0xE630]  }
0x160: {  	v11 =	vld [tilespmem:s5+$0x16620]  }
0x161: {  	v4 =	vadd.f32 v4, v5;
	v5 =	vadd.f32 v7, v6  }
0x162: {  	v3 =	vadd.f32 v8, v3;
	v6 =	vld [tilespmem:s5+$0x16630]  }
0x163: {  	v2 =	vsub.f32 v4, v2;
	v4 =	vsub.f32 v5, v9  }
0x164: {  	v1 =	vadd.f32 v10, v1  }
0x165: {  	v2 =	vand.u32 $0x7FFFFFFF, v2;
	v3 =	vsub.f32 v3, v11;
	v4 =	vand.u32 $0x7FFFFFFF, v4  }
0x166: {  	v2 =	vadd.f32 v4, v2;
	v4 =	vmov s30  }
0x167: {  	v3 =	vand.u32 $0x7FFFFFFF, v3;
	v1 =	vsub.f32 v1, v6;
	v4 =	vshll.u32 v4, $0x4  }
0x168: {  	v2 =	vadd.f32 v3, v2;
	v3 =	vor.u32 v0, v4  }
0x169: {  	v1 =	vand.u32 $0x7FFFFFFF, v1  }
0x16a: {  	v1 =	vadd.f32 v1, v2;
	v2 =	vor.u32 $0x1, v3  }
0x16b: {  	s31 =	sadd.s32 $0x10, s29  }
0x16c: {  	[tilespmem:s31+$0x0] =	vst v1;
	v1 =	vor.u32 $0x2, v3  }
0x16d: {  	v4 =	vld.idx.msk [tilespmem:v3+s26+$0x0], $0xffff  }
0x16e: {  	v5 =	vor.u32 $0x3, v3  }
0x16f: {  	v2 =	vld.idx.msk [tilespmem:v2+s26+$0x0], $0xffff  }
0x170: {  	v6 =	vor.u32 $0x4, v3  }
0x171: {  	v1 =	vld.idx.msk [tilespmem:v1+s26+$0x0], $0xffff  }
0x172: {  	v7 =	vor.u32 $0x5, v3;
	v4 =	vadd.f32 $0.0e+00, v4  }
0x173: {  	v5 =	vld.idx.msk [tilespmem:v5+s26+$0x0], $0xffff  }
0x174: {  	v58 =	vor.u32 $0x6, v3;
	v2 =	vadd.f32 v2, v4  }
0x175: {  	v4 =	vld.idx.msk [tilespmem:v6+s26+$0x0], $0xffff  }
0x176: {  	v6 =	vor.u32 $0x7, v3;
	v1 =	vadd.f32 v1, v2  }
0x177: {  	v2 =	vld.idx.msk [tilespmem:v7+s26+$0x0], $0xffff  }
0x178: {  	v7 =	vor.u32 $0x8, v3;
	v1 =	vadd.f32 v5, v1  }
0x179: {  	v5 =	vld.idx.msk [tilespmem:v58+s26+$0x0], $0xffff  }
0x17a: {  	v59 =	vor.u32 $0x9, v3;
	v1 =	vadd.f32 v4, v1  }
0x17b: {  	v4 =	vld.idx.msk [tilespmem:v6+s26+$0x0], $0xffff  }
0x17c: {  	v6 =	vor.u32 $0xA, v3;
	v1 =	vadd.f32 v2, v1  }
0x17d: {  	v2 =	vld.idx.msk [tilespmem:v7+s26+$0x0], $0xffff  }
0x17e: {  	v7 =	vor.u32 $0xB, v3;
	v1 =	vadd.f32 v5, v1  }
0x17f: {  	v5 =	vld.idx.msk [tilespmem:v59+s26+$0x0], $0xffff  }
0x180: {  	v60 =	vor.u32 $0xC, v3;
	v1 =	vadd.f32 v4, v1  }
0x181: {  	v4 =	vld.idx.msk [tilespmem:v6+s26+$0x0], $0xffff  }
0x182: {  	v6 =	vor.u32 $0xD, v3;
	v1 =	vadd.f32 v2, v1  }
0x183: {  	v2 =	vld.idx.msk [tilespmem:v7+s26+$0x0], $0xffff  }
0x184: {  	v7 =	vor.u32 $0xE, v3;
	v1 =	vadd.f32 v5, v1  }
0x185: {  	v5 =	vld.idx.msk [tilespmem:v60+s26+$0x0], $0xffff  }
0x186: {  	v3 =	vor.u32 $0xF, v3;
	v1 =	vadd.f32 v4, v1  }
0x187: {  	v4 =	vld.idx.msk [tilespmem:v6+s26+$0x0], $0xffff  }
0x188: {  	v1 =	vadd.f32 v2, v1  }
0x189: {  	v2 =	vld.idx.msk [tilespmem:v7+s26+$0x0], $0xffff  }
0x18a: {  	v1 =	vadd.f32 v5, v1  }
0x18b: {  	s31 =	simm.s32 $0x10;
	v3 =	vld.idx.msk [tilespmem:v3+s26+$0x0], $0xffff  }
0x18c: {  	v5 =	vmov s31;
	v1 =	vadd.f32 v4, v1  }
0x18d: {  	v4 =	vshll.u32 v5, $0x4  }
0x18e: {  	v4 =	vor.u32 v0, v4;
	v1 =	vadd.f32 v2, v1;
	_ =	sdelay $0x1  }
0x18f: {  	v2 =	vor.u32 $0x1, v4;
	v1 =	vadd.f32 v3, v1  }
0x190: {  	s29 =	simm.s32 $0x1A600  }
0x191: {  	v3 =	vor.u32 $0x2, v4;
	[tilespmem:s29+$0x0] =	vst v1  }
0x192: {  	v1 =	vld.idx.msk [tilespmem:v4+s26+$0x0], $0xffff  }
0x193: {  	v5 =	vor.u32 $0x3, v4  }
0x194: {  	v2 =	vld.idx.msk [tilespmem:v2+s26+$0x0], $0xffff  }
0x195: {  	v6 =	vor.u32 $0x4, v4  }
0x196: {  	v3 =	vld.idx.msk [tilespmem:v3+s26+$0x0], $0xffff  }
0x197: {  	v7 =	vor.u32 $0x5, v4;
	v1 =	vadd.f32 $0.0e+00, v1  }
0x198: {  	v5 =	vld.idx.msk [tilespmem:v5+s26+$0x0], $0xffff  }
0x199: {  	v61 =	vor.u32 $0x6, v4;
	v1 =	vadd.f32 v2, v1  }
0x19a: {  	v2 =	vld.idx.msk [tilespmem:v6+s26+$0x0], $0xffff  }
0x19b: {  	v6 =	vor.u32 $0x7, v4;
	v1 =	vadd.f32 v3, v1  }
0x19c: {  	v3 =	vld.idx.msk [tilespmem:v7+s26+$0x0], $0xffff  }
0x19d: {  	v7 =	vor.u32 $0x8, v4;
	v1 =	vadd.f32 v5, v1  }
0x19e: {  	v5 =	vld.idx.msk [tilespmem:v61+s26+$0x0], $0xffff  }
0x19f: {  	v62 =	vor.u32 $0x9, v4;
	v1 =	vadd.f32 v2, v1  }
0x1a0: {  	v2 =	vld.idx.msk [tilespmem:v6+s26+$0x0], $0xffff  }
0x1a1: {  	v6 =	vor.u32 $0xA, v4;
	v1 =	vadd.f32 v3, v1  }
0x1a2: {  	v3 =	vld.idx.msk [tilespmem:v7+s26+$0x0], $0xffff  }
0x1a3: {  	v7 =	vor.u32 $0xB, v4;
	v1 =	vadd.f32 v5, v1  }
0x1a4: {  	v5 =	vld.idx.msk [tilespmem:v62+s26+$0x0], $0xffff  }
0x1a5: {  	v63 =	vor.u32 $0xC, v4;
	v1 =	vadd.f32 v2, v1  }
0x1a6: {  	v2 =	vld.idx.msk [tilespmem:v6+s26+$0x0], $0xffff  }
0x1a7: {  	v6 =	vor.u32 $0xD, v4;
	v1 =	vadd.f32 v3, v1  }
0x1a8: {  	v3 =	vld.idx.msk [tilespmem:v7+s26+$0x0], $0xffff  }
0x1a9: {  	v7 =	vor.u32 $0xE, v4;
	v1 =	vadd.f32 v5, v1  }
0x1aa: {  	v5 =	vld.idx.msk [tilespmem:v63+s26+$0x0], $0xffff  }
0x1ab: {  	v4 =	vor.u32 $0xF, v4;
	v1 =	vadd.f32 v2, v1  }
0x1ac: {  	v6 =	vld.idx.msk [tilespmem:v6+s26+$0x0], $0xffff  }
0x1ad: {  	v1 =	vadd.f32 v3, v1  }
0x1ae: {  	v2 =	vld.idx.msk [tilespmem:v7+s26+$0x0], $0xffff  }
0x1af: {  	v3 =	vadd.f32 v5, v1  }
0x1b0: {  	s31 =	simm.s32 $0x20;
	v1 =	vld.idx.msk [tilespmem:v4+s26+$0x0], $0xffff  }
0x1b1: {  	s30 =	simm.s32 $0x30;
	v4 =	vmov s31;
	v3 =	vadd.f32 v6, v3  }
.LBB2_10:
0x1b2: {  	p0 =	sne.s32 s30, $0x1F0;
	v4 =	vshll.u32 v4, $0x4  }
0x1b3: {  	v4 =	vor.u32 v0, v4;
	v2 =	vadd.f32 v2, v3;
	_ =	sdelay $0x1  }
0x1b4: {  	v3 =	vor.u32 $0x1, v4;
	v1 =	vadd.f32 v1, v2  }
0x1b5: {  	s29 =	sadd.s32 $0x10, s29  }
0x1b6: {  	v2 =	vor.u32 $0x2, v4;
	[tilespmem:s29+$0x0] =	vst v1  }
0x1b7: {  	v1 =	vld.idx.msk [tilespmem:v4+s26+$0x0], $0xffff  }
0x1b8: {  	v5 =	vor.u32 $0x3, v4  }
0x1b9: {  	v3 =	vld.idx.msk [tilespmem:v3+s26+$0x0], $0xffff  }
0x1ba: {  	v6 =	vor.u32 $0x4, v4  }
0x1bb: {  	v2 =	vld.idx.msk [tilespmem:v2+s26+$0x0], $0xffff  }
0x1bc: {  	v7 =	vor.u32 $0x5, v4  }
0x1bd: {  	v1 =	vadd.f32 $0.0e+00, v1;
	v5 =	vld.idx.msk [tilespmem:v5+s26+$0x0], $0xffff  }
0x1be: {  	v8 =	vor.u32 $0x6, v4  }
0x1bf: {  	v1 =	vadd.f32 v3, v1;
	v3 =	vld.idx.msk [tilespmem:v6+s26+$0x0], $0xffff  }
0x1c0: {  	v6 =	vor.u32 $0x7, v4  }
0x1c1: {  	v1 =	vadd.f32 v2, v1;
	v2 =	vld.idx.msk [tilespmem:v7+s26+$0x0], $0xffff  }
0x1c2: {  	v7 =	vor.u32 $0x8, v4  }
0x1c3: {  	v1 =	vadd.f32 v5, v1;
	v5 =	vld.idx.msk [tilespmem:v8+s26+$0x0], $0xffff  }
0x1c4: {  	v8 =	vor.u32 $0x9, v4  }
0x1c5: {  	v1 =	vadd.f32 v3, v1;
	v3 =	vld.idx.msk [tilespmem:v6+s26+$0x0], $0xffff  }
0x1c6: {  	v6 =	vor.u32 $0xA, v4  }
0x1c7: {  	v1 =	vadd.f32 v2, v1;
	v2 =	vld.idx.msk [tilespmem:v7+s26+$0x0], $0xffff  }
0x1c8: {  	v7 =	vor.u32 $0xB, v4  }
0x1c9: {  	v1 =	vadd.f32 v5, v1;
	v5 =	vld.idx.msk [tilespmem:v8+s26+$0x0], $0xffff  }
0x1ca: {  	v8 =	vor.u32 $0xC, v4  }
0x1cb: {  	v1 =	vadd.f32 v3, v1;
	v3 =	vld.idx.msk [tilespmem:v6+s26+$0x0], $0xffff  }
0x1cc: {  	v6 =	vor.u32 $0xD, v4  }
0x1cd: {  	v1 =	vadd.f32 v2, v1;
	v2 =	vld.idx.msk [tilespmem:v7+s26+$0x0], $0xffff  }
0x1ce: {  	v7 =	vor.u32 $0xE, v4  }
0x1cf: {  	v1 =	vadd.f32 v5, v1;
	v5 =	vld.idx.msk [tilespmem:v8+s26+$0x0], $0xffff  }
0x1d0: {  	v4 =	vor.u32 $0xF, v4  }
0x1d1: {  	v1 =	vadd.f32 v3, v1;
	v3 =	vld.idx.msk [tilespmem:v6+s26+$0x0], $0xffff;
	_ =	sdelay $0x1  }
.Ltmp4:
0x1d2: {  	v1 =	vadd.f32 v2, v1;
	v2 =	vld.idx.msk [tilespmem:v7+s26+$0x0], $0xffff;
	(pc) =	sbr.rel @p0 .LBB2_10-.Ltmp4, $3  }
0x1d3: {  	_ = 	snop  }
0x1d4: {  	v5 =	vadd.f32 v5, v1;
	v1 =	vld.idx.msk [tilespmem:v4+s26+$0x0], $0xffff;
	_ =	sdelay $0x1  }
0x1d5: {  	v4 =	vmov s30;
	s30 =	sadd.s32 $0x10, s30;
	v3 =	vadd.f32 v3, v5  }
0x1d6: {  	v4 =	vshll.u32 v4, $0x4  }
0x1d7: {  	v4 =	vor.u32 v0, v4;
	v2 =	vadd.f32 v2, v3;
	_ =	sdelay $0x1  }
0x1d8: {  	v3 =	vor.u32 $0x1, v4;
	v1 =	vadd.f32 v1, v2  }
0x1d9: {  	s5 =	sadd.s32 $0x10, s29  }
0x1da: {  	v2 =	vor.u32 $0x2, v4;
	[tilespmem:s5+$0x0] =	vst v1  }
0x1db: {  	v1 =	vld.idx.msk [tilespmem:v4+s26+$0x0], $0xffff  }
0x1dc: {  	v5 =	vor.u32 $0x3, v4  }
0x1dd: {  	v3 =	vld.idx.msk [tilespmem:v3+s26+$0x0], $0xffff  }
0x1de: {  	v6 =	vor.u32 $0x4, v4  }
0x1df: {  	v2 =	vld.idx.msk [tilespmem:v2+s26+$0x0], $0xffff  }
0x1e0: {  	v7 =	vor.u32 $0x5, v4;
	v1 =	vadd.f32 $0.0e+00, v1  }
0x1e1: {  	v5 =	vld.idx.msk [tilespmem:v5+s26+$0x0], $0xffff  }
0x1e2: {  	v8 =	vor.u32 $0x6, v4;
	v1 =	vadd.f32 v3, v1  }
0x1e3: {  	v3 =	vld.idx.msk [tilespmem:v6+s26+$0x0], $0xffff  }
0x1e4: {  	v6 =	vor.u32 $0x7, v4;
	v1 =	vadd.f32 v2, v1  }
0x1e5: {  	v2 =	vld.idx.msk [tilespmem:v7+s26+$0x0], $0xffff  }
0x1e6: {  	v7 =	vor.u32 $0x8, v4;
	v1 =	vadd.f32 v5, v1  }
0x1e7: {  	v5 =	vld.idx.msk [tilespmem:v8+s26+$0x0], $0xffff  }
0x1e8: {  	v8 =	vor.u32 $0x9, v4;
	v1 =	vadd.f32 v3, v1  }
0x1e9: {  	v3 =	vld.idx.msk [tilespmem:v6+s26+$0x0], $0xffff  }
0x1ea: {  	v6 =	vor.u32 $0xA, v4;
	v1 =	vadd.f32 v2, v1  }
0x1eb: {  	v2 =	vld.idx.msk [tilespmem:v7+s26+$0x0], $0xffff  }
0x1ec: {  	v7 =	vor.u32 $0xB, v4;
	v1 =	vadd.f32 v5, v1  }
0x1ed: {  	v5 =	vld.idx.msk [tilespmem:v8+s26+$0x0], $0xffff  }
0x1ee: {  	v8 =	vor.u32 $0xC, v4;
	v1 =	vadd.f32 v3, v1  }
0x1ef: {  	v3 =	vld.idx.msk [tilespmem:v6+s26+$0x0], $0xffff  }
0x1f0: {  	v6 =	vor.u32 $0xD, v4;
	v1 =	vadd.f32 v2, v1  }
0x1f1: {  	v2 =	vld.idx.msk [tilespmem:v7+s26+$0x0], $0xffff  }
0x1f2: {  	v7 =	vor.u32 $0xE, v4;
	v1 =	vadd.f32 v5, v1  }
0x1f3: {  	v5 =	vld.idx.msk [tilespmem:v8+s26+$0x0], $0xffff  }
0x1f4: {  	v4 =	vor.u32 $0xF, v4;
	v1 =	vadd.f32 v3, v1  }
0x1f5: {  	v3 =	vld.idx.msk [tilespmem:v6+s26+$0x0], $0xffff  }
0x1f6: {  	v1 =	vadd.f32 v2, v1  }
0x1f7: {  	v2 =	vld.idx.msk [tilespmem:v7+s26+$0x0], $0xffff  }
0x1f8: {  	v1 =	vadd.f32 v5, v1  }
0x1f9: {  	v4 =	vld.idx.msk [tilespmem:v4+s26+$0x0], $0xffff  }
0x1fa: {  	v1 =	vadd.f32 v3, v1;
	_ =	sdelay $0x1  }
0x1fb: {  	v1 =	vadd.f32 v2, v1;
	_ =	sdelay $0x1  }
0x1fc: {  	v1 =	vadd.f32 v4, v1  }
0x1fd: {  	s5 =	sadd.s32 $0x10, s5  }
0x1fe: {  	[tilespmem:s5+$0x0] =	vst v1;
	s5 =	simm.s32 $0x0  }
0x1ff: {  	[tilespmem:s5], [sflag:$0x2] =	stream.linear.gather [hbm4b:s8+s5], $0x200, $0x38;
	[tilespmem:$0x1AC00] =	vst v63  }
0x200: {  	_ =	swait.ge [sflag:s15], $0x200  }
0x201: {  	[sflag:s15] =	ssyncset.done $0x0  }
0x202: {  	[sflag:s15] =	ssyncadd.s32 $0xFFFFFE00  }
0x203: {  	[tilespmem:s16], [sflag:$0x2] =	stream.linear.gather [hbm4b:s9+s5], $0x200, $0x38;
	[tilespmem:$0x1AC00] =	vst v63  }
0x204: {  	_ =	swait.ge [sflag:s15], $0x200  }
0x205: {  	[sflag:s15] =	ssyncset.done $0x0  }
0x206: {  	[sflag:s15] =	ssyncadd.s32 $0xFFFFFE00  }
0x207: {  	[tilespmem:s17], [sflag:$0x2] =	stream.linear.gather [hbm4b:s10+s5], $0x200, $0x38;
	[tilespmem:$0x1AC00] =	vst v63  }
0x208: {  	_ =	swait.ge [sflag:s15], $0x200  }
0x209: {  	[sflag:s15] =	ssyncset.done $0x0  }
0x20a: {  	s29 =	simm.s32 $0x600;
	[sflag:s15] =	ssyncadd.s32 $0xFFFFFE00  }
0x20b: {  	[tilespmem:s29], [sflag:$0x1] =	stream.indirect.gather [hbm4b:s3+s18], $0x40, s5, s18, $0xb8;
	[tilespmem:$0x1AC00] =	vst v63  }
0x20c: {  	s5 =	simm.s32 $0x8600  }
0x20d: {  	[tilespmem:s5], [sflag:$0x1] =	stream.indirect.gather [hbm4b:s4+s18], $0x40, s16, s18, $0xb8;
	[tilespmem:$0x1AC00] =	vst v63  }
0x20e: {  	s5 =	simm.s32 $0x10600  }
0x20f: {  	[tilespmem:s5], [sflag:$0x1] =	stream.indirect.gather [hbm4b:s3+s18], $0x40, s17, s18, $0xb8;
	[tilespmem:$0x1AC00] =	vst v63  }
0x210: {  	s5 =	simm.s32 $0x2600  }
0x211: {  	[tilespmem:s5], [sflag:$0x1] =	stream.indirect.gather [hbm4b:s3+s18], $0x40, s18, s18, $0xb8;
	[tilespmem:$0x1AC00] =	vst v63  }
0x212: {  	s29 =	simm.s32 $0xA600;
	s5 =	simm.s32 $0x280  }
0x213: {  	[tilespmem:s29], [sflag:$0x1] =	stream.indirect.gather [hbm4b:s4+s18], $0x40, s5, s18, $0xb8;
	[tilespmem:$0x1AC00] =	vst v63  }
0x214: {  	s5 =	simm.s32 $0x480;
	s29 =	simm.s32 $0x12600  }
0x215: {  	[tilespmem:s29], [sflag:$0x1] =	stream.indirect.gather [hbm4b:s3+s18], $0x40, s5, s18, $0xb8;
	[tilespmem:$0x1AC00] =	vst v63  }
0x216: {  	s5 =	simm.s32 $0x100;
	s29 =	simm.s32 $0x4600  }
0x217: {  	[tilespmem:s29], [sflag:$0x1] =	stream.indirect.gather [hbm4b:s3+s18], $0x40, s5, s18, $0xb8;
	[tilespmem:$0x1AC00] =	vst v63  }
0x218: {  	s5 =	simm.s32 $0x300;
	s29 =	simm.s32 $0xC600  }
0x219: {  	[tilespmem:s29], [sflag:$0x1] =	stream.indirect.gather [hbm4b:s4+s18], $0x40, s5, s18, $0xb8;
	[tilespmem:$0x1AC00] =	vst v63  }
0x21a: {  	_ = 	snop  }
0x21b: {  	[tilespmem:s1], [sflag:$0x1] =	stream.indirect.gather [hbm4b:s3+s18], $0x40, s0, s18, $0xb8;
	[tilespmem:$0x1AC00] =	vst v63  }
0x21c: {  	_ = 	snop  }
0x21d: {  	[tilespmem:s20], [sflag:$0x1] =	stream.indirect.gather [hbm4b:s3+s18], $0x40, s19, s18, $0xb8;
	[tilespmem:$0x1AC00] =	vst v63  }
0x21e: {  	_ = 	snop  }
0x21f: {  	[tilespmem:s22], [sflag:$0x1] =	stream.indirect.gather [hbm4b:s4+s18], $0x40, s21, s18, $0xb8;
	[tilespmem:$0x1AC00] =	vst v63  }
0x220: {  	_ = 	snop  }
0x221: {  	[tilespmem:s24], [sflag:$0x1] =	stream.indirect.gather [hbm4b:s3+s18], $0x40, s23, s18, $0xb8;
	[tilespmem:$0x1AC00] =	vst v63  }
0x222: {  	_ =	swait.ge [sflag:s25], $0x2000  }
0x223: {  	[sflag:s25] =	ssyncset.done $0x0  }
0x224: {  	[sflag:s25] =	ssyncadd.s32 $0xFFFFE000  }
0x225: {  	_ =	swait.ge [sflag:s25], $0x2000  }
0x226: {  	[sflag:s25] =	ssyncset.done $0x0  }
0x227: {  	[sflag:s25] =	ssyncadd.s32 $0xFFFFE000  }
0x228: {  	_ =	swait.ge [sflag:s25], $0x2000  }
0x229: {  	[sflag:s25] =	ssyncset.done $0x0  }
0x22a: {  	[sflag:s25] =	ssyncadd.s32 $0xFFFFE000  }
0x22b: {  	_ =	swait.ge [sflag:s25], $0x2000  }
0x22c: {  	[sflag:s25] =	ssyncset.done $0x0  }
0x22d: {  	[sflag:s25] =	ssyncadd.s32 $0xFFFFE000  }
0x22e: {  	_ =	swait.ge [sflag:s25], $0x2000  }
0x22f: {  	[sflag:s25] =	ssyncset.done $0x0  }
0x230: {  	[sflag:s25] =	ssyncadd.s32 $0xFFFFE000  }
0x231: {  	_ =	swait.ge [sflag:s25], $0x2000  }
0x232: {  	[sflag:s25] =	ssyncset.done $0x0  }
0x233: {  	[sflag:s25] =	ssyncadd.s32 $0xFFFFE000  }
0x234: {  	_ =	swait.ge [sflag:s25], $0x2000  }
0x235: {  	[sflag:s25] =	ssyncset.done $0x0  }
0x236: {  	[sflag:s25] =	ssyncadd.s32 $0xFFFFE000  }
0x237: {  	_ =	swait.ge [sflag:s25], $0x2000  }
0x238: {  	[sflag:s25] =	ssyncset.done $0x0  }
0x239: {  	[sflag:s25] =	ssyncadd.s32 $0xFFFFE000  }
0x23a: {  	_ =	swait.ge [sflag:s25], $0x2000  }
0x23b: {  	[sflag:s25] =	ssyncset.done $0x0  }
0x23c: {  	[sflag:s25] =	ssyncadd.s32 $0xFFFFE000  }
0x23d: {  	_ =	swait.ge [sflag:s25], $0x2000  }
0x23e: {  	[sflag:s25] =	ssyncset.done $0x0  }
0x23f: {  	[sflag:s25] =	ssyncadd.s32 $0xFFFFE000  }
0x240: {  	_ =	swait.ge [sflag:s25], $0x2000  }
0x241: {  	[sflag:s25] =	ssyncset.done $0x0  }
0x242: {  	[sflag:s25] =	ssyncadd.s32 $0xFFFFE000  }
0x243: {  	_ =	swait.ge [sflag:s25], $0x2000  }
0x244: {  	[sflag:s25] =	ssyncset.done $0x0  }
0x245: {  	s29 =	simm.s32 $0x0;
	[sflag:s25] =	ssyncadd.s32 $0xFFFFE000  }
0x246: {  	v1 =	vld [tilespmem:s29+$0x630]  }
0x247: {  	v2 =	vld [tilespmem:s29+$0x10600]  }
0x248: {  	v3 =	vld [tilespmem:s29+$0x620]  }
0x249: {  	v4 =	vld [tilespmem:s29+$0x8600]  }
0x24a: {  	v5 =	vld [tilespmem:s29+$0x600]  }
0x24b: {  	v6 =	vld [tilespmem:s29+$0x610]  }
0x24c: {  	v7 =	vld [tilespmem:s29+$0x8610]  }
0x24d: {  	v8 =	vld [tilespmem:s29+$0x8620]  }
0x24e: {  	v9 =	vld [tilespmem:s29+$0x10610]  }
0x24f: {  	v10 =	vld [tilespmem:s29+$0x8630]  }
0x250: {  	v11 =	vld [tilespmem:s29+$0x10620]  }
0x251: {  	v4 =	vadd.f32 v4, v5;
	v5 =	vadd.f32 v7, v6  }
0x252: {  	v3 =	vadd.f32 v8, v3;
	v6 =	vld [tilespmem:s29+$0x10630]  }
0x253: {  	v2 =	vsub.f32 v4, v2;
	v4 =	vsub.f32 v5, v9  }
0x254: {  	v1 =	vadd.f32 v10, v1  }
0x255: {  	v3 =	vsub.f32 v3, v11;
	v2 =	vand.u32 $0x7FFFFFFF, v2;
	v4 =	vand.u32 $0x7FFFFFFF, v4  }
0x256: {  	v2 =	vadd.f32 v4, v2  }
0x257: {  	v3 =	vand.u32 $0x7FFFFFFF, v3;
	v1 =	vsub.f32 v1, v6  }
0x258: {  	v2 =	vadd.f32 v3, v2  }
0x259: {  	v1 =	vand.u32 $0x7FFFFFFF, v1  }
0x25a: {  	v1 =	vadd.f32 v1, v2  }
0x25b: {  	s30 =	simm.s32 $0x18600  }
0x25c: {  	s5 =	simm.s32 $0x40;
	[tilespmem:s30+$0x0] =	vst v1  }
0x25d: {  	v1 =	vld [tilespmem:s5+$0x630]  }
0x25e: {  	v2 =	vld [tilespmem:s5+$0x10600]  }
0x25f: {  	v3 =	vld [tilespmem:s5+$0x620]  }
0x260: {  	v4 =	vld [tilespmem:s5+$0x8600]  }
0x261: {  	v5 =	vld [tilespmem:s5+$0x600]  }
0x262: {  	s31 =	simm.s32 $0x200;
	v6 =	vld [tilespmem:s5+$0x610]  }
.LBB2_12:
0x263: {  	p0 =	sne.s32 s31, $0x7F00;
	v7 =	vld [tilespmem:s5+$0x8610]  }
0x264: {  	v8 =	vld [tilespmem:s5+$0x8620]  }
0x265: {  	v9 =	vld [tilespmem:s5+$0x10610]  }
0x266: {  	v10 =	vld [tilespmem:s5+$0x8630]  }
0x267: {  	v11 =	vld [tilespmem:s5+$0x10620]  }
0x268: {  	v4 =	vadd.f32 v4, v5;
	v5 =	vadd.f32 v7, v6  }
0x269: {  	v3 =	vadd.f32 v8, v3;
	v6 =	vld [tilespmem:s5+$0x10630]  }
0x26a: {  	v2 =	vsub.f32 v4, v2;
	v4 =	vsub.f32 v5, v9  }
0x26b: {  	v1 =	vadd.f32 v10, v1  }
0x26c: {  	v2 =	vand.u32 $0x7FFFFFFF, v2;
	v4 =	vand.u32 $0x7FFFFFFF, v4;
	v3 =	vsub.f32 v3, v11  }
0x26d: {  	v2 =	vadd.f32 v4, v2  }
0x26e: {  	v3 =	vand.u32 $0x7FFFFFFF, v3;
	v1 =	vsub.f32 v1, v6  }
0x26f: {  	v2 =	vadd.f32 v3, v2  }
0x270: {  	v1 =	vand.u32 $0x7FFFFFFF, v1  }
0x271: {  	v1 =	vadd.f32 v1, v2  }
0x272: {  	s30 =	sadd.s32 $0x10, s30  }
0x273: {  	s5 =	sshra.s32 s31, $0x2;
	[tilespmem:s30+$0x0] =	vst v1  }
0x274: {  	v1 =	vld [tilespmem:s5+$0x630]  }
.Ltmp5:
0x275: {  	v2 =	vld [tilespmem:s5+$0x10600];
	(pc) =	sbr.rel @p0 .LBB2_12-.Ltmp5, $4  }
0x276: {  	v3 =	vld [tilespmem:s5+$0x620]  }
0x277: {  	v4 =	vld [tilespmem:s5+$0x8600]  }
0x278: {  	v5 =	vld [tilespmem:s5+$0x600]  }
0x279: {  	s31 =	sadd.s32 $0x100, s31;
	v6 =	vld [tilespmem:s5+$0x610]  }
0x27a: {  	v7 =	vld [tilespmem:s5+$0x8610]  }
0x27b: {  	v8 =	vld [tilespmem:s5+$0x8620]  }
0x27c: {  	v9 =	vld [tilespmem:s5+$0x10610]  }
0x27d: {  	v10 =	vld [tilespmem:s5+$0x8630]  }
0x27e: {  	v11 =	vld [tilespmem:s5+$0x10620]  }
0x27f: {  	v4 =	vadd.f32 v4, v5;
	v5 =	vadd.f32 v7, v6  }
0x280: {  	v3 =	vadd.f32 v8, v3;
	v6 =	vld [tilespmem:s5+$0x10630]  }
0x281: {  	v2 =	vsub.f32 v4, v2;
	v4 =	vsub.f32 v5, v9  }
0x282: {  	v1 =	vadd.f32 v10, v1  }
0x283: {  	v2 =	vand.u32 $0x7FFFFFFF, v2;
	v3 =	vsub.f32 v3, v11;
	v4 =	vand.u32 $0x7FFFFFFF, v4  }
0x284: {  	v2 =	vadd.f32 v4, v2  }
0x285: {  	v3 =	vand.u32 $0x7FFFFFFF, v3;
	v1 =	vsub.f32 v1, v6  }
0x286: {  	v2 =	vadd.f32 v3, v2  }
0x287: {  	v1 =	vand.u32 $0x7FFFFFFF, v1  }
0x288: {  	v1 =	vadd.f32 v1, v2  }
0x289: {  	s31 =	sadd.s32 $0x10, s30  }
0x28a: {  	[tilespmem:s31+$0x0] =	vst v1  }
0x28b: {  	v1 =	vld [tilespmem:s29+$0x2630]  }
0x28c: {  	v2 =	vld [tilespmem:s29+$0x12600]  }
0x28d: {  	v3 =	vld [tilespmem:s29+$0x2620]  }
0x28e: {  	v4 =	vld [tilespmem:s29+$0xA600]  }
0x28f: {  	v5 =	vld [tilespmem:s29+$0x2600]  }
0x290: {  	v6 =	vld [tilespmem:s29+$0x2610]  }
0x291: {  	v7 =	vld [tilespmem:s29+$0xA610]  }
0x292: {  	v8 =	vld [tilespmem:s29+$0xA620]  }
0x293: {  	v61 =	vld [tilespmem:s29+$0x12610]  }
0x294: {  	v62 =	vld [tilespmem:s29+$0xA630]  }
0x295: {  	v63 =	vld [tilespmem:s29+$0x12620]  }
0x296: {  	v4 =	vadd.f32 v4, v5;
	v5 =	vadd.f32 v7, v6  }
0x297: {  	v3 =	vadd.f32 v8, v3;
	v6 =	vld [tilespmem:s29+$0x12630]  }
0x298: {  	v2 =	vsub.f32 v4, v2;
	v4 =	vsub.f32 v5, v61  }
0x299: {  	v1 =	vadd.f32 v62, v1  }
0x29a: {  	v3 =	vsub.f32 v3, v63;
	v2 =	vand.u32 $0x7FFFFFFF, v2;
	v4 =	vand.u32 $0x7FFFFFFF, v4  }
0x29b: {  	v2 =	vadd.f32 v4, v2  }
0x29c: {  	v3 =	vand.u32 $0x7FFFFFFF, v3;
	v1 =	vsub.f32 v1, v6  }
0x29d: {  	v2 =	vadd.f32 v3, v2  }
0x29e: {  	v1 =	vand.u32 $0x7FFFFFFF, v1  }
0x29f: {  	v1 =	vadd.f32 v1, v2  }
0x2a0: {  	s29 =	simm.s32 $0x18E00  }
0x2a1: {  	s5 =	simm.s32 $0x40;
	[tilespmem:s29+$0x0] =	vst v1  }
0x2a2: {  	v1 =	vld [tilespmem:s5+$0x2630]  }
0x2a3: {  	v2 =	vld [tilespmem:s5+$0x12600]  }
0x2a4: {  	v3 =	vld [tilespmem:s5+$0x2620]  }
0x2a5: {  	v4 =	vld [tilespmem:s5+$0xA600]  }
0x2a6: {  	v5 =	vld [tilespmem:s5+$0x2600]  }
0x2a7: {  	s30 =	simm.s32 $0x200;
	v6 =	vld [tilespmem:s5+$0x2610]  }
.LBB2_14:
0x2a8: {  	p0 =	sne.s32 s30, $0x7F00;
	v7 =	vld [tilespmem:s5+$0xA610]  }
0x2a9: {  	v8 =	vld [tilespmem:s5+$0xA620]  }
0x2aa: {  	v9 =	vld [tilespmem:s5+$0x12610]  }
0x2ab: {  	v10 =	vld [tilespmem:s5+$0xA630]  }
0x2ac: {  	v11 =	vld [tilespmem:s5+$0x12620]  }
0x2ad: {  	v4 =	vadd.f32 v4, v5;
	v5 =	vadd.f32 v7, v6  }
0x2ae: {  	v3 =	vadd.f32 v8, v3;
	v6 =	vld [tilespmem:s5+$0x12630]  }
0x2af: {  	v2 =	vsub.f32 v4, v2;
	v4 =	vsub.f32 v5, v9  }
0x2b0: {  	v1 =	vadd.f32 v10, v1  }
0x2b1: {  	v2 =	vand.u32 $0x7FFFFFFF, v2;
	v4 =	vand.u32 $0x7FFFFFFF, v4;
	v3 =	vsub.f32 v3, v11  }
0x2b2: {  	v2 =	vadd.f32 v4, v2  }
0x2b3: {  	v3 =	vand.u32 $0x7FFFFFFF, v3;
	v1 =	vsub.f32 v1, v6  }
0x2b4: {  	v2 =	vadd.f32 v3, v2  }
0x2b5: {  	v1 =	vand.u32 $0x7FFFFFFF, v1  }
0x2b6: {  	v1 =	vadd.f32 v1, v2  }
0x2b7: {  	s29 =	sadd.s32 $0x10, s29  }
0x2b8: {  	s5 =	sshra.s32 s30, $0x2;
	[tilespmem:s29+$0x0] =	vst v1  }
0x2b9: {  	v1 =	vld [tilespmem:s5+$0x2630]  }
.Ltmp6:
0x2ba: {  	v2 =	vld [tilespmem:s5+$0x12600];
	(pc) =	sbr.rel @p0 .LBB2_14-.Ltmp6, $4  }
0x2bb: {  	v3 =	vld [tilespmem:s5+$0x2620]  }
0x2bc: {  	v4 =	vld [tilespmem:s5+$0xA600]  }
0x2bd: {  	v5 =	vld [tilespmem:s5+$0x2600]  }
0x2be: {  	s30 =	sadd.s32 $0x100, s30;
	v6 =	vld [tilespmem:s5+$0x2610]  }
0x2bf: {  	v7 =	vld [tilespmem:s5+$0xA610]  }
0x2c0: {  	v8 =	vld [tilespmem:s5+$0xA620]  }
0x2c1: {  	v9 =	vld [tilespmem:s5+$0x12610]  }
0x2c2: {  	v10 =	vld [tilespmem:s5+$0xA630]  }
0x2c3: {  	v11 =	vld [tilespmem:s5+$0x12620]  }
0x2c4: {  	v4 =	vadd.f32 v4, v5;
	v5 =	vadd.f32 v7, v6  }
0x2c5: {  	v3 =	vadd.f32 v8, v3;
	v6 =	vld [tilespmem:s5+$0x12630]  }
0x2c6: {  	v2 =	vsub.f32 v4, v2;
	v4 =	vsub.f32 v5, v9  }
0x2c7: {  	v1 =	vadd.f32 v10, v1  }
0x2c8: {  	v2 =	vand.u32 $0x7FFFFFFF, v2;
	v3 =	vsub.f32 v3, v11;
	v4 =	vand.u32 $0x7FFFFFFF, v4  }
0x2c9: {  	v2 =	vadd.f32 v4, v2  }
0x2ca: {  	v3 =	vand.u32 $0x7FFFFFFF, v3;
	v1 =	vsub.f32 v1, v6  }
0x2cb: {  	v2 =	vadd.f32 v3, v2  }
0x2cc: {  	v1 =	vand.u32 $0x7FFFFFFF, v1  }
0x2cd: {  	v1 =	vadd.f32 v1, v2  }
0x2ce: {  	s5 =	sadd.s32 $0x10, s29  }
0x2cf: {  	s29 =	simm.s32 $0x0;
	[tilespmem:s5+$0x0] =	vst v1  }
0x2d0: {  	v1 =	vld [tilespmem:s29+$0x4630]  }
0x2d1: {  	v2 =	vld [tilespmem:s29+$0x14600]  }
0x2d2: {  	v3 =	vld [tilespmem:s29+$0x4620]  }
0x2d3: {  	v4 =	vld [tilespmem:s29+$0xC600]  }
0x2d4: {  	v5 =	vld [tilespmem:s29+$0x4600]  }
0x2d5: {  	v6 =	vld [tilespmem:s29+$0x4610]  }
0x2d6: {  	v7 =	vld [tilespmem:s29+$0xC610]  }
0x2d7: {  	v8 =	vld [tilespmem:s29+$0xC620]  }
0x2d8: {  	v61 =	vld [tilespmem:s29+$0x14610]  }
0x2d9: {  	v62 =	vld [tilespmem:s29+$0xC630]  }
0x2da: {  	v63 =	vld [tilespmem:s29+$0x14620]  }
0x2db: {  	v4 =	vadd.f32 v4, v5;
	v5 =	vadd.f32 v7, v6  }
0x2dc: {  	v3 =	vadd.f32 v8, v3;
	v6 =	vld [tilespmem:s29+$0x14630]  }
0x2dd: {  	v2 =	vsub.f32 v4, v2;
	v4 =	vsub.f32 v5, v61  }
0x2de: {  	v1 =	vadd.f32 v62, v1  }
0x2df: {  	v3 =	vsub.f32 v3, v63;
	v2 =	vand.u32 $0x7FFFFFFF, v2;
	v4 =	vand.u32 $0x7FFFFFFF, v4  }
0x2e0: {  	v2 =	vadd.f32 v4, v2  }
0x2e1: {  	v3 =	vand.u32 $0x7FFFFFFF, v3;
	v1 =	vsub.f32 v1, v6  }
0x2e2: {  	v2 =	vadd.f32 v3, v2  }
0x2e3: {  	v1 =	vand.u32 $0x7FFFFFFF, v1  }
0x2e4: {  	v1 =	vadd.f32 v1, v2  }
0x2e5: {  	s30 =	simm.s32 $0x19600  }
0x2e6: {  	s5 =	simm.s32 $0x40;
	[tilespmem:s30+$0x0] =	vst v1  }
0x2e7: {  	v1 =	vld [tilespmem:s5+$0x4630]  }
0x2e8: {  	v2 =	vld [tilespmem:s5+$0x14600]  }
0x2e9: {  	v3 =	vld [tilespmem:s5+$0x4620]  }
0x2ea: {  	v4 =	vld [tilespmem:s5+$0xC600]  }
0x2eb: {  	v5 =	vld [tilespmem:s5+$0x4600]  }
0x2ec: {  	s31 =	simm.s32 $0x200;
	v6 =	vld [tilespmem:s5+$0x4610]  }
.LBB2_16:
0x2ed: {  	p0 =	sne.s32 s31, $0x7F00;
	v7 =	vld [tilespmem:s5+$0xC610]  }
0x2ee: {  	v8 =	vld [tilespmem:s5+$0xC620]  }
0x2ef: {  	v9 =	vld [tilespmem:s5+$0x14610]  }
0x2f0: {  	v10 =	vld [tilespmem:s5+$0xC630]  }
0x2f1: {  	v11 =	vld [tilespmem:s5+$0x14620]  }
0x2f2: {  	v4 =	vadd.f32 v4, v5;
	v5 =	vadd.f32 v7, v6  }
0x2f3: {  	v3 =	vadd.f32 v8, v3;
	v6 =	vld [tilespmem:s5+$0x14630]  }
0x2f4: {  	v2 =	vsub.f32 v4, v2;
	v4 =	vsub.f32 v5, v9  }
0x2f5: {  	v1 =	vadd.f32 v10, v1  }
0x2f6: {  	v2 =	vand.u32 $0x7FFFFFFF, v2;
	v4 =	vand.u32 $0x7FFFFFFF, v4;
	v3 =	vsub.f32 v3, v11  }
0x2f7: {  	v2 =	vadd.f32 v4, v2  }
0x2f8: {  	v3 =	vand.u32 $0x7FFFFFFF, v3;
	v1 =	vsub.f32 v1, v6  }
0x2f9: {  	v2 =	vadd.f32 v3, v2  }
0x2fa: {  	v1 =	vand.u32 $0x7FFFFFFF, v1  }
0x2fb: {  	v1 =	vadd.f32 v1, v2  }
0x2fc: {  	s30 =	sadd.s32 $0x10, s30  }
0x2fd: {  	s5 =	sshra.s32 s31, $0x2;
	[tilespmem:s30+$0x0] =	vst v1  }
0x2fe: {  	v1 =	vld [tilespmem:s5+$0x4630]  }
.Ltmp7:
0x2ff: {  	v2 =	vld [tilespmem:s5+$0x14600];
	(pc) =	sbr.rel @p0 .LBB2_16-.Ltmp7, $4  }
0x300: {  	v3 =	vld [tilespmem:s5+$0x4620]  }
0x301: {  	v4 =	vld [tilespmem:s5+$0xC600]  }
0x302: {  	v5 =	vld [tilespmem:s5+$0x4600]  }
0x303: {  	s31 =	sadd.s32 $0x100, s31;
	v6 =	vld [tilespmem:s5+$0x4610]  }
0x304: {  	v7 =	vld [tilespmem:s5+$0xC610]  }
0x305: {  	v8 =	vld [tilespmem:s5+$0xC620]  }
0x306: {  	v9 =	vld [tilespmem:s5+$0x14610]  }
0x307: {  	v10 =	vld [tilespmem:s5+$0xC630]  }
0x308: {  	v11 =	vld [tilespmem:s5+$0x14620]  }
0x309: {  	v4 =	vadd.f32 v4, v5;
	v5 =	vadd.f32 v7, v6  }
0x30a: {  	v3 =	vadd.f32 v8, v3;
	v6 =	vld [tilespmem:s5+$0x14630]  }
0x30b: {  	v2 =	vsub.f32 v4, v2;
	v4 =	vsub.f32 v5, v9  }
0x30c: {  	v1 =	vadd.f32 v10, v1  }
0x30d: {  	v2 =	vand.u32 $0x7FFFFFFF, v2;
	v3 =	vsub.f32 v3, v11;
	v4 =	vand.u32 $0x7FFFFFFF, v4  }
0x30e: {  	v2 =	vadd.f32 v4, v2  }
0x30f: {  	v3 =	vand.u32 $0x7FFFFFFF, v3;
	v1 =	vsub.f32 v1, v6  }
0x310: {  	v2 =	vadd.f32 v3, v2  }
0x311: {  	v1 =	vand.u32 $0x7FFFFFFF, v1  }
0x312: {  	v1 =	vadd.f32 v1, v2  }
0x313: {  	s31 =	sadd.s32 $0x10, s30  }
0x314: {  	[tilespmem:s31+$0x0] =	vst v1  }
0x315: {  	v1 =	vld [tilespmem:s29+$0x6630]  }
0x316: {  	v2 =	vld [tilespmem:s29+$0x16600]  }
0x317: {  	v3 =	vld [tilespmem:s29+$0x6620]  }
0x318: {  	v4 =	vld [tilespmem:s29+$0xE600]  }
0x319: {  	v5 =	vld [tilespmem:s29+$0x6600]  }
0x31a: {  	v6 =	vld [tilespmem:s29+$0x6610]  }
0x31b: {  	v7 =	vld [tilespmem:s29+$0xE610]  }
0x31c: {  	v8 =	vld [tilespmem:s29+$0xE620]  }
0x31d: {  	v61 =	vld [tilespmem:s29+$0x16610]  }
0x31e: {  	v62 =	vld [tilespmem:s29+$0xE630]  }
0x31f: {  	v63 =	vld [tilespmem:s29+$0x16620]  }
0x320: {  	v4 =	vadd.f32 v4, v5;
	v5 =	vadd.f32 v7, v6  }
0x321: {  	v3 =	vadd.f32 v8, v3;
	v6 =	vld [tilespmem:s29+$0x16630]  }
0x322: {  	v2 =	vsub.f32 v4, v2;
	v4 =	vsub.f32 v5, v61  }
0x323: {  	v1 =	vadd.f32 v62, v1  }
0x324: {  	v3 =	vsub.f32 v3, v63;
	v2 =	vand.u32 $0x7FFFFFFF, v2;
	v4 =	vand.u32 $0x7FFFFFFF, v4  }
0x325: {  	v2 =	vadd.f32 v4, v2  }
0x326: {  	v3 =	vand.u32 $0x7FFFFFFF, v3;
	v1 =	vsub.f32 v1, v6  }
0x327: {  	v2 =	vadd.f32 v3, v2  }
0x328: {  	v1 =	vand.u32 $0x7FFFFFFF, v1  }
0x329: {  	v1 =	vadd.f32 v1, v2  }
0x32a: {  	s29 =	simm.s32 $0x19E00  }
0x32b: {  	s5 =	simm.s32 $0x40;
	[tilespmem:s29+$0x0] =	vst v1  }
0x32c: {  	v1 =	vld [tilespmem:s5+$0x6630]  }
0x32d: {  	v2 =	vld [tilespmem:s5+$0x16600]  }
0x32e: {  	v3 =	vld [tilespmem:s5+$0x6620]  }
0x32f: {  	v4 =	vld [tilespmem:s5+$0xE600]  }
0x330: {  	v5 =	vld [tilespmem:s5+$0x6600]  }
0x331: {  	s30 =	simm.s32 $0x200;
	v6 =	vld [tilespmem:s5+$0x6610]  }
.LBB2_18:
0x332: {  	p0 =	sne.s32 s30, $0x7F00;
	v7 =	vld [tilespmem:s5+$0xE610]  }
0x333: {  	v8 =	vld [tilespmem:s5+$0xE620]  }
0x334: {  	v9 =	vld [tilespmem:s5+$0x16610]  }
0x335: {  	v10 =	vld [tilespmem:s5+$0xE630]  }
0x336: {  	v11 =	vld [tilespmem:s5+$0x16620]  }
0x337: {  	v4 =	vadd.f32 v4, v5;
	v5 =	vadd.f32 v7, v6  }
0x338: {  	v3 =	vadd.f32 v8, v3;
	v6 =	vld [tilespmem:s5+$0x16630]  }
0x339: {  	v2 =	vsub.f32 v4, v2;
	v4 =	vsub.f32 v5, v9  }
0x33a: {  	v1 =	vadd.f32 v10, v1  }
0x33b: {  	v2 =	vand.u32 $0x7FFFFFFF, v2;
	v4 =	vand.u32 $0x7FFFFFFF, v4;
	v3 =	vsub.f32 v3, v11  }
0x33c: {  	v2 =	vadd.f32 v4, v2  }
0x33d: {  	v3 =	vand.u32 $0x7FFFFFFF, v3;
	v1 =	vsub.f32 v1, v6  }
0x33e: {  	v2 =	vadd.f32 v3, v2  }
0x33f: {  	v1 =	vand.u32 $0x7FFFFFFF, v1  }
0x340: {  	v1 =	vadd.f32 v1, v2  }
0x341: {  	s29 =	sadd.s32 $0x10, s29  }
0x342: {  	s5 =	sshra.s32 s30, $0x2;
	[tilespmem:s29+$0x0] =	vst v1  }
0x343: {  	v1 =	vld [tilespmem:s5+$0x6630]  }
.Ltmp8:
0x344: {  	v2 =	vld [tilespmem:s5+$0x16600];
	(pc) =	sbr.rel @p0 .LBB2_18-.Ltmp8, $4  }
0x345: {  	v3 =	vld [tilespmem:s5+$0x6620]  }
0x346: {  	v4 =	vld [tilespmem:s5+$0xE600]  }
0x347: {  	v5 =	vld [tilespmem:s5+$0x6600]  }
0x348: {  	s30 =	sadd.s32 $0x100, s30;
	v6 =	vld [tilespmem:s5+$0x6610]  }
0x349: {  	v7 =	vld [tilespmem:s5+$0xE610]  }
0x34a: {  	v8 =	vld [tilespmem:s5+$0xE620]  }
0x34b: {  	v9 =	vld [tilespmem:s5+$0x16610]  }
0x34c: {  	v10 =	vld [tilespmem:s5+$0xE630]  }
0x34d: {  	v11 =	vld [tilespmem:s5+$0x16620]  }
0x34e: {  	v4 =	vadd.f32 v4, v5;
	v5 =	vadd.f32 v7, v6  }
0x34f: {  	v3 =	vadd.f32 v8, v3;
	v6 =	vld [tilespmem:s5+$0x16630]  }
0x350: {  	v2 =	vsub.f32 v4, v2;
	v4 =	vsub.f32 v5, v9  }
0x351: {  	v1 =	vadd.f32 v10, v1  }
0x352: {  	s31 =	simm.s32 $0x0;
	v2 =	vand.u32 $0x7FFFFFFF, v2;
	v3 =	vsub.f32 v3, v11;
	v4 =	vand.u32 $0x7FFFFFFF, v4  }
0x353: {  	v2 =	vadd.f32 v4, v2;
	v4 =	vmov s31  }
0x354: {  	v3 =	vand.u32 $0x7FFFFFFF, v3;
	v1 =	vsub.f32 v1, v6;
	v4 =	vshll.u32 v4, $0x4  }
0x355: {  	v2 =	vadd.f32 v3, v2;
	v3 =	vor.u32 v0, v4  }
0x356: {  	v1 =	vand.u32 $0x7FFFFFFF, v1  }
0x357: {  	v1 =	vadd.f32 v1, v2;
	v2 =	vor.u32 $0x1, v3  }
0x358: {  	s31 =	sadd.s32 $0x10, s29  }
0x359: {  	[tilespmem:s31+$0x0] =	vst v1;
	v1 =	vor.u32 $0x2, v3  }
0x35a: {  	v4 =	vld.idx.msk [tilespmem:v3+s26+$0x0], $0xffff  }
0x35b: {  	v5 =	vor.u32 $0x3, v3  }
0x35c: {  	v2 =	vld.idx.msk [tilespmem:v2+s26+$0x0], $0xffff  }
0x35d: {  	v6 =	vor.u32 $0x4, v3  }
0x35e: {  	v1 =	vld.idx.msk [tilespmem:v1+s26+$0x0], $0xffff  }
0x35f: {  	v7 =	vor.u32 $0x5, v3;
	v4 =	vadd.f32 $0.0e+00, v4  }
0x360: {  	v5 =	vld.idx.msk [tilespmem:v5+s26+$0x0], $0xffff  }
0x361: {  	v58 =	vor.u32 $0x6, v3;
	v2 =	vadd.f32 v2, v4  }
0x362: {  	v4 =	vld.idx.msk [tilespmem:v6+s26+$0x0], $0xffff  }
0x363: {  	v6 =	vor.u32 $0x7, v3;
	v1 =	vadd.f32 v1, v2  }
0x364: {  	v2 =	vld.idx.msk [tilespmem:v7+s26+$0x0], $0xffff  }
0x365: {  	v7 =	vor.u32 $0x8, v3;
	v1 =	vadd.f32 v5, v1  }
0x366: {  	v5 =	vld.idx.msk [tilespmem:v58+s26+$0x0], $0xffff  }
0x367: {  	v59 =	vor.u32 $0x9, v3;
	v1 =	vadd.f32 v4, v1  }
0x368: {  	v4 =	vld.idx.msk [tilespmem:v6+s26+$0x0], $0xffff  }
0x369: {  	v6 =	vor.u32 $0xA, v3;
	v1 =	vadd.f32 v2, v1  }
0x36a: {  	v2 =	vld.idx.msk [tilespmem:v7+s26+$0x0], $0xffff  }
0x36b: {  	v7 =	vor.u32 $0xB, v3;
	v1 =	vadd.f32 v5, v1  }
0x36c: {  	v5 =	vld.idx.msk [tilespmem:v59+s26+$0x0], $0xffff  }
0x36d: {  	v60 =	vor.u32 $0xC, v3;
	v1 =	vadd.f32 v4, v1  }
0x36e: {  	v4 =	vld.idx.msk [tilespmem:v6+s26+$0x0], $0xffff  }
0x36f: {  	v6 =	vor.u32 $0xD, v3;
	v1 =	vadd.f32 v2, v1  }
0x370: {  	v2 =	vld.idx.msk [tilespmem:v7+s26+$0x0], $0xffff  }
0x371: {  	v7 =	vor.u32 $0xE, v3;
	v1 =	vadd.f32 v5, v1  }
0x372: {  	v5 =	vld.idx.msk [tilespmem:v60+s26+$0x0], $0xffff  }
0x373: {  	v3 =	vor.u32 $0xF, v3;
	v1 =	vadd.f32 v4, v1  }
0x374: {  	v4 =	vld.idx.msk [tilespmem:v6+s26+$0x0], $0xffff  }
0x375: {  	v1 =	vadd.f32 v2, v1  }
0x376: {  	v2 =	vld.idx.msk [tilespmem:v7+s26+$0x0], $0xffff  }
0x377: {  	v1 =	vadd.f32 v5, v1  }
0x378: {  	s31 =	simm.s32 $0x10;
	v3 =	vld.idx.msk [tilespmem:v3+s26+$0x0], $0xffff  }
0x379: {  	v5 =	vmov s31;
	v1 =	vadd.f32 v4, v1  }
0x37a: {  	v4 =	vshll.u32 v5, $0x4  }
0x37b: {  	v4 =	vor.u32 v0, v4;
	v1 =	vadd.f32 v2, v1;
	_ =	sdelay $0x1  }
0x37c: {  	v2 =	vor.u32 $0x1, v4;
	v1 =	vadd.f32 v3, v1  }
0x37d: {  	s29 =	simm.s32 $0x1A800  }
0x37e: {  	v3 =	vor.u32 $0x2, v4;
	[tilespmem:s29+$0x0] =	vst v1  }
0x37f: {  	v1 =	vld.idx.msk [tilespmem:v4+s26+$0x0], $0xffff  }
0x380: {  	v5 =	vor.u32 $0x3, v4  }
0x381: {  	v2 =	vld.idx.msk [tilespmem:v2+s26+$0x0], $0xffff  }
0x382: {  	v6 =	vor.u32 $0x4, v4  }
0x383: {  	v3 =	vld.idx.msk [tilespmem:v3+s26+$0x0], $0xffff  }
0x384: {  	v7 =	vor.u32 $0x5, v4;
	v1 =	vadd.f32 $0.0e+00, v1  }
0x385: {  	v5 =	vld.idx.msk [tilespmem:v5+s26+$0x0], $0xffff  }
0x386: {  	v61 =	vor.u32 $0x6, v4;
	v1 =	vadd.f32 v2, v1  }
0x387: {  	v2 =	vld.idx.msk [tilespmem:v6+s26+$0x0], $0xffff  }
0x388: {  	v6 =	vor.u32 $0x7, v4;
	v1 =	vadd.f32 v3, v1  }
0x389: {  	v3 =	vld.idx.msk [tilespmem:v7+s26+$0x0], $0xffff  }
0x38a: {  	v7 =	vor.u32 $0x8, v4;
	v1 =	vadd.f32 v5, v1  }
0x38b: {  	v5 =	vld.idx.msk [tilespmem:v61+s26+$0x0], $0xffff  }
0x38c: {  	v62 =	vor.u32 $0x9, v4;
	v1 =	vadd.f32 v2, v1  }
0x38d: {  	v2 =	vld.idx.msk [tilespmem:v6+s26+$0x0], $0xffff  }
0x38e: {  	v6 =	vor.u32 $0xA, v4;
	v1 =	vadd.f32 v3, v1  }
0x38f: {  	v3 =	vld.idx.msk [tilespmem:v7+s26+$0x0], $0xffff  }
0x390: {  	v7 =	vor.u32 $0xB, v4;
	v1 =	vadd.f32 v5, v1  }
0x391: {  	v5 =	vld.idx.msk [tilespmem:v62+s26+$0x0], $0xffff  }
0x392: {  	v63 =	vor.u32 $0xC, v4;
	v1 =	vadd.f32 v2, v1  }
0x393: {  	v2 =	vld.idx.msk [tilespmem:v6+s26+$0x0], $0xffff  }
0x394: {  	v6 =	vor.u32 $0xD, v4;
	v1 =	vadd.f32 v3, v1  }
0x395: {  	v3 =	vld.idx.msk [tilespmem:v7+s26+$0x0], $0xffff  }
0x396: {  	v7 =	vor.u32 $0xE, v4;
	v1 =	vadd.f32 v5, v1  }
0x397: {  	v5 =	vld.idx.msk [tilespmem:v63+s26+$0x0], $0xffff  }
0x398: {  	v4 =	vor.u32 $0xF, v4;
	v1 =	vadd.f32 v2, v1  }
0x399: {  	v6 =	vld.idx.msk [tilespmem:v6+s26+$0x0], $0xffff  }
0x39a: {  	v1 =	vadd.f32 v3, v1  }
0x39b: {  	v2 =	vld.idx.msk [tilespmem:v7+s26+$0x0], $0xffff  }
0x39c: {  	v3 =	vadd.f32 v5, v1  }
0x39d: {  	s31 =	simm.s32 $0x20;
	v1 =	vld.idx.msk [tilespmem:v4+s26+$0x0], $0xffff  }
0x39e: {  	s30 =	simm.s32 $0x30;
	v4 =	vmov s31;
	v3 =	vadd.f32 v6, v3  }
.LBB2_20:
0x39f: {  	p0 =	sne.s32 s30, $0x1F0;
	v4 =	vshll.u32 v4, $0x4  }
0x3a0: {  	v4 =	vor.u32 v0, v4;
	v2 =	vadd.f32 v2, v3;
	_ =	sdelay $0x1  }
0x3a1: {  	v3 =	vor.u32 $0x1, v4;
	v1 =	vadd.f32 v1, v2  }
0x3a2: {  	s29 =	sadd.s32 $0x10, s29  }
0x3a3: {  	v2 =	vor.u32 $0x2, v4;
	[tilespmem:s29+$0x0] =	vst v1  }
0x3a4: {  	v1 =	vld.idx.msk [tilespmem:v4+s26+$0x0], $0xffff  }
0x3a5: {  	v5 =	vor.u32 $0x3, v4  }
0x3a6: {  	v3 =	vld.idx.msk [tilespmem:v3+s26+$0x0], $0xffff  }
0x3a7: {  	v6 =	vor.u32 $0x4, v4  }
0x3a8: {  	v2 =	vld.idx.msk [tilespmem:v2+s26+$0x0], $0xffff  }
0x3a9: {  	v7 =	vor.u32 $0x5, v4  }
0x3aa: {  	v1 =	vadd.f32 $0.0e+00, v1;
	v5 =	vld.idx.msk [tilespmem:v5+s26+$0x0], $0xffff  }
0x3ab: {  	v8 =	vor.u32 $0x6, v4  }
0x3ac: {  	v1 =	vadd.f32 v3, v1;
	v3 =	vld.idx.msk [tilespmem:v6+s26+$0x0], $0xffff  }
0x3ad: {  	v6 =	vor.u32 $0x7, v4  }
0x3ae: {  	v1 =	vadd.f32 v2, v1;
	v2 =	vld.idx.msk [tilespmem:v7+s26+$0x0], $0xffff  }
0x3af: {  	v7 =	vor.u32 $0x8, v4  }
0x3b0: {  	v1 =	vadd.f32 v5, v1;
	v5 =	vld.idx.msk [tilespmem:v8+s26+$0x0], $0xffff  }
0x3b1: {  	v8 =	vor.u32 $0x9, v4  }
0x3b2: {  	v1 =	vadd.f32 v3, v1;
	v3 =	vld.idx.msk [tilespmem:v6+s26+$0x0], $0xffff  }
0x3b3: {  	v6 =	vor.u32 $0xA, v4  }
0x3b4: {  	v1 =	vadd.f32 v2, v1;
	v2 =	vld.idx.msk [tilespmem:v7+s26+$0x0], $0xffff  }
0x3b5: {  	v7 =	vor.u32 $0xB, v4  }
0x3b6: {  	v1 =	vadd.f32 v5, v1;
	v5 =	vld.idx.msk [tilespmem:v8+s26+$0x0], $0xffff  }
0x3b7: {  	v8 =	vor.u32 $0xC, v4  }
0x3b8: {  	v1 =	vadd.f32 v3, v1;
	v3 =	vld.idx.msk [tilespmem:v6+s26+$0x0], $0xffff  }
0x3b9: {  	v6 =	vor.u32 $0xD, v4  }
0x3ba: {  	v1 =	vadd.f32 v2, v1;
	v2 =	vld.idx.msk [tilespmem:v7+s26+$0x0], $0xffff  }
0x3bb: {  	v7 =	vor.u32 $0xE, v4  }
0x3bc: {  	v1 =	vadd.f32 v5, v1;
	v5 =	vld.idx.msk [tilespmem:v8+s26+$0x0], $0xffff  }
0x3bd: {  	v4 =	vor.u32 $0xF, v4  }
0x3be: {  	v1 =	vadd.f32 v3, v1;
	v3 =	vld.idx.msk [tilespmem:v6+s26+$0x0], $0xffff;
	_ =	sdelay $0x1  }
.Ltmp9:
0x3bf: {  	v1 =	vadd.f32 v2, v1;
	v2 =	vld.idx.msk [tilespmem:v7+s26+$0x0], $0xffff;
	(pc) =	sbr.rel @p0 .LBB2_20-.Ltmp9, $3  }
0x3c0: {  	_ = 	snop  }
0x3c1: {  	v5 =	vadd.f32 v5, v1;
	v1 =	vld.idx.msk [tilespmem:v4+s26+$0x0], $0xffff;
	_ =	sdelay $0x1  }
0x3c2: {  	v4 =	vmov s30;
	s30 =	sadd.s32 $0x10, s30;
	v3 =	vadd.f32 v3, v5  }
0x3c3: {  	v4 =	vshll.u32 v4, $0x4  }
0x3c4: {  	v4 =	vor.u32 v0, v4;
	v2 =	vadd.f32 v2, v3;
	_ =	sdelay $0x1  }
0x3c5: {  	v3 =	vor.u32 $0x1, v4;
	v1 =	vadd.f32 v1, v2  }
0x3c6: {  	s5 =	sadd.s32 $0x10, s29  }
0x3c7: {  	v2 =	vor.u32 $0x2, v4;
	[tilespmem:s5+$0x0] =	vst v1  }
0x3c8: {  	v1 =	vld.idx.msk [tilespmem:v4+s26+$0x0], $0xffff  }
0x3c9: {  	v5 =	vor.u32 $0x3, v4  }
0x3ca: {  	v3 =	vld.idx.msk [tilespmem:v3+s26+$0x0], $0xffff  }
0x3cb: {  	v6 =	vor.u32 $0x4, v4  }
0x3cc: {  	v2 =	vld.idx.msk [tilespmem:v2+s26+$0x0], $0xffff  }
0x3cd: {  	v7 =	vor.u32 $0x5, v4;
	v1 =	vadd.f32 $0.0e+00, v1  }
0x3ce: {  	v5 =	vld.idx.msk [tilespmem:v5+s26+$0x0], $0xffff  }
0x3cf: {  	v8 =	vor.u32 $0x6, v4;
	v1 =	vadd.f32 v3, v1  }
0x3d0: {  	v3 =	vld.idx.msk [tilespmem:v6+s26+$0x0], $0xffff  }
0x3d1: {  	v56 =	vor.u32 $0x7, v4;
	v1 =	vadd.f32 v2, v1  }
0x3d2: {  	v2 =	vld.idx.msk [tilespmem:v7+s26+$0x0], $0xffff  }
0x3d3: {  	v57 =	vor.u32 $0x8, v4;
	v1 =	vadd.f32 v5, v1  }
0x3d4: {  	v5 =	vld.idx.msk [tilespmem:v8+s26+$0x0], $0xffff  }
0x3d5: {  	v58 =	vor.u32 $0x9, v4;
	v1 =	vadd.f32 v3, v1  }
0x3d6: {  	v3 =	vld.idx.msk [tilespmem:v56+s26+$0x0], $0xffff  }
0x3d7: {  	v59 =	vor.u32 $0xA, v4;
	v1 =	vadd.f32 v2, v1  }
0x3d8: {  	v2 =	vld.idx.msk [tilespmem:v57+s26+$0x0], $0xffff  }
0x3d9: {  	v60 =	vor.u32 $0xB, v4;
	v1 =	vadd.f32 v5, v1  }
0x3da: {  	v5 =	vld.idx.msk [tilespmem:v58+s26+$0x0], $0xffff  }
0x3db: {  	v61 =	vor.u32 $0xC, v4;
	v1 =	vadd.f32 v3, v1  }
0x3dc: {  	v3 =	vld.idx.msk [tilespmem:v59+s26+$0x0], $0xffff  }
0x3dd: {  	v62 =	vor.u32 $0xD, v4;
	v1 =	vadd.f32 v2, v1  }
0x3de: {  	v2 =	vld.idx.msk [tilespmem:v60+s26+$0x0], $0xffff  }
0x3df: {  	v63 =	vor.u32 $0xE, v4;
	v1 =	vadd.f32 v5, v1  }
0x3e0: {  	v5 =	vld.idx.msk [tilespmem:v61+s26+$0x0], $0xffff  }
0x3e1: {  	v4 =	vor.u32 $0xF, v4;
	v1 =	vadd.f32 v3, v1  }
0x3e2: {  	v3 =	vld.idx.msk [tilespmem:v62+s26+$0x0], $0xffff  }
0x3e3: {  	v1 =	vadd.f32 v2, v1  }
0x3e4: {  	v2 =	vld.idx.msk [tilespmem:v63+s26+$0x0], $0xffff  }
0x3e5: {  	v1 =	vadd.f32 v5, v1  }
0x3e6: {  	v4 =	vld.idx.msk [tilespmem:v4+s26+$0x0], $0xffff  }
0x3e7: {  	v1 =	vadd.f32 v3, v1;
	_ =	sdelay $0x1  }
0x3e8: {  	v1 =	vadd.f32 v2, v1;
	_ =	sdelay $0x1  }
0x3e9: {  	v1 =	vadd.f32 v4, v1  }
0x3ea: {  	s5 =	sadd.s32 $0x10, s5  }
0x3eb: {  	[tilespmem:s5+$0x0] =	vst v1;
	s5 =	simm.s32 $0x0  }
0x3ec: {  	v1 =	vld [tilespmem:s5+$0x1A600]  }
0x3ed: {  	v2 =	vld [tilespmem:s5+$0x1A800];
	_ =	sdelay $0x4  }
0x3ee: {  	s29 =	simm.s32 $0x10;
	v1 =	vsub.f32 v1, v2  }
0x3ef: {  	v2 =	vld [tilespmem:s29+$0x1A800]  }
0x3f0: {  	v3 =	vadd.f32 $1.000000000e+00, v1;
	v1 =	vld [tilespmem:s29+$0x1A600];
	_ =	sdelay $0x2  }
0x3f1: {  	s30 =	simm.s32 $0x80;
	v3 =	vmax.f32 v3, $0.0e+00  }
.LBB2_22:
0x3f2: {  	[tilespmem:s5+$0x1AA00] =	vst v3;
	s5 =	smov.u32 s29;
	s29 =	sshra.s32 s30, $0x2;
	p0 =	sne.s32 s30, $0x7C0  }
.Ltmp10:
0x3f3: {  	s30 =	sadd.s32 $0x40, s30;
	v3 =	vsub.f32 v1, v2;
	v1 =	vld [tilespmem:s29+$0x1A600];
	(pc) =	sbr.rel @p0 .LBB2_22-.Ltmp10, $3  }
0x3f4: {  	v2 =	vld [tilespmem:s29+$0x1A800]  }
0x3f5: {  	v3 =	vadd.f32 $1.000000000e+00, v3;
	_ =	sdelay $0x1  }
0x3f6: {  	v3 =	vmax.f32 v3, $0.0e+00  }
0x3f7: {  	_ = 	snop  }
0x3f8: {  	v1 =	vsub.f32 v1, v2;
	_ =	sdelay $0x1  }
0x3f9: {  	v1 =	vadd.f32 $1.000000000e+00, v1;
	_ =	sdelay $0x1  }
0x3fa: {  	[tilespmem:s5+$0x1AA00] =	vst v3;
	v1 =	vmax.f32 v1, $0.0e+00  }
0x3fb: {  	[tilespmem:s29+$0x1AA00] =	vst v1;
	s29 =	simm.s32 $0x1AA00  }
0x3fc: {  	[hbm4b:s11+s2] =	stream.linear.scatter [tilespmem:s29], [sflag:$0x2], $0x200, $0x38;
	[tilespmem:$0x1AC00] =	vst v63  }
0x3fd: {  	_ =	swait.ge [sflag:s15], $0x200  }
0x3fe: {  	[sflag:s15] =	ssyncset.done $0x0  }
0x3ff: {  	s30 =	simm.s32 $0x1A600;
	[sflag:s15] =	ssyncadd.s32 $0xFFFFFE00  }
0x400: {  	[hbm4b:s12+s2] =	stream.linear.scatter [tilespmem:s30], [sflag:$0x2], $0x200, $0x38;
	[tilespmem:$0x1AC00] =	vst v63  }
0x401: {  	s28 =	sadd.s32 $0x1, s28;
	_ =	swait.ge [sflag:s15], $0x200  }
0x402: {  	p0 =	sne.s32 s28, s14;
	[sflag:s15] =	ssyncset.done $0x0  }
.Ltmp11:
0x403: {  	s31 =	simm.s32 $0x1A800;
	[sflag:s15] =	ssyncadd.s32 $0xFFFFFE00;
	(pc) =	sbr.rel @p0 .LBB2_1-.Ltmp11, $4  }
0x404: {  	[hbm4b:s13+s2] =	stream.linear.scatter [tilespmem:s31], [sflag:$0x2], $0x200, $0x38;
	[tilespmem:$0x1AC00] =	vst v63  }
0x405: {  	_ =	swait.ge [sflag:s15], $0x200  }
0x406: {  	[sflag:s15] =	ssyncset.done $0x0  }
0x407: {  	[sflag:s15] =	ssyncadd.s32 $0xFFFFFE00  }
0x408: {  	_ =	sfence.sel $0x180000  }
0x409: {  	[bflag:$0x0] =	sbarrier.arrive $0xFFFF  }
0x40a: {  	_ =	strace $0x90000047  }
0x40b: {  	s0 =	stileid.u32;
	[bflag:$0x2] =	sbarrier.arrive $0xFFFF  }
0x40c: {  	p0 =	sne.s32 s0, $0x0;
	s0 =	rddreg [dreg:$0x4]  }
0x40d: {  	s0 =	sadd.s32 @!p0 $0x100000, s0  }
0x40e: {  	[sflag:s0] =	ssyncadd.tile.s32 @!p0 $0x1;
	_ =	shalt  }
.Lfunc_end2:
_tile_overlayer_lowered:
.L_overlay_start_2:
0x40f: {  	(tag) =	ssettag $0x2  }
0x410: {  	s0 =	rddreg [dreg:$0x0];
	s2 =	stileid.u32  }
0x411: {  	s1 =	rddreg [dreg:$0x1];
	p0 =	sne.s32 s2, $0x0  }
0x412: {  	s3 =	rddreg [dreg:$0x2];
	[bflag:$0x3] =	sbarrier.arrive $0xFFFF;
	s2 =	simm.s32 @!p0 $0x1C02  }
0x413: {  	[timem:s3], [sflag:s2] =	dma.local @!p0 [hbm:s0], s1  }
0x414: {  	s0 =	simm.s32 @!p0 $0x2  }
0x415: {  	_ =	swait.ge @!p0 [sflag:s0], s1  }
0x416: {  	s1 =	ssub.s32 @!p0 $0x0, s1;
	[sflag:s0] =	ssyncset.done @!p0 $0x0  }
0x417: {  	[sflag:s0] =	ssyncadd.s32 @!p0 s1  }
0x418: {  	[bflag:$0x3] =	sbarrier.arrive $0xFFFF  }
0x419: {  	_ =	shalt  }

</sc_bundles>
